<compile_context>
chip_gen: v7x
topology: tpu7x:2x2x1
jax: 0.10.2.dev20260603
libtpu: 0.0.44.dev20260713+nightly
codegen_flags: <defaults>
</compile_context>

<pallas_src>
import functools

import jax
import jax.numpy as jnp
from jax import lax
from jax.experimental import pallas as pl
from jax.experimental.pallas import tpu as pltpu
from jax.experimental.pallas import tpu_sc as plsc

HIDDEN = 1024
TOTAL_ROWS = 4 * 8192
NUM_WORKERS = 32
ROWS_PER_WORKER = TOTAL_ROWS // NUM_WORKERS
NLISTS = 3
B = 32
NB_MAX = ROWS_PER_WORKER // B + 1

_mesh = plsc.VectorSubcoreMesh(core_axis_name="c", subcore_axis_name="s")


@functools.partial(
    pl.kernel,
    mesh=_mesh,
    out_type=jax.ShapeDtypeStruct((TOTAL_ROWS, HIDDEN), jnp.float32),
    compiler_params=pltpu.CompilerParams(needs_layout_passes=False),
    scratch_types=[
        pltpu.VMEM((ROWS_PER_WORKER,), jnp.int32),
        pltpu.VMEM((NB_MAX, B), jnp.int32),
        pltpu.VMEM((NB_MAX, B), jnp.int32),
        pltpu.VMEM((NB_MAX, B), jnp.int32),
        pltpu.VMEM((NLISTS, HIDDEN), jnp.float32),
        pltpu.VMEM((NLISTS * B, HIDDEN), jnp.float32),
        pltpu.SemaphoreType.DMA,
    ],
)
def _scatter_kernel(idx_hbm, table_hbm, out_hbm, idx_v, pos0_v,
                    pos1_v, pos2_v, tbuf_v, rep_v, sem):
    pos_refs = (pos0_v, pos1_v, pos2_v)
    wid = lax.axis_index("s") * 2 + lax.axis_index("c")
    base = wid * ROWS_PER_WORKER
    lanes = lax.iota(jnp.int32, 16)

    pltpu.sync_copy(table_hbm, tbuf_v)
    pltpu.sync_copy(idx_hbm.at[pl.ds(base, ROWS_PER_WORKER)], idx_v)

    @pl.loop(0, HIDDEN // 16)
    def _(j):
        sl = pl.ds(j * 16, 16)
        for t in range(NLISTS):
            w = tbuf_v[t, sl]
            for k in range(B):
                rep_v[t * B + k, sl] = w

    def comp(i, carry):
        idx16 = idx_v[pl.ds(i * 16, 16)]
        pos16 = base + i * 16 + lanes
        c0, c1 = carry
        m0 = idx16 == 0
        m1 = idx16 == 1
        s0 = c0 + plsc.cumsum(m0.astype(jnp.int32))
        s1 = c1 + plsc.cumsum(m1.astype(jnp.int32))
        s2 = i * 16 + lanes + 1 - s0 - s1
        for t, (m, s) in enumerate(((m0, s0), (m1, s1), (None, s2))):
            slots = s - 1
            plsc.store_scatter(
                pos_refs[t], [slots // B, slots % B], pos16,
                mask=(idx16 >= 2) if m is None else m,
            )
        return (
            c0 + plsc.all_reduce_population_count(m0),
            c1 + plsc.all_reduce_population_count(m1),
        )

    zero16 = jnp.zeros((16,), jnp.int32)
    counts_vec = lax.fori_loop(
        0, ROWS_PER_WORKER // 16, comp, (zero16, zero16), unroll=4
    )
    counts = (
        counts_vec[0][0],
        counts_vec[1][0],
        ROWS_PER_WORKER - counts_vec[0][0] - counts_vec[1][0],
    )

    nbatches = []
    for t in range(NLISTS):
        ct = counts[t]
        first16 = pos_refs[t][0, pl.ds(0, 16)]
        pad16 = jnp.zeros((16,), jnp.int32) + jnp.sum(
            jnp.where(lanes == 0, first16, 0)
        )
        for half in range(B // 16):
            slots = ct + half * 16 + lanes
            plsc.store_scatter(
                pos_refs[t], [slots // B, slots % B], pad16
            )
        nbatches.append((ct + B - 1) // B)


    for t in range(NLISTS):
        def fire(b, carry, t=t):
            pltpu.make_async_copy(
                rep_v.at[pl.ds(t * B, B)],
                out_hbm.at[pos_refs[t].at[b]],
                sem,
            ).start()
            return carry

        lax.fori_loop(0, nbatches[t], fire, 0)

    total = nbatches[0] + nbatches[1] + nbatches[2]

    def drain(b, carry):
        pltpu.make_async_copy(
            rep_v.at[pl.ds(0, B)], out_hbm.at[pos0_v.at[0]], sem
        ).wait()
        return carry

    lax.fori_loop(0, total, drain, 0)


def kernel(indices, weight):
    idx = indices.reshape(-1).astype(jnp.int32)
    out = _scatter_kernel(idx, weight)
    return out.reshape(indices.shape + (weight.shape[1],))

# --- scband reference (transcript-rebuilt; emitter-appended) ---
"""Pipeline reference for scband-segment-embedding-21629455302975 (READ-ONLY COPY).

The authoritative reference and input builder live on the scoring server;
editing this copy changes nothing except your own understanding.
"""

import jax, jax.numpy as jnp
import numpy as np

HIDDEN_SIZE = 1024
PADDING_IDX = 0
NUM_EMBEDDINGS = 3

def setup_inputs(seed: int = 0) -> dict:
    key = jax.random.key(seed)
    k1, k2 = jax.random.split(key)
    indices = jax.random.randint(k1, (4, 8192), 0, NUM_EMBEDDINGS)
    weight = jax.random.normal(k2, (NUM_EMBEDDINGS, HIDDEN_SIZE), dtype=jnp.float32)
    # nn.Embedding with padding_idx zeroes that row at init
    weight = weight.at[PADDING_IDX].set(0.0)
    return {"indices": indices, "weight": weight}

def reference(indices, weight):
    # SegmentEmbedding.forward == nn.Embedding.forward: row gather
    return jnp.take(weight, indices, axis=0)

if __name__ == "__main__":
    import jax
    _d = setup_inputs()
    print(jax.jit(kernel)(*tuple(_d.values())))

</pallas_src>

<mosaic_0001>
#map = affine_map<(d0, d1) -> (0)>
#map1 = affine_map<(d0, d1) -> (0, 0)>
module attributes {stable_mosaic.version = 14 : i64} {
  func.func @_scatter_kernel(%arg0: i32, %arg1: i32, %arg2: memref<32768xi32, #tpu.memory_space<hbm>>, %arg3: memref<3x1024xf32, #tpu.memory_space<hbm>>, %arg4: memref<32768x1024xf32, #tpu.memory_space<hbm>>, %arg5: memref<1024xi32, #tpu.memory_space<vmem>>, %arg6: memref<33x32xi32, #tpu.memory_space<vmem>>, %arg7: memref<33x32xi32, #tpu.memory_space<vmem>>, %arg8: memref<33x32xi32, #tpu.memory_space<vmem>>, %arg9: memref<3x1024xf32, #tpu.memory_space<vmem>>, %arg10: memref<96x1024xf32, #tpu.memory_space<vmem>>, %arg11: memref<!tpu.dma_semaphore, #tpu.memory_space<semaphore_mem>>) attributes {dimension_semantics = [#tpu.dimension_semantics<core_parallel>, #tpu.dimension_semantics<subcore_parallel>], iteration_bounds = array<i64: 2, 16>, scalar_prefetch = 0 : i64, scratch_operands = 7 : i64, tpu.core_type = #tpu.core_type<sc_vector_subcore>, window_params = [{transform_indices = #map}, {transform_indices = #map1}, {transform_indices = #map1}]} {
    %mul3A = arith.constant 2 : i32
    %mul3A_0 = arith.muli %arg1, %mul3A : i32
    %add3A = arith.addi %mul3A_0, %arg0 : i32
    %mul3A_1 = arith.constant 1024 : i32
    %mul3A_2 = arith.muli %add3A, %mul3A_1 : i32
    %iota3A = tpu.iota {dimensions = array<i32: 0>} : vector<16xi32>
    "tpu.region"() ({
      %run_scoped3A = tpu.sem_alloc : memref<!tpu.dma_semaphore, #tpu.memory_space<semaphore_mem>>
      tpu.enqueue_dma source(%arg3 : memref<3x1024xf32, #tpu.memory_space<hbm>>) target(%arg9 : memref<3x1024xf32, #tpu.memory_space<vmem>>) target_semaphore(%run_scoped3A : memref<!tpu.dma_semaphore, #tpu.memory_space<semaphore_mem>>)
      tpu.wait_dma2 semaphore(%run_scoped3A : memref<!tpu.dma_semaphore, #tpu.memory_space<semaphore_mem>>) src(%arg3 : memref<3x1024xf32, #tpu.memory_space<hbm>>) dst(%arg9 : memref<3x1024xf32, #tpu.memory_space<vmem>>)
      tpu.yield
    }) : () -> ()
    "tpu.region"() ({
      %run_scoped3A = tpu.sem_alloc : memref<!tpu.dma_semaphore, #tpu.memory_space<semaphore_mem>>
      %dma_start3A = tpu.memref_slice %arg2[%mul3A_2] : memref<32768xi32, #tpu.memory_space<hbm>> -> memref<1024xi32, #tpu.memory_space<hbm>>
      %dma_start3A_532 = tpu.memref_slice %arg2[%mul3A_2] : memref<32768xi32, #tpu.memory_space<hbm>> -> memref<1024xi32, #tpu.memory_space<hbm>>
      tpu.enqueue_dma source(%dma_start3A_532 : memref<1024xi32, #tpu.memory_space<hbm>>) target(%arg5 : memref<1024xi32, #tpu.memory_space<vmem>>) target_semaphore(%run_scoped3A : memref<!tpu.dma_semaphore, #tpu.memory_space<semaphore_mem>>)
      %dma_wait3A = tpu.memref_slice %arg2[%mul3A_2] : memref<32768xi32, #tpu.memory_space<hbm>> -> memref<1024xi32, #tpu.memory_space<hbm>>
      %dma_wait3A_533 = tpu.memref_slice %arg2[%mul3A_2] : memref<32768xi32, #tpu.memory_space<hbm>> -> memref<1024xi32, #tpu.memory_space<hbm>>
      tpu.wait_dma2 semaphore(%run_scoped3A : memref<!tpu.dma_semaphore, #tpu.memory_space<semaphore_mem>>) src(%dma_wait3A_533 : memref<1024xi32, #tpu.memory_space<hbm>>) dst(%arg5 : memref<1024xi32, #tpu.memory_space<vmem>>)
      tpu.yield
    }) : () -> ()
    %scan3A = arith.constant 0 : i32
    %scan3A_3 = arith.constant 64 : i32
    %scan3A_4 = arith.addi %scan3A, %scan3A_3 : i32
    %scan3A_5 = arith.constant 1 : i32
    scf.for %scan3A_532 = %scan3A to %scan3A_4 step %scan3A_5  : i32 {
      %mul3A_533 = arith.constant 1 : i32
      %mul3A_534 = arith.muli %scan3A_532, %mul3A_533 : i32
      %add3A_535 = arith.constant 0 : i32
      %add3A_536 = arith.addi %add3A_535, %mul3A_534 : i32
      %mul3A_537 = arith.constant 16 : i32
      %mul3A_538 = arith.muli %add3A_536, %mul3A_537 : i32
      %get3A_539 = arith.constant 0 : i32
      %get3A_540 = arith.index_cast %get3A_539 : i32 to index
      %get3A_541 = arith.index_cast %mul3A_538 : i32 to index
      %get3A_542 = tpu.vector_load %arg9[%get3A_540, %get3A_541] {strides = array<i32>} : memref<3x1024xf32, #tpu.memory_space<vmem>>, vector<16xf32>,
      %swap3A = arith.constant 0 : i32
      %swap3A_543 = arith.index_cast %swap3A : i32 to index
      %swap3A_544 = arith.index_cast %mul3A_538 : i32 to index
      %swap3A_545 = tpu.vector_load %arg10[%swap3A_543, %swap3A_544] {strides = array<i32>} : memref<96x1024xf32, #tpu.memory_space<vmem>>, vector<16xf32>,
      tpu.vector_store %arg10[%swap3A_543, %swap3A_544], %get3A_542 {strides = array<i32>} : memref<96x1024xf32, #tpu.memory_space<vmem>>, vector<16xf32>,
      %swap3A_546 = arith.constant 1 : i32
      %swap3A_547 = arith.index_cast %swap3A_546 : i32 to index
      %swap3A_548 = arith.index_cast %mul3A_538 : i32 to index
      %swap3A_549 = tpu.vector_load %arg10[%swap3A_547, %swap3A_548] {strides = array<i32>} : memref<96x1024xf32, #tpu.memory_space<vmem>>, vector<16xf32>,
      tpu.vector_store %arg10[%swap3A_547, %swap3A_548], %get3A_542 {strides = array<i32>} : memref<96x1024xf32, #tpu.memory_space<vmem>>, vector<16xf32>,
      %swap3A_550 = arith.constant 2 : i32
      %swap3A_551 = arith.index_cast %swap3A_550 : i32 to index
      %swap3A_552 = arith.index_cast %mul3A_538 : i32 to index
      %swap3A_553 = tpu.vector_load %arg10[%swap3A_551, %swap3A_552] {strides = array<i32>} : memref<96x1024xf32, #tpu.memory_space<vmem>>, vector<16xf32>,
      tpu.vector_store %arg10[%swap3A_551, %swap3A_552], %get3A_542 {strides = array<i32>} : memref<96x1024xf32, #tpu.memory_space<vmem>>, vector<16xf32>,
      %swap3A_554 = arith.constant 3 : i32
      %swap3A_555 = arith.index_cast %swap3A_554 : i32 to index
      %swap3A_556 = arith.index_cast %mul3A_538 : i32 to index
      %swap3A_557 = tpu.vector_load %arg10[%swap3A_555, %swap3A_556] {strides = array<i32>} : memref<96x1024xf32, #tpu.memory_space<vmem>>, vector<16xf32>,
      tpu.vector_store %arg10[%swap3A_555, %swap3A_556], %get3A_542 {strides = array<i32>} : memref<96x1024xf32, #tpu.memory_space<vmem>>, vector<16xf32>,
      %swap3A_558 = arith.constant 4 : i32
      %swap3A_559 = arith.index_cast %swap3A_558 : i32 to index
      %swap3A_560 = arith.index_cast %mul3A_538 : i32 to index
      %swap3A_561 = tpu.vector_load %arg10[%swap3A_559, %swap3A_560] {strides = array<i32>} : memref<96x1024xf32, #tpu.memory_space<vmem>>, vector<16xf32>,
      tpu.vector_store %arg10[%swap3A_559, %swap3A_560], %get3A_542 {strides = array<i32>} : memref<96x1024xf32, #tpu.memory_space<vmem>>, vector<16xf32>,
      %swap3A_562 = arith.constant 5 : i32
      %swap3A_563 = arith.index_cast %swap3A_562 : i32 to index
      %swap3A_564 = arith.index_cast %mul3A_538 : i32 to index
      %swap3A_565 = tpu.vector_load %arg10[%swap3A_563, %swap3A_564] {strides = array<i32>} : memref<96x1024xf32, #tpu.memory_space<vmem>>, vector<16xf32>,
      tpu.vector_store %arg10[%swap3A_563, %swap3A_564], %get3A_542 {strides = array<i32>} : memref<96x1024xf32, #tpu.memory_space<vmem>>, vector<16xf32>,
      %swap3A_566 = arith.constant 6 : i32
      %swap3A_567 = arith.index_cast %swap3A_566 : i32 to index
      %swap3A_568 = arith.index_cast %mul3A_538 : i32 to index
      %swap3A_569 = tpu.vector_load %arg10[%swap3A_567, %swap3A_568] {strides = array<i32>} : memref<96x1024xf32, #tpu.memory_space<vmem>>, vector<16xf32>,
      tpu.vector_store %arg10[%swap3A_567, %swap3A_568], %get3A_542 {strides = array<i32>} : memref<96x1024xf32, #tpu.memory_space<vmem>>, vector<16xf32>,
      %swap3A_570 = arith.constant 7 : i32
      %swap3A_571 = arith.index_cast %swap3A_570 : i32 to index
      %swap3A_572 = arith.index_cast %mul3A_538 : i32 to index
      %swap3A_573 = tpu.vector_load %arg10[%swap3A_571, %swap3A_572] {strides = array<i32>} : memref<96x1024xf32, #tpu.memory_space<vmem>>, vector<16xf32>,
      tpu.vector_store %arg10[%swap3A_571, %swap3A_572], %get3A_542 {strides = array<i32>} : memref<96x1024xf32, #tpu.memory_space<vmem>>, vector<16xf32>,
      %swap3A_574 = arith.constant 8 : i32
      %swap3A_575 = arith.index_cast %swap3A_574 : i32 to index
      %swap3A_576 = arith.index_cast %mul3A_538 : i32 to index
      %swap3A_577 = tpu.vector_load %arg10[%swap3A_575, %swap3A_576] {strides = array<i32>} : memref<96x1024xf32, #tpu.memory_space<vmem>>, vector<16xf32>,
      tpu.vector_store %arg10[%swap3A_575, %swap3A_576], %get3A_542 {strides = array<i32>} : memref<96x1024xf32, #tpu.memory_space<vmem>>, vector<16xf32>,
      %swap3A_578 = arith.constant 9 : i32
      %swap3A_579 = arith.index_cast %swap3A_578 : i32 to index
      %swap3A_580 = arith.index_cast %mul3A_538 : i32 to index
      %swap3A_581 = tpu.vector_load %arg10[%swap3A_579, %swap3A_580] {strides = array<i32>} : memref<96x1024xf32, #tpu.memory_space<vmem>>, vector<16xf32>,
      tpu.vector_store %arg10[%swap3A_579, %swap3A_580], %get3A_542 {strides = array<i32>} : memref<96x1024xf32, #tpu.memory_space<vmem>>, vector<16xf32>,
      %swap3A_582 = arith.constant 10 : i32
      %swap3A_583 = arith.index_cast %swap3A_582 : i32 to index
      %swap3A_584 = arith.index_cast %mul3A_538 : i32 to index
      %swap3A_585 = tpu.vector_load %arg10[%swap3A_583, %swap3A_584] {strides = array<i32>} : memref<96x1024xf32, #tpu.memory_space<vmem>>, vector<16xf32>,
      tpu.vector_store %arg10[%swap3A_583, %swap3A_584], %get3A_542 {strides = array<i32>} : memref<96x1024xf32, #tpu.memory_space<vmem>>, vector<16xf32>,
      %swap3A_586 = arith.constant 11 : i32
      %swap3A_587 = arith.index_cast %swap3A_586 : i32 to index
      %swap3A_588 = arith.index_cast %mul3A_538 : i32 to index
      %swap3A_589 = tpu.vector_load %arg10[%swap3A_587, %swap3A_588] {strides = array<i32>} : memref<96x1024xf32, #tpu.memory_space<vmem>>, vector<16xf32>,
      tpu.vector_store %arg10[%swap3A_587, %swap3A_588], %get3A_542 {strides = array<i32>} : memref<96x1024xf32, #tpu.memory_space<vmem>>, vector<16xf32>,
      %swap3A_590 = arith.constant 12 : i32
      %swap3A_591 = arith.index_cast %swap3A_590 : i32 to index
      %swap3A_592 = arith.index_cast %mul3A_538 : i32 to index
      %swap3A_593 = tpu.vector_load %arg10[%swap3A_591, %swap3A_592] {strides = array<i32>} : memref<96x1024xf32, #tpu.memory_space<vmem>>, vector<16xf32>,
      tpu.vector_store %arg10[%swap3A_591, %swap3A_592], %get3A_542 {strides = array<i32>} : memref<96x1024xf32, #tpu.memory_space<vmem>>, vector<16xf32>,
      %swap3A_594 = arith.constant 13 : i32
      %swap3A_595 = arith.index_cast %swap3A_594 : i32 to index
      %swap3A_596 = arith.index_cast %mul3A_538 : i32 to index
      %swap3A_597 = tpu.vector_load %arg10[%swap3A_595, %swap3A_596] {strides = array<i32>} : memref<96x1024xf32, #tpu.memory_space<vmem>>, vector<16xf32>,
      tpu.vector_store %arg10[%swap3A_595, %swap3A_596], %get3A_542 {strides = array<i32>} : memref<96x1024xf32, #tpu.memory_space<vmem>>, vector<16xf32>,
      %swap3A_598 = arith.constant 14 : i32
      %swap3A_599 = arith.index_cast %swap3A_598 : i32 to index
      %swap3A_600 = arith.index_cast %mul3A_538 : i32 to index
      %swap3A_601 = tpu.vector_load %arg10[%swap3A_599, %swap3A_600] {strides = array<i32>} : memref<96x1024xf32, #tpu.memory_space<vmem>>, vector<16xf32>,
      tpu.vector_store %arg10[%swap3A_599, %swap3A_600], %get3A_542 {strides = array<i32>} : memref<96x1024xf32, #tpu.memory_space<vmem>>, vector<16xf32>,
      %swap3A_602 = arith.constant 15 : i32
      %swap3A_603 = arith.index_cast %swap3A_602 : i32 to index
      %swap3A_604 = arith.index_cast %mul3A_538 : i32 to index
      %swap3A_605 = tpu.vector_load %arg10[%swap3A_603, %swap3A_604] {strides = array<i32>} : memref<96x1024xf32, #tpu.memory_space<vmem>>, vector<16xf32>,
      tpu.vector_store %arg10[%swap3A_603, %swap3A_604], %get3A_542 {strides = array<i32>} : memref<96x1024xf32, #tpu.memory_space<vmem>>, vector<16xf32>,
      %swap3A_606 = arith.constant 16 : i32
      %swap3A_607 = arith.index_cast %swap3A_606 : i32 to index
      %swap3A_608 = arith.index_cast %mul3A_538 : i32 to index
      %swap3A_609 = tpu.vector_load %arg10[%swap3A_607, %swap3A_608] {strides = array<i32>} : memref<96x1024xf32, #tpu.memory_space<vmem>>, vector<16xf32>,
      tpu.vector_store %arg10[%swap3A_607, %swap3A_608], %get3A_542 {strides = array<i32>} : memref<96x1024xf32, #tpu.memory_space<vmem>>, vector<16xf32>,
      %swap3A_610 = arith.constant 17 : i32
      %swap3A_611 = arith.index_cast %swap3A_610 : i32 to index
      %swap3A_612 = arith.index_cast %mul3A_538 : i32 to index
      %swap3A_613 = tpu.vector_load %arg10[%swap3A_611, %swap3A_612] {strides = array<i32>} : memref<96x1024xf32, #tpu.memory_space<vmem>>, vector<16xf32>,
      tpu.vector_store %arg10[%swap3A_611, %swap3A_612], %get3A_542 {strides = array<i32>} : memref<96x1024xf32, #tpu.memory_space<vmem>>, vector<16xf32>,
      %swap3A_614 = arith.constant 18 : i32
      %swap3A_615 = arith.index_cast %swap3A_614 : i32 to index
      %swap3A_616 = arith.index_cast %mul3A_538 : i32 to index
      %swap3A_617 = tpu.vector_load %arg10[%swap3A_615, %swap3A_616] {strides = array<i32>} : memref<96x1024xf32, #tpu.memory_space<vmem>>, vector<16xf32>,
      tpu.vector_store %arg10[%swap3A_615, %swap3A_616], %get3A_542 {strides = array<i32>} : memref<96x1024xf32, #tpu.memory_space<vmem>>, vector<16xf32>,
      %swap3A_618 = arith.constant 19 : i32
      %swap3A_619 = arith.index_cast %swap3A_618 : i32 to index
      %swap3A_620 = arith.index_cast %mul3A_538 : i32 to index
      %swap3A_621 = tpu.vector_load %arg10[%swap3A_619, %swap3A_620] {strides = array<i32>} : memref<96x1024xf32, #tpu.memory_space<vmem>>, vector<16xf32>,
      tpu.vector_store %arg10[%swap3A_619, %swap3A_620], %get3A_542 {strides = array<i32>} : memref<96x1024xf32, #tpu.memory_space<vmem>>, vector<16xf32>,
      %swap3A_622 = arith.constant 20 : i32
      %swap3A_623 = arith.index_cast %swap3A_622 : i32 to index
      %swap3A_624 = arith.index_cast %mul3A_538 : i32 to index
      %swap3A_625 = tpu.vector_load %arg10[%swap3A_623, %swap3A_624] {strides = array<i32>} : memref<96x1024xf32, #tpu.memory_space<vmem>>, vector<16xf32>,
      tpu.vector_store %arg10[%swap3A_623, %swap3A_624], %get3A_542 {strides = array<i32>} : memref<96x1024xf32, #tpu.memory_space<vmem>>, vector<16xf32>,
      %swap3A_626 = arith.constant 21 : i32
      %swap3A_627 = arith.index_cast %swap3A_626 : i32 to index
      %swap3A_628 = arith.index_cast %mul3A_538 : i32 to index
      %swap3A_629 = tpu.vector_load %arg10[%swap3A_627, %swap3A_628] {strides = array<i32>} : memref<96x1024xf32, #tpu.memory_space<vmem>>, vector<16xf32>,
      tpu.vector_store %arg10[%swap3A_627, %swap3A_628], %get3A_542 {strides = array<i32>} : memref<96x1024xf32, #tpu.memory_space<vmem>>, vector<16xf32>,
      %swap3A_630 = arith.constant 22 : i32
      %swap3A_631 = arith.index_cast %swap3A_630 : i32 to index
      %swap3A_632 = arith.index_cast %mul3A_538 : i32 to index
      %swap3A_633 = tpu.vector_load %arg10[%swap3A_631, %swap3A_632] {strides = array<i32>} : memref<96x1024xf32, #tpu.memory_space<vmem>>, vector<16xf32>,
      tpu.vector_store %arg10[%swap3A_631, %swap3A_632], %get3A_542 {strides = array<i32>} : memref<96x1024xf32, #tpu.memory_space<vmem>>, vector<16xf32>,
      %swap3A_634 = arith.constant 23 : i32
      %swap3A_635 = arith.index_cast %swap3A_634 : i32 to index
      %swap3A_636 = arith.index_cast %mul3A_538 : i32 to index
      %swap3A_637 = tpu.vector_load %arg10[%swap3A_635, %swap3A_636] {strides = array<i32>} : memref<96x1024xf32, #tpu.memory_space<vmem>>, vector<16xf32>,
      tpu.vector_store %arg10[%swap3A_635, %swap3A_636], %get3A_542 {strides = array<i32>} : memref<96x1024xf32, #tpu.memory_space<vmem>>, vector<16xf32>,
      %swap3A_638 = arith.constant 24 : i32
      %swap3A_639 = arith.index_cast %swap3A_638 : i32 to index
      %swap3A_640 = arith.index_cast %mul3A_538 : i32 to index
      %swap3A_641 = tpu.vector_load %arg10[%swap3A_639, %swap3A_640] {strides = array<i32>} : memref<96x1024xf32, #tpu.memory_space<vmem>>, vector<16xf32>,
      tpu.vector_store %arg10[%swap3A_639, %swap3A_640], %get3A_542 {strides = array<i32>} : memref<96x1024xf32, #tpu.memory_space<vmem>>, vector<16xf32>,
      %swap3A_642 = arith.constant 25 : i32
      %swap3A_643 = arith.index_cast %swap3A_642 : i32 to index
      %swap3A_644 = arith.index_cast %mul3A_538 : i32 to index
      %swap3A_645 = tpu.vector_load %arg10[%swap3A_643, %swap3A_644] {strides = array<i32>} : memref<96x1024xf32, #tpu.memory_space<vmem>>, vector<16xf32>,
      tpu.vector_store %arg10[%swap3A_643, %swap3A_644], %get3A_542 {strides = array<i32>} : memref<96x1024xf32, #tpu.memory_space<vmem>>, vector<16xf32>,
      %swap3A_646 = arith.constant 26 : i32
      %swap3A_647 = arith.index_cast %swap3A_646 : i32 to index
      %swap3A_648 = arith.index_cast %mul3A_538 : i32 to index
      %swap3A_649 = tpu.vector_load %arg10[%swap3A_647, %swap3A_648] {strides = array<i32>} : memref<96x1024xf32, #tpu.memory_space<vmem>>, vector<16xf32>,
      tpu.vector_store %arg10[%swap3A_647, %swap3A_648], %get3A_542 {strides = array<i32>} : memref<96x1024xf32, #tpu.memory_space<vmem>>, vector<16xf32>,
      %swap3A_650 = arith.constant 27 : i32
      %swap3A_651 = arith.index_cast %swap3A_650 : i32 to index
      %swap3A_652 = arith.index_cast %mul3A_538 : i32 to index
      %swap3A_653 = tpu.vector_load %arg10[%swap3A_651, %swap3A_652] {strides = array<i32>} : memref<96x1024xf32, #tpu.memory_space<vmem>>, vector<16xf32>,
      tpu.vector_store %arg10[%swap3A_651, %swap3A_652], %get3A_542 {strides = array<i32>} : memref<96x1024xf32, #tpu.memory_space<vmem>>, vector<16xf32>,
      %swap3A_654 = arith.constant 28 : i32
      %swap3A_655 = arith.index_cast %swap3A_654 : i32 to index
      %swap3A_656 = arith.index_cast %mul3A_538 : i32 to index
      %swap3A_657 = tpu.vector_load %arg10[%swap3A_655, %swap3A_656] {strides = array<i32>} : memref<96x1024xf32, #tpu.memory_space<vmem>>, vector<16xf32>,
      tpu.vector_store %arg10[%swap3A_655, %swap3A_656], %get3A_542 {strides = array<i32>} : memref<96x1024xf32, #tpu.memory_space<vmem>>, vector<16xf32>,
      %swap3A_658 = arith.constant 29 : i32
      %swap3A_659 = arith.index_cast %swap3A_658 : i32 to index
      %swap3A_660 = arith.index_cast %mul3A_538 : i32 to index
      %swap3A_661 = tpu.vector_load %arg10[%swap3A_659, %swap3A_660] {strides = array<i32>} : memref<96x1024xf32, #tpu.memory_space<vmem>>, vector<16xf32>,
      tpu.vector_store %arg10[%swap3A_659, %swap3A_660], %get3A_542 {strides = array<i32>} : memref<96x1024xf32, #tpu.memory_space<vmem>>, vector<16xf32>,
      %swap3A_662 = arith.constant 30 : i32
      %swap3A_663 = arith.index_cast %swap3A_662 : i32 to index
      %swap3A_664 = arith.index_cast %mul3A_538 : i32 to index
      %swap3A_665 = tpu.vector_load %arg10[%swap3A_663, %swap3A_664] {strides = array<i32>} : memref<96x1024xf32, #tpu.memory_space<vmem>>, vector<16xf32>,
      tpu.vector_store %arg10[%swap3A_663, %swap3A_664], %get3A_542 {strides = array<i32>} : memref<96x1024xf32, #tpu.memory_space<vmem>>, vector<16xf32>,
      %swap3A_666 = arith.constant 31 : i32
      %swap3A_667 = arith.index_cast %swap3A_666 : i32 to index
      %swap3A_668 = arith.index_cast %mul3A_538 : i32 to index
      %swap3A_669 = tpu.vector_load %arg10[%swap3A_667, %swap3A_668] {strides = array<i32>} : memref<96x1024xf32, #tpu.memory_space<vmem>>, vector<16xf32>,
      tpu.vector_store %arg10[%swap3A_667, %swap3A_668], %get3A_542 {strides = array<i32>} : memref<96x1024xf32, #tpu.memory_space<vmem>>, vector<16xf32>,
      %get3A_670 = arith.constant 1 : i32
      %get3A_671 = arith.index_cast %get3A_670 : i32 to index
      %get3A_672 = arith.index_cast %mul3A_538 : i32 to index
      %get3A_673 = tpu.vector_load %arg9[%get3A_671, %get3A_672] {strides = array<i32>} : memref<3x1024xf32, #tpu.memory_space<vmem>>, vector<16xf32>,
      %swap3A_674 = arith.constant 32 : i32
      %swap3A_675 = arith.index_cast %swap3A_674 : i32 to index
      %swap3A_676 = arith.index_cast %mul3A_538 : i32 to index
      %swap3A_677 = tpu.vector_load %arg10[%swap3A_675, %swap3A_676] {strides = array<i32>} : memref<96x1024xf32, #tpu.memory_space<vmem>>, vector<16xf32>,
      tpu.vector_store %arg10[%swap3A_675, %swap3A_676], %get3A_673 {strides = array<i32>} : memref<96x1024xf32, #tpu.memory_space<vmem>>, vector<16xf32>,
      %swap3A_678 = arith.constant 33 : i32
      %swap3A_679 = arith.index_cast %swap3A_678 : i32 to index
      %swap3A_680 = arith.index_cast %mul3A_538 : i32 to index
      %swap3A_681 = tpu.vector_load %arg10[%swap3A_679, %swap3A_680] {strides = array<i32>} : memref<96x1024xf32, #tpu.memory_space<vmem>>, vector<16xf32>,
      tpu.vector_store %arg10[%swap3A_679, %swap3A_680], %get3A_673 {strides = array<i32>} : memref<96x1024xf32, #tpu.memory_space<vmem>>, vector<16xf32>,
      %swap3A_682 = arith.constant 34 : i32
      %swap3A_683 = arith.index_cast %swap3A_682 : i32 to index
      %swap3A_684 = arith.index_cast %mul3A_538 : i32 to index
      %swap3A_685 = tpu.vector_load %arg10[%swap3A_683, %swap3A_684] {strides = array<i32>} : memref<96x1024xf32, #tpu.memory_space<vmem>>, vector<16xf32>,
      tpu.vector_store %arg10[%swap3A_683, %swap3A_684], %get3A_673 {strides = array<i32>} : memref<96x1024xf32, #tpu.memory_space<vmem>>, vector<16xf32>,
      %swap3A_686 = arith.constant 35 : i32
      %swap3A_687 = arith.index_cast %swap3A_686 : i32 to index
      %swap3A_688 = arith.index_cast %mul3A_538 : i32 to index
      %swap3A_689 = tpu.vector_load %arg10[%swap3A_687, %swap3A_688] {strides = array<i32>} : memref<96x1024xf32, #tpu.memory_space<vmem>>, vector<16xf32>,
      tpu.vector_store %arg10[%swap3A_687, %swap3A_688], %get3A_673 {strides = array<i32>} : memref<96x1024xf32, #tpu.memory_space<vmem>>, vector<16xf32>,
      %swap3A_690 = arith.constant 36 : i32
      %swap3A_691 = arith.index_cast %swap3A_690 : i32 to index
      %swap3A_692 = arith.index_cast %mul3A_538 : i32 to index
      %swap3A_693 = tpu.vector_load %arg10[%swap3A_691, %swap3A_692] {strides = array<i32>} : memref<96x1024xf32, #tpu.memory_space<vmem>>, vector<16xf32>,
      tpu.vector_store %arg10[%swap3A_691, %swap3A_692], %get3A_673 {strides = array<i32>} : memref<96x1024xf32, #tpu.memory_space<vmem>>, vector<16xf32>,
      %swap3A_694 = arith.constant 37 : i32
      %swap3A_695 = arith.index_cast %swap3A_694 : i32 to index
      %swap3A_696 = arith.index_cast %mul3A_538 : i32 to index
      %swap3A_697 = tpu.vector_load %arg10[%swap3A_695, %swap3A_696] {strides = array<i32>} : memref<96x1024xf32, #tpu.memory_space<vmem>>, vector<16xf32>,
      tpu.vector_store %arg10[%swap3A_695, %swap3A_696], %get3A_673 {strides = array<i32>} : memref<96x1024xf32, #tpu.memory_space<vmem>>, vector<16xf32>,
      %swap3A_698 = arith.constant 38 : i32
      %swap3A_699 = arith.index_cast %swap3A_698 : i32 to index
      %swap3A_700 = arith.index_cast %mul3A_538 : i32 to index
      %swap3A_701 = tpu.vector_load %arg10[%swap3A_699, %swap3A_700] {strides = array<i32>} : memref<96x1024xf32, #tpu.memory_space<vmem>>, vector<16xf32>,
      tpu.vector_store %arg10[%swap3A_699, %swap3A_700], %get3A_673 {strides = array<i32>} : memref<96x1024xf32, #tpu.memory_space<vmem>>, vector<16xf32>,
      %swap3A_702 = arith.constant 39 : i32
      %swap3A_703 = arith.index_cast %swap3A_702 : i32 to index
      %swap3A_704 = arith.index_cast %mul3A_538 : i32 to index
      %swap3A_705 = tpu.vector_load %arg10[%swap3A_703, %swap3A_704] {strides = array<i32>} : memref<96x1024xf32, #tpu.memory_space<vmem>>, vector<16xf32>,
      tpu.vector_store %arg10[%swap3A_703, %swap3A_704], %get3A_673 {strides = array<i32>} : memref<96x1024xf32, #tpu.memory_space<vmem>>, vector<16xf32>,
      %swap3A_706 = arith.constant 40 : i32
      %swap3A_707 = arith.index_cast %swap3A_706 : i32 to index
      %swap3A_708 = arith.index_cast %mul3A_538 : i32 to index
      %swap3A_709 = tpu.vector_load %arg10[%swap3A_707, %swap3A_708] {strides = array<i32>} : memref<96x1024xf32, #tpu.memory_space<vmem>>, vector<16xf32>,
      tpu.vector_store %arg10[%swap3A_707, %swap3A_708], %get3A_673 {strides = array<i32>} : memref<96x1024xf32, #tpu.memory_space<vmem>>, vector<16xf32>,
      %swap3A_710 = arith.constant 41 : i32
      %swap3A_711 = arith.index_cast %swap3A_710 : i32 to index
      %swap3A_712 = arith.index_cast %mul3A_538 : i32 to index
      %swap3A_713 = tpu.vector_load %arg10[%swap3A_711, %swap3A_712] {strides = array<i32>} : memref<96x1024xf32, #tpu.memory_space<vmem>>, vector<16xf32>,
      tpu.vector_store %arg10[%swap3A_711, %swap3A_712], %get3A_673 {strides = array<i32>} : memref<96x1024xf32, #tpu.memory_space<vmem>>, vector<16xf32>,
      %swap3A_714 = arith.constant 42 : i32
      %swap3A_715 = arith.index_cast %swap3A_714 : i32 to index
      %swap3A_716 = arith.index_cast %mul3A_538 : i32 to index
      %swap3A_717 = tpu.vector_load %arg10[%swap3A_715, %swap3A_716] {strides = array<i32>} : memref<96x1024xf32, #tpu.memory_space<vmem>>, vector<16xf32>,
      tpu.vector_store %arg10[%swap3A_715, %swap3A_716], %get3A_673 {strides = array<i32>} : memref<96x1024xf32, #tpu.memory_space<vmem>>, vector<16xf32>,
      %swap3A_718 = arith.constant 43 : i32
      %swap3A_719 = arith.index_cast %swap3A_718 : i32 to index
      %swap3A_720 = arith.index_cast %mul3A_538 : i32 to index
      %swap3A_721 = tpu.vector_load %arg10[%swap3A_719, %swap3A_720] {strides = array<i32>} : memref<96x1024xf32, #tpu.memory_space<vmem>>, vector<16xf32>,
      tpu.vector_store %arg10[%swap3A_719, %swap3A_720], %get3A_673 {strides = array<i32>} : memref<96x1024xf32, #tpu.memory_space<vmem>>, vector<16xf32>,
      %swap3A_722 = arith.constant 44 : i32
      %swap3A_723 = arith.index_cast %swap3A_722 : i32 to index
      %swap3A_724 = arith.index_cast %mul3A_538 : i32 to index
      %swap3A_725 = tpu.vector_load %arg10[%swap3A_723, %swap3A_724] {strides = array<i32>} : memref<96x1024xf32, #tpu.memory_space<vmem>>, vector<16xf32>,
      tpu.vector_store %arg10[%swap3A_723, %swap3A_724], %get3A_673 {strides = array<i32>} : memref<96x1024xf32, #tpu.memory_space<vmem>>, vector<16xf32>,
      %swap3A_726 = arith.constant 45 : i32
      %swap3A_727 = arith.index_cast %swap3A_726 : i32 to index
      %swap3A_728 = arith.index_cast %mul3A_538 : i32 to index
      %swap3A_729 = tpu.vector_load %arg10[%swap3A_727, %swap3A_728] {strides = array<i32>} : memref<96x1024xf32, #tpu.memory_space<vmem>>, vector<16xf32>,
      tpu.vector_store %arg10[%swap3A_727, %swap3A_728], %get3A_673 {strides = array<i32>} : memref<96x1024xf32, #tpu.memory_space<vmem>>, vector<16xf32>,
      %swap3A_730 = arith.constant 46 : i32
      %swap3A_731 = arith.index_cast %swap3A_730 : i32 to index
      %swap3A_732 = arith.index_cast %mul3A_538 : i32 to index
      %swap3A_733 = tpu.vector_load %arg10[%swap3A_731, %swap3A_732] {strides = array<i32>} : memref<96x1024xf32, #tpu.memory_space<vmem>>, vector<16xf32>,
      tpu.vector_store %arg10[%swap3A_731, %swap3A_732], %get3A_673 {strides = array<i32>} : memref<96x1024xf32, #tpu.memory_space<vmem>>, vector<16xf32>,
      %swap3A_734 = arith.constant 47 : i32
      %swap3A_735 = arith.index_cast %swap3A_734 : i32 to index
      %swap3A_736 = arith.index_cast %mul3A_538 : i32 to index
      %swap3A_737 = tpu.vector_load %arg10[%swap3A_735, %swap3A_736] {strides = array<i32>} : memref<96x1024xf32, #tpu.memory_space<vmem>>, vector<16xf32>,
      tpu.vector_store %arg10[%swap3A_735, %swap3A_736], %get3A_673 {strides = array<i32>} : memref<96x1024xf32, #tpu.memory_space<vmem>>, vector<16xf32>,
      %swap3A_738 = arith.constant 48 : i32
      %swap3A_739 = arith.index_cast %swap3A_738 : i32 to index
      %swap3A_740 = arith.index_cast %mul3A_538 : i32 to index
      %swap3A_741 = tpu.vector_load %arg10[%swap3A_739, %swap3A_740] {strides = array<i32>} : memref<96x1024xf32, #tpu.memory_space<vmem>>, vector<16xf32>,
      tpu.vector_store %arg10[%swap3A_739, %swap3A_740], %get3A_673 {strides = array<i32>} : memref<96x1024xf32, #tpu.memory_space<vmem>>, vector<16xf32>,
      %swap3A_742 = arith.constant 49 : i32
      %swap3A_743 = arith.index_cast %swap3A_742 : i32 to index
      %swap3A_744 = arith.index_cast %mul3A_538 : i32 to index
      %swap3A_745 = tpu.vector_load %arg10[%swap3A_743, %swap3A_744] {strides = array<i32>} : memref<96x1024xf32, #tpu.memory_space<vmem>>, vector<16xf32>,
      tpu.vector_store %arg10[%swap3A_743, %swap3A_744], %get3A_673 {strides = array<i32>} : memref<96x1024xf32, #tpu.memory_space<vmem>>, vector<16xf32>,
      %swap3A_746 = arith.constant 50 : i32
      %swap3A_747 = arith.index_cast %swap3A_746 : i32 to index
      %swap3A_748 = arith.index_cast %mul3A_538 : i32 to index
      %swap3A_749 = tpu.vector_load %arg10[%swap3A_747, %swap3A_748] {strides = array<i32>} : memref<96x1024xf32, #tpu.memory_space<vmem>>, vector<16xf32>,
      tpu.vector_store %arg10[%swap3A_747, %swap3A_748], %get3A_673 {strides = array<i32>} : memref<96x1024xf32, #tpu.memory_space<vmem>>, vector<16xf32>,
      %swap3A_750 = arith.constant 51 : i32
      %swap3A_751 = arith.index_cast %swap3A_750 : i32 to index
      %swap3A_752 = arith.index_cast %mul3A_538 : i32 to index
      %swap3A_753 = tpu.vector_load %arg10[%swap3A_751, %swap3A_752] {strides = array<i32>} : memref<96x1024xf32, #tpu.memory_space<vmem>>, vector<16xf32>,
      tpu.vector_store %arg10[%swap3A_751, %swap3A_752], %get3A_673 {strides = array<i32>} : memref<96x1024xf32, #tpu.memory_space<vmem>>, vector<16xf32>,
      %swap3A_754 = arith.constant 52 : i32
      %swap3A_755 = arith.index_cast %swap3A_754 : i32 to index
      %swap3A_756 = arith.index_cast %mul3A_538 : i32 to index
      %swap3A_757 = tpu.vector_load %arg10[%swap3A_755, %swap3A_756] {strides = array<i32>} : memref<96x1024xf32, #tpu.memory_space<vmem>>, vector<16xf32>,
      tpu.vector_store %arg10[%swap3A_755, %swap3A_756], %get3A_673 {strides = array<i32>} : memref<96x1024xf32, #tpu.memory_space<vmem>>, vector<16xf32>,
      %swap3A_758 = arith.constant 53 : i32
      %swap3A_759 = arith.index_cast %swap3A_758 : i32 to index
      %swap3A_760 = arith.index_cast %mul3A_538 : i32 to index
      %swap3A_761 = tpu.vector_load %arg10[%swap3A_759, %swap3A_760] {strides = array<i32>} : memref<96x1024xf32, #tpu.memory_space<vmem>>, vector<16xf32>,
      tpu.vector_store %arg10[%swap3A_759, %swap3A_760], %get3A_673 {strides = array<i32>} : memref<96x1024xf32, #tpu.memory_space<vmem>>, vector<16xf32>,
      %swap3A_762 = arith.constant 54 : i32
      %swap3A_763 = arith.index_cast %swap3A_762 : i32 to index
      %swap3A_764 = arith.index_cast %mul3A_538 : i32 to index
      %swap3A_765 = tpu.vector_load %arg10[%swap3A_763, %swap3A_764] {strides = array<i32>} : memref<96x1024xf32, #tpu.memory_space<vmem>>, vector<16xf32>,
      tpu.vector_store %arg10[%swap3A_763, %swap3A_764], %get3A_673 {strides = array<i32>} : memref<96x1024xf32, #tpu.memory_space<vmem>>, vector<16xf32>,
      %swap3A_766 = arith.constant 55 : i32
      %swap3A_767 = arith.index_cast %swap3A_766 : i32 to index
      %swap3A_768 = arith.index_cast %mul3A_538 : i32 to index
      %swap3A_769 = tpu.vector_load %arg10[%swap3A_767, %swap3A_768] {strides = array<i32>} : memref<96x1024xf32, #tpu.memory_space<vmem>>, vector<16xf32>,
      tpu.vector_store %arg10[%swap3A_767, %swap3A_768], %get3A_673 {strides = array<i32>} : memref<96x1024xf32, #tpu.memory_space<vmem>>, vector<16xf32>,
      %swap3A_770 = arith.constant 56 : i32
      %swap3A_771 = arith.index_cast %swap3A_770 : i32 to index
      %swap3A_772 = arith.index_cast %mul3A_538 : i32 to index
      %swap3A_773 = tpu.vector_load %arg10[%swap3A_771, %swap3A_772] {strides = array<i32>} : memref<96x1024xf32, #tpu.memory_space<vmem>>, vector<16xf32>,
      tpu.vector_store %arg10[%swap3A_771, %swap3A_772], %get3A_673 {strides = array<i32>} : memref<96x1024xf32, #tpu.memory_space<vmem>>, vector<16xf32>,
      %swap3A_774 = arith.constant 57 : i32
      %swap3A_775 = arith.index_cast %swap3A_774 : i32 to index
      %swap3A_776 = arith.index_cast %mul3A_538 : i32 to index
      %swap3A_777 = tpu.vector_load %arg10[%swap3A_775, %swap3A_776] {strides = array<i32>} : memref<96x1024xf32, #tpu.memory_space<vmem>>, vector<16xf32>,
      tpu.vector_store %arg10[%swap3A_775, %swap3A_776], %get3A_673 {strides = array<i32>} : memref<96x1024xf32, #tpu.memory_space<vmem>>, vector<16xf32>,
      %swap3A_778 = arith.constant 58 : i32
      %swap3A_779 = arith.index_cast %swap3A_778 : i32 to index
      %swap3A_780 = arith.index_cast %mul3A_538 : i32 to index
      %swap3A_781 = tpu.vector_load %arg10[%swap3A_779, %swap3A_780] {strides = array<i32>} : memref<96x1024xf32, #tpu.memory_space<vmem>>, vector<16xf32>,
      tpu.vector_store %arg10[%swap3A_779, %swap3A_780], %get3A_673 {strides = array<i32>} : memref<96x1024xf32, #tpu.memory_space<vmem>>, vector<16xf32>,
      %swap3A_782 = arith.constant 59 : i32
      %swap3A_783 = arith.index_cast %swap3A_782 : i32 to index
      %swap3A_784 = arith.index_cast %mul3A_538 : i32 to index
      %swap3A_785 = tpu.vector_load %arg10[%swap3A_783, %swap3A_784] {strides = array<i32>} : memref<96x1024xf32, #tpu.memory_space<vmem>>, vector<16xf32>,
      tpu.vector_store %arg10[%swap3A_783, %swap3A_784], %get3A_673 {strides = array<i32>} : memref<96x1024xf32, #tpu.memory_space<vmem>>, vector<16xf32>,
      %swap3A_786 = arith.constant 60 : i32
      %swap3A_787 = arith.index_cast %swap3A_786 : i32 to index
      %swap3A_788 = arith.index_cast %mul3A_538 : i32 to index
      %swap3A_789 = tpu.vector_load %arg10[%swap3A_787, %swap3A_788] {strides = array<i32>} : memref<96x1024xf32, #tpu.memory_space<vmem>>, vector<16xf32>,
      tpu.vector_store %arg10[%swap3A_787, %swap3A_788], %get3A_673 {strides = array<i32>} : memref<96x1024xf32, #tpu.memory_space<vmem>>, vector<16xf32>,
      %swap3A_790 = arith.constant 61 : i32
      %swap3A_791 = arith.index_cast %swap3A_790 : i32 to index
      %swap3A_792 = arith.index_cast %mul3A_538 : i32 to index
      %swap3A_793 = tpu.vector_load %arg10[%swap3A_791, %swap3A_792] {strides = array<i32>} : memref<96x1024xf32, #tpu.memory_space<vmem>>, vector<16xf32>,
      tpu.vector_store %arg10[%swap3A_791, %swap3A_792], %get3A_673 {strides = array<i32>} : memref<96x1024xf32, #tpu.memory_space<vmem>>, vector<16xf32>,
      %swap3A_794 = arith.constant 62 : i32
      %swap3A_795 = arith.index_cast %swap3A_794 : i32 to index
      %swap3A_796 = arith.index_cast %mul3A_538 : i32 to index
      %swap3A_797 = tpu.vector_load %arg10[%swap3A_795, %swap3A_796] {strides = array<i32>} : memref<96x1024xf32, #tpu.memory_space<vmem>>, vector<16xf32>,
      tpu.vector_store %arg10[%swap3A_795, %swap3A_796], %get3A_673 {strides = array<i32>} : memref<96x1024xf32, #tpu.memory_space<vmem>>, vector<16xf32>,
      %swap3A_798 = arith.constant 63 : i32
      %swap3A_799 = arith.index_cast %swap3A_798 : i32 to index
      %swap3A_800 = arith.index_cast %mul3A_538 : i32 to index
      %swap3A_801 = tpu.vector_load %arg10[%swap3A_799, %swap3A_800] {strides = array<i32>} : memref<96x1024xf32, #tpu.memory_space<vmem>>, vector<16xf32>,
      tpu.vector_store %arg10[%swap3A_799, %swap3A_800], %get3A_673 {strides = array<i32>} : memref<96x1024xf32, #tpu.memory_space<vmem>>, vector<16xf32>,
      %get3A_802 = arith.constant 2 : i32
      %get3A_803 = arith.index_cast %get3A_802 : i32 to index
      %get3A_804 = arith.index_cast %mul3A_538 : i32 to index
      %get3A_805 = tpu.vector_load %arg9[%get3A_803, %get3A_804] {strides = array<i32>} : memref<3x1024xf32, #tpu.memory_space<vmem>>, vector<16xf32>,
      %swap3A_806 = arith.constant 64 : i32
      %swap3A_807 = arith.index_cast %swap3A_806 : i32 to index
      %swap3A_808 = arith.index_cast %mul3A_538 : i32 to index
      %swap3A_809 = tpu.vector_load %arg10[%swap3A_807, %swap3A_808] {strides = array<i32>} : memref<96x1024xf32, #tpu.memory_space<vmem>>, vector<16xf32>,
      tpu.vector_store %arg10[%swap3A_807, %swap3A_808], %get3A_805 {strides = array<i32>} : memref<96x1024xf32, #tpu.memory_space<vmem>>, vector<16xf32>,
      %swap3A_810 = arith.constant 65 : i32
      %swap3A_811 = arith.index_cast %swap3A_810 : i32 to index
      %swap3A_812 = arith.index_cast %mul3A_538 : i32 to index
      %swap3A_813 = tpu.vector_load %arg10[%swap3A_811, %swap3A_812] {strides = array<i32>} : memref<96x1024xf32, #tpu.memory_space<vmem>>, vector<16xf32>,
      tpu.vector_store %arg10[%swap3A_811, %swap3A_812], %get3A_805 {strides = array<i32>} : memref<96x1024xf32, #tpu.memory_space<vmem>>, vector<16xf32>,
      %swap3A_814 = arith.constant 66 : i32
      %swap3A_815 = arith.index_cast %swap3A_814 : i32 to index
      %swap3A_816 = arith.index_cast %mul3A_538 : i32 to index
      %swap3A_817 = tpu.vector_load %arg10[%swap3A_815, %swap3A_816] {strides = array<i32>} : memref<96x1024xf32, #tpu.memory_space<vmem>>, vector<16xf32>,
      tpu.vector_store %arg10[%swap3A_815, %swap3A_816], %get3A_805 {strides = array<i32>} : memref<96x1024xf32, #tpu.memory_space<vmem>>, vector<16xf32>,
      %swap3A_818 = arith.constant 67 : i32
      %swap3A_819 = arith.index_cast %swap3A_818 : i32 to index
      %swap3A_820 = arith.index_cast %mul3A_538 : i32 to index
      %swap3A_821 = tpu.vector_load %arg10[%swap3A_819, %swap3A_820] {strides = array<i32>} : memref<96x1024xf32, #tpu.memory_space<vmem>>, vector<16xf32>,
      tpu.vector_store %arg10[%swap3A_819, %swap3A_820], %get3A_805 {strides = array<i32>} : memref<96x1024xf32, #tpu.memory_space<vmem>>, vector<16xf32>,
      %swap3A_822 = arith.constant 68 : i32
      %swap3A_823 = arith.index_cast %swap3A_822 : i32 to index
      %swap3A_824 = arith.index_cast %mul3A_538 : i32 to index
      %swap3A_825 = tpu.vector_load %arg10[%swap3A_823, %swap3A_824] {strides = array<i32>} : memref<96x1024xf32, #tpu.memory_space<vmem>>, vector<16xf32>,
      tpu.vector_store %arg10[%swap3A_823, %swap3A_824], %get3A_805 {strides = array<i32>} : memref<96x1024xf32, #tpu.memory_space<vmem>>, vector<16xf32>,
      %swap3A_826 = arith.constant 69 : i32
      %swap3A_827 = arith.index_cast %swap3A_826 : i32 to index
      %swap3A_828 = arith.index_cast %mul3A_538 : i32 to index
      %swap3A_829 = tpu.vector_load %arg10[%swap3A_827, %swap3A_828] {strides = array<i32>} : memref<96x1024xf32, #tpu.memory_space<vmem>>, vector<16xf32>,
      tpu.vector_store %arg10[%swap3A_827, %swap3A_828], %get3A_805 {strides = array<i32>} : memref<96x1024xf32, #tpu.memory_space<vmem>>, vector<16xf32>,
      %swap3A_830 = arith.constant 70 : i32
      %swap3A_831 = arith.index_cast %swap3A_830 : i32 to index
      %swap3A_832 = arith.index_cast %mul3A_538 : i32 to index
      %swap3A_833 = tpu.vector_load %arg10[%swap3A_831, %swap3A_832] {strides = array<i32>} : memref<96x1024xf32, #tpu.memory_space<vmem>>, vector<16xf32>,
      tpu.vector_store %arg10[%swap3A_831, %swap3A_832], %get3A_805 {strides = array<i32>} : memref<96x1024xf32, #tpu.memory_space<vmem>>, vector<16xf32>,
      %swap3A_834 = arith.constant 71 : i32
      %swap3A_835 = arith.index_cast %swap3A_834 : i32 to index
      %swap3A_836 = arith.index_cast %mul3A_538 : i32 to index
      %swap3A_837 = tpu.vector_load %arg10[%swap3A_835, %swap3A_836] {strides = array<i32>} : memref<96x1024xf32, #tpu.memory_space<vmem>>, vector<16xf32>,
      tpu.vector_store %arg10[%swap3A_835, %swap3A_836], %get3A_805 {strides = array<i32>} : memref<96x1024xf32, #tpu.memory_space<vmem>>, vector<16xf32>,
      %swap3A_838 = arith.constant 72 : i32
      %swap3A_839 = arith.index_cast %swap3A_838 : i32 to index
      %swap3A_840 = arith.index_cast %mul3A_538 : i32 to index
      %swap3A_841 = tpu.vector_load %arg10[%swap3A_839, %swap3A_840] {strides = array<i32>} : memref<96x1024xf32, #tpu.memory_space<vmem>>, vector<16xf32>,
      tpu.vector_store %arg10[%swap3A_839, %swap3A_840], %get3A_805 {strides = array<i32>} : memref<96x1024xf32, #tpu.memory_space<vmem>>, vector<16xf32>,
      %swap3A_842 = arith.constant 73 : i32
      %swap3A_843 = arith.index_cast %swap3A_842 : i32 to index
      %swap3A_844 = arith.index_cast %mul3A_538 : i32 to index
      %swap3A_845 = tpu.vector_load %arg10[%swap3A_843, %swap3A_844] {strides = array<i32>} : memref<96x1024xf32, #tpu.memory_space<vmem>>, vector<16xf32>,
      tpu.vector_store %arg10[%swap3A_843, %swap3A_844], %get3A_805 {strides = array<i32>} : memref<96x1024xf32, #tpu.memory_space<vmem>>, vector<16xf32>,
      %swap3A_846 = arith.constant 74 : i32
      %swap3A_847 = arith.index_cast %swap3A_846 : i32 to index
      %swap3A_848 = arith.index_cast %mul3A_538 : i32 to index
      %swap3A_849 = tpu.vector_load %arg10[%swap3A_847, %swap3A_848] {strides = array<i32>} : memref<96x1024xf32, #tpu.memory_space<vmem>>, vector<16xf32>,
      tpu.vector_store %arg10[%swap3A_847, %swap3A_848], %get3A_805 {strides = array<i32>} : memref<96x1024xf32, #tpu.memory_space<vmem>>, vector<16xf32>,
      %swap3A_850 = arith.constant 75 : i32
      %swap3A_851 = arith.index_cast %swap3A_850 : i32 to index
      %swap3A_852 = arith.index_cast %mul3A_538 : i32 to index
      %swap3A_853 = tpu.vector_load %arg10[%swap3A_851, %swap3A_852] {strides = array<i32>} : memref<96x1024xf32, #tpu.memory_space<vmem>>, vector<16xf32>,
      tpu.vector_store %arg10[%swap3A_851, %swap3A_852], %get3A_805 {strides = array<i32>} : memref<96x1024xf32, #tpu.memory_space<vmem>>, vector<16xf32>,
      %swap3A_854 = arith.constant 76 : i32
      %swap3A_855 = arith.index_cast %swap3A_854 : i32 to index
      %swap3A_856 = arith.index_cast %mul3A_538 : i32 to index
      %swap3A_857 = tpu.vector_load %arg10[%swap3A_855, %swap3A_856] {strides = array<i32>} : memref<96x1024xf32, #tpu.memory_space<vmem>>, vector<16xf32>,
      tpu.vector_store %arg10[%swap3A_855, %swap3A_856], %get3A_805 {strides = array<i32>} : memref<96x1024xf32, #tpu.memory_space<vmem>>, vector<16xf32>,
      %swap3A_858 = arith.constant 77 : i32
      %swap3A_859 = arith.index_cast %swap3A_858 : i32 to index
      %swap3A_860 = arith.index_cast %mul3A_538 : i32 to index
      %swap3A_861 = tpu.vector_load %arg10[%swap3A_859, %swap3A_860] {strides = array<i32>} : memref<96x1024xf32, #tpu.memory_space<vmem>>, vector<16xf32>,
      tpu.vector_store %arg10[%swap3A_859, %swap3A_860], %get3A_805 {strides = array<i32>} : memref<96x1024xf32, #tpu.memory_space<vmem>>, vector<16xf32>,
      %swap3A_862 = arith.constant 78 : i32
      %swap3A_863 = arith.index_cast %swap3A_862 : i32 to index
      %swap3A_864 = arith.index_cast %mul3A_538 : i32 to index
      %swap3A_865 = tpu.vector_load %arg10[%swap3A_863, %swap3A_864] {strides = array<i32>} : memref<96x1024xf32, #tpu.memory_space<vmem>>, vector<16xf32>,
      tpu.vector_store %arg10[%swap3A_863, %swap3A_864], %get3A_805 {strides = array<i32>} : memref<96x1024xf32, #tpu.memory_space<vmem>>, vector<16xf32>,
      %swap3A_866 = arith.constant 79 : i32
      %swap3A_867 = arith.index_cast %swap3A_866 : i32 to index
      %swap3A_868 = arith.index_cast %mul3A_538 : i32 to index
      %swap3A_869 = tpu.vector_load %arg10[%swap3A_867, %swap3A_868] {strides = array<i32>} : memref<96x1024xf32, #tpu.memory_space<vmem>>, vector<16xf32>,
      tpu.vector_store %arg10[%swap3A_867, %swap3A_868], %get3A_805 {strides = array<i32>} : memref<96x1024xf32, #tpu.memory_space<vmem>>, vector<16xf32>,
      %swap3A_870 = arith.constant 80 : i32
      %swap3A_871 = arith.index_cast %swap3A_870 : i32 to index
      %swap3A_872 = arith.index_cast %mul3A_538 : i32 to index
      %swap3A_873 = tpu.vector_load %arg10[%swap3A_871, %swap3A_872] {strides = array<i32>} : memref<96x1024xf32, #tpu.memory_space<vmem>>, vector<16xf32>,
      tpu.vector_store %arg10[%swap3A_871, %swap3A_872], %get3A_805 {strides = array<i32>} : memref<96x1024xf32, #tpu.memory_space<vmem>>, vector<16xf32>,
      %swap3A_874 = arith.constant 81 : i32
      %swap3A_875 = arith.index_cast %swap3A_874 : i32 to index
      %swap3A_876 = arith.index_cast %mul3A_538 : i32 to index
      %swap3A_877 = tpu.vector_load %arg10[%swap3A_875, %swap3A_876] {strides = array<i32>} : memref<96x1024xf32, #tpu.memory_space<vmem>>, vector<16xf32>,
      tpu.vector_store %arg10[%swap3A_875, %swap3A_876], %get3A_805 {strides = array<i32>} : memref<96x1024xf32, #tpu.memory_space<vmem>>, vector<16xf32>,
      %swap3A_878 = arith.constant 82 : i32
      %swap3A_879 = arith.index_cast %swap3A_878 : i32 to index
      %swap3A_880 = arith.index_cast %mul3A_538 : i32 to index
      %swap3A_881 = tpu.vector_load %arg10[%swap3A_879, %swap3A_880] {strides = array<i32>} : memref<96x1024xf32, #tpu.memory_space<vmem>>, vector<16xf32>,
      tpu.vector_store %arg10[%swap3A_879, %swap3A_880], %get3A_805 {strides = array<i32>} : memref<96x1024xf32, #tpu.memory_space<vmem>>, vector<16xf32>,
      %swap3A_882 = arith.constant 83 : i32
      %swap3A_883 = arith.index_cast %swap3A_882 : i32 to index
      %swap3A_884 = arith.index_cast %mul3A_538 : i32 to index
      %swap3A_885 = tpu.vector_load %arg10[%swap3A_883, %swap3A_884] {strides = array<i32>} : memref<96x1024xf32, #tpu.memory_space<vmem>>, vector<16xf32>,
      tpu.vector_store %arg10[%swap3A_883, %swap3A_884], %get3A_805 {strides = array<i32>} : memref<96x1024xf32, #tpu.memory_space<vmem>>, vector<16xf32>,
      %swap3A_886 = arith.constant 84 : i32
      %swap3A_887 = arith.index_cast %swap3A_886 : i32 to index
      %swap3A_888 = arith.index_cast %mul3A_538 : i32 to index
      %swap3A_889 = tpu.vector_load %arg10[%swap3A_887, %swap3A_888] {strides = array<i32>} : memref<96x1024xf32, #tpu.memory_space<vmem>>, vector<16xf32>,
      tpu.vector_store %arg10[%swap3A_887, %swap3A_888], %get3A_805 {strides = array<i32>} : memref<96x1024xf32, #tpu.memory_space<vmem>>, vector<16xf32>,
      %swap3A_890 = arith.constant 85 : i32
      %swap3A_891 = arith.index_cast %swap3A_890 : i32 to index
      %swap3A_892 = arith.index_cast %mul3A_538 : i32 to index
      %swap3A_893 = tpu.vector_load %arg10[%swap3A_891, %swap3A_892] {strides = array<i32>} : memref<96x1024xf32, #tpu.memory_space<vmem>>, vector<16xf32>,
      tpu.vector_store %arg10[%swap3A_891, %swap3A_892], %get3A_805 {strides = array<i32>} : memref<96x1024xf32, #tpu.memory_space<vmem>>, vector<16xf32>,
      %swap3A_894 = arith.constant 86 : i32
      %swap3A_895 = arith.index_cast %swap3A_894 : i32 to index
      %swap3A_896 = arith.index_cast %mul3A_538 : i32 to index
      %swap3A_897 = tpu.vector_load %arg10[%swap3A_895, %swap3A_896] {strides = array<i32>} : memref<96x1024xf32, #tpu.memory_space<vmem>>, vector<16xf32>,
      tpu.vector_store %arg10[%swap3A_895, %swap3A_896], %get3A_805 {strides = array<i32>} : memref<96x1024xf32, #tpu.memory_space<vmem>>, vector<16xf32>,
      %swap3A_898 = arith.constant 87 : i32
      %swap3A_899 = arith.index_cast %swap3A_898 : i32 to index
      %swap3A_900 = arith.index_cast %mul3A_538 : i32 to index
      %swap3A_901 = tpu.vector_load %arg10[%swap3A_899, %swap3A_900] {strides = array<i32>} : memref<96x1024xf32, #tpu.memory_space<vmem>>, vector<16xf32>,
      tpu.vector_store %arg10[%swap3A_899, %swap3A_900], %get3A_805 {strides = array<i32>} : memref<96x1024xf32, #tpu.memory_space<vmem>>, vector<16xf32>,
      %swap3A_902 = arith.constant 88 : i32
      %swap3A_903 = arith.index_cast %swap3A_902 : i32 to index
      %swap3A_904 = arith.index_cast %mul3A_538 : i32 to index
      %swap3A_905 = tpu.vector_load %arg10[%swap3A_903, %swap3A_904] {strides = array<i32>} : memref<96x1024xf32, #tpu.memory_space<vmem>>, vector<16xf32>,
      tpu.vector_store %arg10[%swap3A_903, %swap3A_904], %get3A_805 {strides = array<i32>} : memref<96x1024xf32, #tpu.memory_space<vmem>>, vector<16xf32>,
      %swap3A_906 = arith.constant 89 : i32
      %swap3A_907 = arith.index_cast %swap3A_906 : i32 to index
      %swap3A_908 = arith.index_cast %mul3A_538 : i32 to index
      %swap3A_909 = tpu.vector_load %arg10[%swap3A_907, %swap3A_908] {strides = array<i32>} : memref<96x1024xf32, #tpu.memory_space<vmem>>, vector<16xf32>,
      tpu.vector_store %arg10[%swap3A_907, %swap3A_908], %get3A_805 {strides = array<i32>} : memref<96x1024xf32, #tpu.memory_space<vmem>>, vector<16xf32>,
      %swap3A_910 = arith.constant 90 : i32
      %swap3A_911 = arith.index_cast %swap3A_910 : i32 to index
      %swap3A_912 = arith.index_cast %mul3A_538 : i32 to index
      %swap3A_913 = tpu.vector_load %arg10[%swap3A_911, %swap3A_912] {strides = array<i32>} : memref<96x1024xf32, #tpu.memory_space<vmem>>, vector<16xf32>,
      tpu.vector_store %arg10[%swap3A_911, %swap3A_912], %get3A_805 {strides = array<i32>} : memref<96x1024xf32, #tpu.memory_space<vmem>>, vector<16xf32>,
      %swap3A_914 = arith.constant 91 : i32
      %swap3A_915 = arith.index_cast %swap3A_914 : i32 to index
      %swap3A_916 = arith.index_cast %mul3A_538 : i32 to index
      %swap3A_917 = tpu.vector_load %arg10[%swap3A_915, %swap3A_916] {strides = array<i32>} : memref<96x1024xf32, #tpu.memory_space<vmem>>, vector<16xf32>,
      tpu.vector_store %arg10[%swap3A_915, %swap3A_916], %get3A_805 {strides = array<i32>} : memref<96x1024xf32, #tpu.memory_space<vmem>>, vector<16xf32>,
      %swap3A_918 = arith.constant 92 : i32
      %swap3A_919 = arith.index_cast %swap3A_918 : i32 to index
      %swap3A_920 = arith.index_cast %mul3A_538 : i32 to index
      %swap3A_921 = tpu.vector_load %arg10[%swap3A_919, %swap3A_920] {strides = array<i32>} : memref<96x1024xf32, #tpu.memory_space<vmem>>, vector<16xf32>,
      tpu.vector_store %arg10[%swap3A_919, %swap3A_920], %get3A_805 {strides = array<i32>} : memref<96x1024xf32, #tpu.memory_space<vmem>>, vector<16xf32>,
      %swap3A_922 = arith.constant 93 : i32
      %swap3A_923 = arith.index_cast %swap3A_922 : i32 to index
      %swap3A_924 = arith.index_cast %mul3A_538 : i32 to index
      %swap3A_925 = tpu.vector_load %arg10[%swap3A_923, %swap3A_924] {strides = array<i32>} : memref<96x1024xf32, #tpu.memory_space<vmem>>, vector<16xf32>,
      tpu.vector_store %arg10[%swap3A_923, %swap3A_924], %get3A_805 {strides = array<i32>} : memref<96x1024xf32, #tpu.memory_space<vmem>>, vector<16xf32>,
      %swap3A_926 = arith.constant 94 : i32
      %swap3A_927 = arith.index_cast %swap3A_926 : i32 to index
      %swap3A_928 = arith.index_cast %mul3A_538 : i32 to index
      %swap3A_929 = tpu.vector_load %arg10[%swap3A_927, %swap3A_928] {strides = array<i32>} : memref<96x1024xf32, #tpu.memory_space<vmem>>, vector<16xf32>,
      tpu.vector_store %arg10[%swap3A_927, %swap3A_928], %get3A_805 {strides = array<i32>} : memref<96x1024xf32, #tpu.memory_space<vmem>>, vector<16xf32>,
      %swap3A_930 = arith.constant 95 : i32
      %swap3A_931 = arith.index_cast %swap3A_930 : i32 to index
      %swap3A_932 = arith.index_cast %mul3A_538 : i32 to index
      %swap3A_933 = tpu.vector_load %arg10[%swap3A_931, %swap3A_932] {strides = array<i32>} : memref<96x1024xf32, #tpu.memory_space<vmem>>, vector<16xf32>,
      tpu.vector_store %arg10[%swap3A_931, %swap3A_932], %get3A_805 {strides = array<i32>} : memref<96x1024xf32, #tpu.memory_space<vmem>>, vector<16xf32>,
    }
    %scan3A_6 = arith.constant 64 : i32
    %broadcast_in_dim3A = arith.constant 0 : i32
    %broadcast_in_dim3A_7 = vector.broadcast %broadcast_in_dim3A : i32 to vector<16xi32>
    %scan3A_8 = arith.constant 0 : i32
    %scan3A_9 = arith.constant 64 : i32
    %scan3A_10 = arith.addi %scan3A_8, %scan3A_9 : i32
    %scan3A_11 = arith.constant 4 : i32
    %scan3A_12:2 = scf.for %scan3A_532 = %scan3A_8 to %scan3A_10 step %scan3A_11 iter_args(%scan3A_533 = %broadcast_in_dim3A_7, %scan3A_534 = %broadcast_in_dim3A_7) -> (vector<16xi32>, vector<16xi32>)  : i32 {
      %mul3A_535 = arith.constant 16 : i32
      %mul3A_536 = arith.muli %scan3A_532, %mul3A_535 : i32
      %get3A_537 = arith.index_cast %mul3A_536 : i32 to index
      %get3A_538 = tpu.vector_load %arg5[%get3A_537] {strides = array<i32>} : memref<1024xi32, #tpu.memory_space<vmem>>, vector<16xi32>,
      %mul3A_539 = arith.constant 16 : i32
      %mul3A_540 = arith.muli %scan3A_532, %mul3A_539 : i32
      %add3A_541 = arith.addi %mul3A_2, %mul3A_540 : i32
      %add3A_542 = vector.broadcast %add3A_541 : i32 to vector<16xi32>
      %add3A_543 = arith.addi %add3A_542, %iota3A : vector<16xi32>
      %eq3A_544 = arith.constant 0 : i32
      %eq3A_545 = vector.broadcast %eq3A_544 : i32 to vector<16xi32>
      %eq3A_546 = arith.cmpi eq, %get3A_538, %eq3A_545 : vector<16xi32>
      %eq3A_547 = arith.constant 1 : i32
      %eq3A_548 = vector.broadcast %eq3A_547 : i32 to vector<16xi32>
      %eq3A_549 = arith.cmpi eq, %get3A_538, %eq3A_548 : vector<16xi32>
      %convert_element_type3A = arith.extui %eq3A_546 : vector<16xi1> to vector<16xi32>
      %broadcast_in_dim3A_550 = arith.constant true
      %broadcast_in_dim3A_551 = vector.broadcast %broadcast_in_dim3A_550 : i1 to vector<16xi1>
      %masked_cumsum3A = tpu.scan <sum>, %convert_element_type3A masked %broadcast_in_dim3A_551 : vector<16xi32>, vector<16xi1> -> vector<16xi32>
      %add3A_552 = arith.addi %scan3A_533, %masked_cumsum3A : vector<16xi32>
      %convert_element_type3A_553 = arith.extui %eq3A_549 : vector<16xi1> to vector<16xi32>
      %broadcast_in_dim3A_554 = arith.constant true
      %broadcast_in_dim3A_555 = vector.broadcast %broadcast_in_dim3A_554 : i1 to vector<16xi1>
      %masked_cumsum3A_556 = tpu.scan <sum>, %convert_element_type3A_553 masked %broadcast_in_dim3A_555 : vector<16xi32>, vector<16xi1> -> vector<16xi32>
      %add3A_557 = arith.addi %scan3A_534, %masked_cumsum3A_556 : vector<16xi32>
      %mul3A_558 = arith.constant 16 : i32
      %mul3A_559 = arith.muli %scan3A_532, %mul3A_558 : i32
      %add3A_560 = vector.broadcast %mul3A_559 : i32 to vector<16xi32>
      %add3A_561 = arith.addi %add3A_560, %iota3A : vector<16xi32>
      %add3A_562 = arith.constant 1 : i32
      %add3A_563 = vector.broadcast %add3A_562 : i32 to vector<16xi32>
      %add3A_564 = arith.addi %add3A_561, %add3A_563 : vector<16xi32>
      %sub3A_565 = arith.subi %add3A_564, %add3A_552 : vector<16xi32>
      %sub3A_566 = arith.subi %sub3A_565, %add3A_557 : vector<16xi32>
      %sub3A_567 = arith.constant 1 : i32
      %sub3A_568 = vector.broadcast %sub3A_567 : i32 to vector<16xi32>
      %sub3A_569 = arith.subi %add3A_552, %sub3A_568 : vector<16xi32>
      %jit3A_570 = arith.constant 32 : i32
      %div3A_571 = vector.broadcast %jit3A_570 : i32 to vector<16xi32>
      %div3A_572 = arith.divsi %sub3A_569, %div3A_571 : vector<16xi32>
      %sign3A_573 = arith.constant 0 : i32
      %sign3A_574 = vector.broadcast %sign3A_573 : i32 to vector<16xi32>
      %sign3A_575 = arith.cmpi sgt, %sub3A_569, %sign3A_574 : vector<16xi32>
      %sign3A_576 = arith.extui %sign3A_575 : vector<16xi1> to vector<16xi32>
      %sign3A_577 = arith.constant 0 : i32
      %sign3A_578 = vector.broadcast %sign3A_577 : i32 to vector<16xi32>
      %sign3A_579 = arith.cmpi slt, %sub3A_569, %sign3A_578 : vector<16xi32>
      %sign3A_580 = arith.extui %sign3A_579 : vector<16xi1> to vector<16xi32>
      %sign3A_581 = arith.subi %sign3A_576, %sign3A_580 : vector<16xi32>
      %sign3A_582 = arith.constant 0 : i32
      %sign3A_583 = arith.cmpi sgt, %jit3A_570, %sign3A_582 : i32
      %sign3A_584 = arith.extui %sign3A_583 : i1 to i32
      %sign3A_585 = arith.constant 0 : i32
      %sign3A_586 = arith.cmpi slt, %jit3A_570, %sign3A_585 : i32
      %sign3A_587 = arith.extui %sign3A_586 : i1 to i32
      %sign3A_588 = arith.subi %sign3A_584, %sign3A_587 : i32
      %ne3A_589 = vector.broadcast %sign3A_588 : i32 to vector<16xi32>
      %ne3A_590 = arith.cmpi ne, %sign3A_581, %ne3A_589 : vector<16xi32>
      %rem3A_591 = vector.broadcast %jit3A_570 : i32 to vector<16xi32>
      %rem3A_592 = arith.remsi %sub3A_569, %rem3A_591 : vector<16xi32>
      %ne3A_593 = arith.constant 0 : i32
      %ne3A_594 = vector.broadcast %ne3A_593 : i32 to vector<16xi32>
      %ne3A_595 = arith.cmpi ne, %rem3A_592, %ne3A_594 : vector<16xi32>
      %and3A_596 = arith.andi %ne3A_590, %ne3A_595 : vector<16xi1>
      %sub3A_597 = arith.constant 1 : i32
      %sub3A_598 = vector.broadcast %sub3A_597 : i32 to vector<16xi32>
      %sub3A_599 = arith.subi %div3A_572, %sub3A_598 : vector<16xi32>
      %select_n3A_600 = arith.select %and3A_596, %sub3A_599, %div3A_572 : vector<16xi1>, vector<16xi32>
      %jit3A_601 = arith.constant 32 : i32
      %eq3A_602 = arith.constant 0 : i32
      %eq3A_603 = arith.cmpi eq, %jit3A_601, %eq3A_602 : i32
      %jit3A_604 = arith.constant 1 : i32
      %select_n3A_605 = arith.select %eq3A_603, %jit3A_604, %jit3A_601 : i32
      %rem3A_606 = vector.broadcast %select_n3A_605 : i32 to vector<16xi32>
      %rem3A_607 = arith.remsi %sub3A_569, %rem3A_606 : vector<16xi32>
      %ne3A_608 = arith.constant 0 : i32
      %ne3A_609 = vector.broadcast %ne3A_608 : i32 to vector<16xi32>
      %ne3A_610 = arith.cmpi ne, %rem3A_607, %ne3A_609 : vector<16xi32>
      %lt3A_611 = arith.constant 0 : i32
      %lt3A_612 = vector.broadcast %lt3A_611 : i32 to vector<16xi32>
      %lt3A_613 = arith.cmpi slt, %rem3A_607, %lt3A_612 : vector<16xi32>
      %lt3A_614 = arith.constant 0 : i32
      %lt3A_615 = arith.cmpi slt, %select_n3A_605, %lt3A_614 : i32
      %ne3A_616 = vector.broadcast %lt3A_615 : i1 to vector<16xi1>
      %ne3A_617 = vector.broadcast %ne3A_616 : vector<16xi1> to vector<16xi1>
      %ne3A_618 = arith.xori %lt3A_613, %ne3A_617 : vector<16xi1>
      %and3A_619 = arith.andi %ne3A_618, %ne3A_610 : vector<16xi1>
      %add3A_620 = vector.broadcast %select_n3A_605 : i32 to vector<16xi32>
      %add3A_621 = arith.addi %rem3A_607, %add3A_620 : vector<16xi32>
      %select_n3A_622 = arith.select %and3A_619, %add3A_621, %rem3A_607 : vector<16xi1>, vector<16xi32>
      tpu.vector_store_idx %arg6[%select_n3A_600, %select_n3A_622], %add3A_543 masked %eq3A_546 : memref<33x32xi32, #tpu.memory_space<vmem>>[vector<16xi32>, vector<16xi32>], vector<16xi32>, vector<16xi1>
      %sub3A_623 = arith.constant 1 : i32
      %sub3A_624 = vector.broadcast %sub3A_623 : i32 to vector<16xi32>
      %sub3A_625 = arith.subi %add3A_557, %sub3A_624 : vector<16xi32>
      %jit3A_626 = arith.constant 32 : i32
      %div3A_627 = vector.broadcast %jit3A_626 : i32 to vector<16xi32>
      %div3A_628 = arith.divsi %sub3A_625, %div3A_627 : vector<16xi32>
      %sign3A_629 = arith.constant 0 : i32
      %sign3A_630 = vector.broadcast %sign3A_629 : i32 to vector<16xi32>
      %sign3A_631 = arith.cmpi sgt, %sub3A_625, %sign3A_630 : vector<16xi32>
      %sign3A_632 = arith.extui %sign3A_631 : vector<16xi1> to vector<16xi32>
      %sign3A_633 = arith.constant 0 : i32
      %sign3A_634 = vector.broadcast %sign3A_633 : i32 to vector<16xi32>
      %sign3A_635 = arith.cmpi slt, %sub3A_625, %sign3A_634 : vector<16xi32>
      %sign3A_636 = arith.extui %sign3A_635 : vector<16xi1> to vector<16xi32>
      %sign3A_637 = arith.subi %sign3A_632, %sign3A_636 : vector<16xi32>
      %sign3A_638 = arith.constant 0 : i32
      %sign3A_639 = arith.cmpi sgt, %jit3A_626, %sign3A_638 : i32
      %sign3A_640 = arith.extui %sign3A_639 : i1 to i32
      %sign3A_641 = arith.constant 0 : i32
      %sign3A_642 = arith.cmpi slt, %jit3A_626, %sign3A_641 : i32
      %sign3A_643 = arith.extui %sign3A_642 : i1 to i32
      %sign3A_644 = arith.subi %sign3A_640, %sign3A_643 : i32
      %ne3A_645 = vector.broadcast %sign3A_644 : i32 to vector<16xi32>
      %ne3A_646 = arith.cmpi ne, %sign3A_637, %ne3A_645 : vector<16xi32>
      %rem3A_647 = vector.broadcast %jit3A_626 : i32 to vector<16xi32>
      %rem3A_648 = arith.remsi %sub3A_625, %rem3A_647 : vector<16xi32>
      %ne3A_649 = arith.constant 0 : i32
      %ne3A_650 = vector.broadcast %ne3A_649 : i32 to vector<16xi32>
      %ne3A_651 = arith.cmpi ne, %rem3A_648, %ne3A_650 : vector<16xi32>
      %and3A_652 = arith.andi %ne3A_646, %ne3A_651 : vector<16xi1>
      %sub3A_653 = arith.constant 1 : i32
      %sub3A_654 = vector.broadcast %sub3A_653 : i32 to vector<16xi32>
      %sub3A_655 = arith.subi %div3A_628, %sub3A_654 : vector<16xi32>
      %select_n3A_656 = arith.select %and3A_652, %sub3A_655, %div3A_628 : vector<16xi1>, vector<16xi32>
      %jit3A_657 = arith.constant 32 : i32
      %eq3A_658 = arith.constant 0 : i32
      %eq3A_659 = arith.cmpi eq, %jit3A_657, %eq3A_658 : i32
      %jit3A_660 = arith.constant 1 : i32
      %select_n3A_661 = arith.select %eq3A_659, %jit3A_660, %jit3A_657 : i32
      %rem3A_662 = vector.broadcast %select_n3A_661 : i32 to vector<16xi32>
      %rem3A_663 = arith.remsi %sub3A_625, %rem3A_662 : vector<16xi32>
      %ne3A_664 = arith.constant 0 : i32
      %ne3A_665 = vector.broadcast %ne3A_664 : i32 to vector<16xi32>
      %ne3A_666 = arith.cmpi ne, %rem3A_663, %ne3A_665 : vector<16xi32>
      %lt3A_667 = arith.constant 0 : i32
      %lt3A_668 = vector.broadcast %lt3A_667 : i32 to vector<16xi32>
      %lt3A_669 = arith.cmpi slt, %rem3A_663, %lt3A_668 : vector<16xi32>
      %lt3A_670 = arith.constant 0 : i32
      %lt3A_671 = arith.cmpi slt, %select_n3A_661, %lt3A_670 : i32
      %ne3A_672 = vector.broadcast %lt3A_671 : i1 to vector<16xi1>
      %ne3A_673 = vector.broadcast %ne3A_672 : vector<16xi1> to vector<16xi1>
      %ne3A_674 = arith.xori %lt3A_669, %ne3A_673 : vector<16xi1>
      %and3A_675 = arith.andi %ne3A_674, %ne3A_666 : vector<16xi1>
      %add3A_676 = vector.broadcast %select_n3A_661 : i32 to vector<16xi32>
      %add3A_677 = arith.addi %rem3A_663, %add3A_676 : vector<16xi32>
      %select_n3A_678 = arith.select %and3A_675, %add3A_677, %rem3A_663 : vector<16xi1>, vector<16xi32>
      tpu.vector_store_idx %arg7[%select_n3A_656, %select_n3A_678], %add3A_543 masked %eq3A_549 : memref<33x32xi32, #tpu.memory_space<vmem>>[vector<16xi32>, vector<16xi32>], vector<16xi32>, vector<16xi1>
      %sub3A_679 = arith.constant 1 : i32
      %sub3A_680 = vector.broadcast %sub3A_679 : i32 to vector<16xi32>
      %sub3A_681 = arith.subi %sub3A_566, %sub3A_680 : vector<16xi32>
      %jit3A_682 = arith.constant 32 : i32
      %div3A_683 = vector.broadcast %jit3A_682 : i32 to vector<16xi32>
      %div3A_684 = arith.divsi %sub3A_681, %div3A_683 : vector<16xi32>
      %sign3A_685 = arith.constant 0 : i32
      %sign3A_686 = vector.broadcast %sign3A_685 : i32 to vector<16xi32>
      %sign3A_687 = arith.cmpi sgt, %sub3A_681, %sign3A_686 : vector<16xi32>
      %sign3A_688 = arith.extui %sign3A_687 : vector<16xi1> to vector<16xi32>
      %sign3A_689 = arith.constant 0 : i32
      %sign3A_690 = vector.broadcast %sign3A_689 : i32 to vector<16xi32>
      %sign3A_691 = arith.cmpi slt, %sub3A_681, %sign3A_690 : vector<16xi32>
      %sign3A_692 = arith.extui %sign3A_691 : vector<16xi1> to vector<16xi32>
      %sign3A_693 = arith.subi %sign3A_688, %sign3A_692 : vector<16xi32>
      %sign3A_694 = arith.constant 0 : i32
      %sign3A_695 = arith.cmpi sgt, %jit3A_682, %sign3A_694 : i32
      %sign3A_696 = arith.extui %sign3A_695 : i1 to i32
      %sign3A_697 = arith.constant 0 : i32
      %sign3A_698 = arith.cmpi slt, %jit3A_682, %sign3A_697 : i32
      %sign3A_699 = arith.extui %sign3A_698 : i1 to i32
      %sign3A_700 = arith.subi %sign3A_696, %sign3A_699 : i32
      %ne3A_701 = vector.broadcast %sign3A_700 : i32 to vector<16xi32>
      %ne3A_702 = arith.cmpi ne, %sign3A_693, %ne3A_701 : vector<16xi32>
      %rem3A_703 = vector.broadcast %jit3A_682 : i32 to vector<16xi32>
      %rem3A_704 = arith.remsi %sub3A_681, %rem3A_703 : vector<16xi32>
      %ne3A_705 = arith.constant 0 : i32
      %ne3A_706 = vector.broadcast %ne3A_705 : i32 to vector<16xi32>
      %ne3A_707 = arith.cmpi ne, %rem3A_704, %ne3A_706 : vector<16xi32>
      %and3A_708 = arith.andi %ne3A_702, %ne3A_707 : vector<16xi1>
      %sub3A_709 = arith.constant 1 : i32
      %sub3A_710 = vector.broadcast %sub3A_709 : i32 to vector<16xi32>
      %sub3A_711 = arith.subi %div3A_684, %sub3A_710 : vector<16xi32>
      %select_n3A_712 = arith.select %and3A_708, %sub3A_711, %div3A_684 : vector<16xi1>, vector<16xi32>
      %jit3A_713 = arith.constant 32 : i32
      %eq3A_714 = arith.constant 0 : i32
      %eq3A_715 = arith.cmpi eq, %jit3A_713, %eq3A_714 : i32
      %jit3A_716 = arith.constant 1 : i32
      %select_n3A_717 = arith.select %eq3A_715, %jit3A_716, %jit3A_713 : i32
      %rem3A_718 = vector.broadcast %select_n3A_717 : i32 to vector<16xi32>
      %rem3A_719 = arith.remsi %sub3A_681, %rem3A_718 : vector<16xi32>
      %ne3A_720 = arith.constant 0 : i32
      %ne3A_721 = vector.broadcast %ne3A_720 : i32 to vector<16xi32>
      %ne3A_722 = arith.cmpi ne, %rem3A_719, %ne3A_721 : vector<16xi32>
      %lt3A_723 = arith.constant 0 : i32
      %lt3A_724 = vector.broadcast %lt3A_723 : i32 to vector<16xi32>
      %lt3A_725 = arith.cmpi slt, %rem3A_719, %lt3A_724 : vector<16xi32>
      %lt3A_726 = arith.constant 0 : i32
      %lt3A_727 = arith.cmpi slt, %select_n3A_717, %lt3A_726 : i32
      %ne3A_728 = vector.broadcast %lt3A_727 : i1 to vector<16xi1>
      %ne3A_729 = vector.broadcast %ne3A_728 : vector<16xi1> to vector<16xi1>
      %ne3A_730 = arith.xori %lt3A_725, %ne3A_729 : vector<16xi1>
      %and3A_731 = arith.andi %ne3A_730, %ne3A_722 : vector<16xi1>
      %add3A_732 = vector.broadcast %select_n3A_717 : i32 to vector<16xi32>
      %add3A_733 = arith.addi %rem3A_719, %add3A_732 : vector<16xi32>
      %select_n3A_734 = arith.select %and3A_731, %add3A_733, %rem3A_719 : vector<16xi1>, vector<16xi32>
      %ge3A = arith.constant 2 : i32
      %ge3A_735 = vector.broadcast %ge3A : i32 to vector<16xi32>
      %ge3A_736 = arith.cmpi sge, %get3A_538, %ge3A_735 : vector<16xi32>
      tpu.vector_store_idx %arg8[%select_n3A_712, %select_n3A_734], %add3A_543 masked %ge3A_736 : memref<33x32xi32, #tpu.memory_space<vmem>>[vector<16xi32>, vector<16xi32>], vector<16xi32>, vector<16xi1>
      %all_reduce_population_count3A = tpu.all_reduce %eq3A_546 {dim = 0 : i64, kind = #tpu.reduction_kind<sum>} : vector<16xi1> -> vector<16xi32>
      %add3A_737 = arith.addi %scan3A_533, %all_reduce_population_count3A : vector<16xi32>
      %all_reduce_population_count3A_738 = tpu.all_reduce %eq3A_549 {dim = 0 : i64, kind = #tpu.reduction_kind<sum>} : vector<16xi1> -> vector<16xi32>
      %add3A_739 = arith.addi %scan3A_534, %all_reduce_population_count3A_738 : vector<16xi32>
      %scan3A_740 = arith.constant 1 : i32
      %scan3A_741 = arith.addi %scan3A_532, %scan3A_740 : i32
      %mul3A_742 = arith.constant 16 : i32
      %mul3A_743 = arith.muli %scan3A_741, %mul3A_742 : i32
      %get3A_744 = arith.index_cast %mul3A_743 : i32 to index
      %get3A_745 = tpu.vector_load %arg5[%get3A_744] {strides = array<i32>} : memref<1024xi32, #tpu.memory_space<vmem>>, vector<16xi32>,
      %mul3A_746 = arith.constant 16 : i32
      %mul3A_747 = arith.muli %scan3A_741, %mul3A_746 : i32
      %add3A_748 = arith.addi %mul3A_2, %mul3A_747 : i32
      %add3A_749 = vector.broadcast %add3A_748 : i32 to vector<16xi32>
      %add3A_750 = arith.addi %add3A_749, %iota3A : vector<16xi32>
      %eq3A_751 = arith.constant 0 : i32
      %eq3A_752 = vector.broadcast %eq3A_751 : i32 to vector<16xi32>
      %eq3A_753 = arith.cmpi eq, %get3A_745, %eq3A_752 : vector<16xi32>
      %eq3A_754 = arith.constant 1 : i32
      %eq3A_755 = vector.broadcast %eq3A_754 : i32 to vector<16xi32>
      %eq3A_756 = arith.cmpi eq, %get3A_745, %eq3A_755 : vector<16xi32>
      %convert_element_type3A_757 = arith.extui %eq3A_753 : vector<16xi1> to vector<16xi32>
      %broadcast_in_dim3A_758 = arith.constant true
      %broadcast_in_dim3A_759 = vector.broadcast %broadcast_in_dim3A_758 : i1 to vector<16xi1>
      %masked_cumsum3A_760 = tpu.scan <sum>, %convert_element_type3A_757 masked %broadcast_in_dim3A_759 : vector<16xi32>, vector<16xi1> -> vector<16xi32>
      %add3A_761 = arith.addi %add3A_737, %masked_cumsum3A_760 : vector<16xi32>
      %convert_element_type3A_762 = arith.extui %eq3A_756 : vector<16xi1> to vector<16xi32>
      %broadcast_in_dim3A_763 = arith.constant true
      %broadcast_in_dim3A_764 = vector.broadcast %broadcast_in_dim3A_763 : i1 to vector<16xi1>
      %masked_cumsum3A_765 = tpu.scan <sum>, %convert_element_type3A_762 masked %broadcast_in_dim3A_764 : vector<16xi32>, vector<16xi1> -> vector<16xi32>
      %add3A_766 = arith.addi %add3A_739, %masked_cumsum3A_765 : vector<16xi32>
      %mul3A_767 = arith.constant 16 : i32
      %mul3A_768 = arith.muli %scan3A_741, %mul3A_767 : i32
      %add3A_769 = vector.broadcast %mul3A_768 : i32 to vector<16xi32>
      %add3A_770 = arith.addi %add3A_769, %iota3A : vector<16xi32>
      %add3A_771 = arith.constant 1 : i32
      %add3A_772 = vector.broadcast %add3A_771 : i32 to vector<16xi32>
      %add3A_773 = arith.addi %add3A_770, %add3A_772 : vector<16xi32>
      %sub3A_774 = arith.subi %add3A_773, %add3A_761 : vector<16xi32>
      %sub3A_775 = arith.subi %sub3A_774, %add3A_766 : vector<16xi32>
      %sub3A_776 = arith.constant 1 : i32
      %sub3A_777 = vector.broadcast %sub3A_776 : i32 to vector<16xi32>
      %sub3A_778 = arith.subi %add3A_761, %sub3A_777 : vector<16xi32>
      %jit3A_779 = arith.constant 32 : i32
      %div3A_780 = vector.broadcast %jit3A_779 : i32 to vector<16xi32>
      %div3A_781 = arith.divsi %sub3A_778, %div3A_780 : vector<16xi32>
      %sign3A_782 = arith.constant 0 : i32
      %sign3A_783 = vector.broadcast %sign3A_782 : i32 to vector<16xi32>
      %sign3A_784 = arith.cmpi sgt, %sub3A_778, %sign3A_783 : vector<16xi32>
      %sign3A_785 = arith.extui %sign3A_784 : vector<16xi1> to vector<16xi32>
      %sign3A_786 = arith.constant 0 : i32
      %sign3A_787 = vector.broadcast %sign3A_786 : i32 to vector<16xi32>
      %sign3A_788 = arith.cmpi slt, %sub3A_778, %sign3A_787 : vector<16xi32>
      %sign3A_789 = arith.extui %sign3A_788 : vector<16xi1> to vector<16xi32>
      %sign3A_790 = arith.subi %sign3A_785, %sign3A_789 : vector<16xi32>
      %sign3A_791 = arith.constant 0 : i32
      %sign3A_792 = arith.cmpi sgt, %jit3A_779, %sign3A_791 : i32
      %sign3A_793 = arith.extui %sign3A_792 : i1 to i32
      %sign3A_794 = arith.constant 0 : i32
      %sign3A_795 = arith.cmpi slt, %jit3A_779, %sign3A_794 : i32
      %sign3A_796 = arith.extui %sign3A_795 : i1 to i32
      %sign3A_797 = arith.subi %sign3A_793, %sign3A_796 : i32
      %ne3A_798 = vector.broadcast %sign3A_797 : i32 to vector<16xi32>
      %ne3A_799 = arith.cmpi ne, %sign3A_790, %ne3A_798 : vector<16xi32>
      %rem3A_800 = vector.broadcast %jit3A_779 : i32 to vector<16xi32>
      %rem3A_801 = arith.remsi %sub3A_778, %rem3A_800 : vector<16xi32>
      %ne3A_802 = arith.constant 0 : i32
      %ne3A_803 = vector.broadcast %ne3A_802 : i32 to vector<16xi32>
      %ne3A_804 = arith.cmpi ne, %rem3A_801, %ne3A_803 : vector<16xi32>
      %and3A_805 = arith.andi %ne3A_799, %ne3A_804 : vector<16xi1>
      %sub3A_806 = arith.constant 1 : i32
      %sub3A_807 = vector.broadcast %sub3A_806 : i32 to vector<16xi32>
      %sub3A_808 = arith.subi %div3A_781, %sub3A_807 : vector<16xi32>
      %select_n3A_809 = arith.select %and3A_805, %sub3A_808, %div3A_781 : vector<16xi1>, vector<16xi32>
      %jit3A_810 = arith.constant 32 : i32
      %eq3A_811 = arith.constant 0 : i32
      %eq3A_812 = arith.cmpi eq, %jit3A_810, %eq3A_811 : i32
      %jit3A_813 = arith.constant 1 : i32
      %select_n3A_814 = arith.select %eq3A_812, %jit3A_813, %jit3A_810 : i32
      %rem3A_815 = vector.broadcast %select_n3A_814 : i32 to vector<16xi32>
      %rem3A_816 = arith.remsi %sub3A_778, %rem3A_815 : vector<16xi32>
      %ne3A_817 = arith.constant 0 : i32
      %ne3A_818 = vector.broadcast %ne3A_817 : i32 to vector<16xi32>
      %ne3A_819 = arith.cmpi ne, %rem3A_816, %ne3A_818 : vector<16xi32>
      %lt3A_820 = arith.constant 0 : i32
      %lt3A_821 = vector.broadcast %lt3A_820 : i32 to vector<16xi32>
      %lt3A_822 = arith.cmpi slt, %rem3A_816, %lt3A_821 : vector<16xi32>
      %lt3A_823 = arith.constant 0 : i32
      %lt3A_824 = arith.cmpi slt, %select_n3A_814, %lt3A_823 : i32
      %ne3A_825 = vector.broadcast %lt3A_824 : i1 to vector<16xi1>
      %ne3A_826 = vector.broadcast %ne3A_825 : vector<16xi1> to vector<16xi1>
      %ne3A_827 = arith.xori %lt3A_822, %ne3A_826 : vector<16xi1>
      %and3A_828 = arith.andi %ne3A_827, %ne3A_819 : vector<16xi1>
      %add3A_829 = vector.broadcast %select_n3A_814 : i32 to vector<16xi32>
      %add3A_830 = arith.addi %rem3A_816, %add3A_829 : vector<16xi32>
      %select_n3A_831 = arith.select %and3A_828, %add3A_830, %rem3A_816 : vector<16xi1>, vector<16xi32>
      tpu.vector_store_idx %arg6[%select_n3A_809, %select_n3A_831], %add3A_750 masked %eq3A_753 : memref<33x32xi32, #tpu.memory_space<vmem>>[vector<16xi32>, vector<16xi32>], vector<16xi32>, vector<16xi1>
      %sub3A_832 = arith.constant 1 : i32
      %sub3A_833 = vector.broadcast %sub3A_832 : i32 to vector<16xi32>
      %sub3A_834 = arith.subi %add3A_766, %sub3A_833 : vector<16xi32>
      %jit3A_835 = arith.constant 32 : i32
      %div3A_836 = vector.broadcast %jit3A_835 : i32 to vector<16xi32>
      %div3A_837 = arith.divsi %sub3A_834, %div3A_836 : vector<16xi32>
      %sign3A_838 = arith.constant 0 : i32
      %sign3A_839 = vector.broadcast %sign3A_838 : i32 to vector<16xi32>
      %sign3A_840 = arith.cmpi sgt, %sub3A_834, %sign3A_839 : vector<16xi32>
      %sign3A_841 = arith.extui %sign3A_840 : vector<16xi1> to vector<16xi32>
      %sign3A_842 = arith.constant 0 : i32
      %sign3A_843 = vector.broadcast %sign3A_842 : i32 to vector<16xi32>
      %sign3A_844 = arith.cmpi slt, %sub3A_834, %sign3A_843 : vector<16xi32>
      %sign3A_845 = arith.extui %sign3A_844 : vector<16xi1> to vector<16xi32>
      %sign3A_846 = arith.subi %sign3A_841, %sign3A_845 : vector<16xi32>
      %sign3A_847 = arith.constant 0 : i32
      %sign3A_848 = arith.cmpi sgt, %jit3A_835, %sign3A_847 : i32
      %sign3A_849 = arith.extui %sign3A_848 : i1 to i32
      %sign3A_850 = arith.constant 0 : i32
      %sign3A_851 = arith.cmpi slt, %jit3A_835, %sign3A_850 : i32
      %sign3A_852 = arith.extui %sign3A_851 : i1 to i32
      %sign3A_853 = arith.subi %sign3A_849, %sign3A_852 : i32
      %ne3A_854 = vector.broadcast %sign3A_853 : i32 to vector<16xi32>
      %ne3A_855 = arith.cmpi ne, %sign3A_846, %ne3A_854 : vector<16xi32>
      %rem3A_856 = vector.broadcast %jit3A_835 : i32 to vector<16xi32>
      %rem3A_857 = arith.remsi %sub3A_834, %rem3A_856 : vector<16xi32>
      %ne3A_858 = arith.constant 0 : i32
      %ne3A_859 = vector.broadcast %ne3A_858 : i32 to vector<16xi32>
      %ne3A_860 = arith.cmpi ne, %rem3A_857, %ne3A_859 : vector<16xi32>
      %and3A_861 = arith.andi %ne3A_855, %ne3A_860 : vector<16xi1>
      %sub3A_862 = arith.constant 1 : i32
      %sub3A_863 = vector.broadcast %sub3A_862 : i32 to vector<16xi32>
      %sub3A_864 = arith.subi %div3A_837, %sub3A_863 : vector<16xi32>
      %select_n3A_865 = arith.select %and3A_861, %sub3A_864, %div3A_837 : vector<16xi1>, vector<16xi32>
      %jit3A_866 = arith.constant 32 : i32
      %eq3A_867 = arith.constant 0 : i32
      %eq3A_868 = arith.cmpi eq, %jit3A_866, %eq3A_867 : i32
      %jit3A_869 = arith.constant 1 : i32
      %select_n3A_870 = arith.select %eq3A_868, %jit3A_869, %jit3A_866 : i32
      %rem3A_871 = vector.broadcast %select_n3A_870 : i32 to vector<16xi32>
      %rem3A_872 = arith.remsi %sub3A_834, %rem3A_871 : vector<16xi32>
      %ne3A_873 = arith.constant 0 : i32
      %ne3A_874 = vector.broadcast %ne3A_873 : i32 to vector<16xi32>
      %ne3A_875 = arith.cmpi ne, %rem3A_872, %ne3A_874 : vector<16xi32>
      %lt3A_876 = arith.constant 0 : i32
      %lt3A_877 = vector.broadcast %lt3A_876 : i32 to vector<16xi32>
      %lt3A_878 = arith.cmpi slt, %rem3A_872, %lt3A_877 : vector<16xi32>
      %lt3A_879 = arith.constant 0 : i32
      %lt3A_880 = arith.cmpi slt, %select_n3A_870, %lt3A_879 : i32
      %ne3A_881 = vector.broadcast %lt3A_880 : i1 to vector<16xi1>
      %ne3A_882 = vector.broadcast %ne3A_881 : vector<16xi1> to vector<16xi1>
      %ne3A_883 = arith.xori %lt3A_878, %ne3A_882 : vector<16xi1>
      %and3A_884 = arith.andi %ne3A_883, %ne3A_875 : vector<16xi1>
      %add3A_885 = vector.broadcast %select_n3A_870 : i32 to vector<16xi32>
      %add3A_886 = arith.addi %rem3A_872, %add3A_885 : vector<16xi32>
      %select_n3A_887 = arith.select %and3A_884, %add3A_886, %rem3A_872 : vector<16xi1>, vector<16xi32>
      tpu.vector_store_idx %arg7[%select_n3A_865, %select_n3A_887], %add3A_750 masked %eq3A_756 : memref<33x32xi32, #tpu.memory_space<vmem>>[vector<16xi32>, vector<16xi32>], vector<16xi32>, vector<16xi1>
      %sub3A_888 = arith.constant 1 : i32
      %sub3A_889 = vector.broadcast %sub3A_888 : i32 to vector<16xi32>
      %sub3A_890 = arith.subi %sub3A_775, %sub3A_889 : vector<16xi32>
      %jit3A_891 = arith.constant 32 : i32
      %div3A_892 = vector.broadcast %jit3A_891 : i32 to vector<16xi32>
      %div3A_893 = arith.divsi %sub3A_890, %div3A_892 : vector<16xi32>
      %sign3A_894 = arith.constant 0 : i32
      %sign3A_895 = vector.broadcast %sign3A_894 : i32 to vector<16xi32>
      %sign3A_896 = arith.cmpi sgt, %sub3A_890, %sign3A_895 : vector<16xi32>
      %sign3A_897 = arith.extui %sign3A_896 : vector<16xi1> to vector<16xi32>
      %sign3A_898 = arith.constant 0 : i32
      %sign3A_899 = vector.broadcast %sign3A_898 : i32 to vector<16xi32>
      %sign3A_900 = arith.cmpi slt, %sub3A_890, %sign3A_899 : vector<16xi32>
      %sign3A_901 = arith.extui %sign3A_900 : vector<16xi1> to vector<16xi32>
      %sign3A_902 = arith.subi %sign3A_897, %sign3A_901 : vector<16xi32>
      %sign3A_903 = arith.constant 0 : i32
      %sign3A_904 = arith.cmpi sgt, %jit3A_891, %sign3A_903 : i32
      %sign3A_905 = arith.extui %sign3A_904 : i1 to i32
      %sign3A_906 = arith.constant 0 : i32
      %sign3A_907 = arith.cmpi slt, %jit3A_891, %sign3A_906 : i32
      %sign3A_908 = arith.extui %sign3A_907 : i1 to i32
      %sign3A_909 = arith.subi %sign3A_905, %sign3A_908 : i32
      %ne3A_910 = vector.broadcast %sign3A_909 : i32 to vector<16xi32>
      %ne3A_911 = arith.cmpi ne, %sign3A_902, %ne3A_910 : vector<16xi32>
      %rem3A_912 = vector.broadcast %jit3A_891 : i32 to vector<16xi32>
      %rem3A_913 = arith.remsi %sub3A_890, %rem3A_912 : vector<16xi32>
      %ne3A_914 = arith.constant 0 : i32
      %ne3A_915 = vector.broadcast %ne3A_914 : i32 to vector<16xi32>
      %ne3A_916 = arith.cmpi ne, %rem3A_913, %ne3A_915 : vector<16xi32>
      %and3A_917 = arith.andi %ne3A_911, %ne3A_916 : vector<16xi1>
      %sub3A_918 = arith.constant 1 : i32
      %sub3A_919 = vector.broadcast %sub3A_918 : i32 to vector<16xi32>
      %sub3A_920 = arith.subi %div3A_893, %sub3A_919 : vector<16xi32>
      %select_n3A_921 = arith.select %and3A_917, %sub3A_920, %div3A_893 : vector<16xi1>, vector<16xi32>
      %jit3A_922 = arith.constant 32 : i32
      %eq3A_923 = arith.constant 0 : i32
      %eq3A_924 = arith.cmpi eq, %jit3A_922, %eq3A_923 : i32
      %jit3A_925 = arith.constant 1 : i32
      %select_n3A_926 = arith.select %eq3A_924, %jit3A_925, %jit3A_922 : i32
      %rem3A_927 = vector.broadcast %select_n3A_926 : i32 to vector<16xi32>
      %rem3A_928 = arith.remsi %sub3A_890, %rem3A_927 : vector<16xi32>
      %ne3A_929 = arith.constant 0 : i32
      %ne3A_930 = vector.broadcast %ne3A_929 : i32 to vector<16xi32>
      %ne3A_931 = arith.cmpi ne, %rem3A_928, %ne3A_930 : vector<16xi32>
      %lt3A_932 = arith.constant 0 : i32
      %lt3A_933 = vector.broadcast %lt3A_932 : i32 to vector<16xi32>
      %lt3A_934 = arith.cmpi slt, %rem3A_928, %lt3A_933 : vector<16xi32>
      %lt3A_935 = arith.constant 0 : i32
      %lt3A_936 = arith.cmpi slt, %select_n3A_926, %lt3A_935 : i32
      %ne3A_937 = vector.broadcast %lt3A_936 : i1 to vector<16xi1>
      %ne3A_938 = vector.broadcast %ne3A_937 : vector<16xi1> to vector<16xi1>
      %ne3A_939 = arith.xori %lt3A_934, %ne3A_938 : vector<16xi1>
      %and3A_940 = arith.andi %ne3A_939, %ne3A_931 : vector<16xi1>
      %add3A_941 = vector.broadcast %select_n3A_926 : i32 to vector<16xi32>
      %add3A_942 = arith.addi %rem3A_928, %add3A_941 : vector<16xi32>
      %select_n3A_943 = arith.select %and3A_940, %add3A_942, %rem3A_928 : vector<16xi1>, vector<16xi32>
      %ge3A_944 = arith.constant 2 : i32
      %ge3A_945 = vector.broadcast %ge3A_944 : i32 to vector<16xi32>
      %ge3A_946 = arith.cmpi sge, %get3A_745, %ge3A_945 : vector<16xi32>
      tpu.vector_store_idx %arg8[%select_n3A_921, %select_n3A_943], %add3A_750 masked %ge3A_946 : memref<33x32xi32, #tpu.memory_space<vmem>>[vector<16xi32>, vector<16xi32>], vector<16xi32>, vector<16xi1>
      %all_reduce_population_count3A_947 = tpu.all_reduce %eq3A_753 {dim = 0 : i64, kind = #tpu.reduction_kind<sum>} : vector<16xi1> -> vector<16xi32>
      %add3A_948 = arith.addi %add3A_737, %all_reduce_population_count3A_947 : vector<16xi32>
      %all_reduce_population_count3A_949 = tpu.all_reduce %eq3A_756 {dim = 0 : i64, kind = #tpu.reduction_kind<sum>} : vector<16xi1> -> vector<16xi32>
      %add3A_950 = arith.addi %add3A_739, %all_reduce_population_count3A_949 : vector<16xi32>
      %scan3A_951 = arith.constant 2 : i32
      %scan3A_952 = arith.addi %scan3A_532, %scan3A_951 : i32
      %mul3A_953 = arith.constant 16 : i32
      %mul3A_954 = arith.muli %scan3A_952, %mul3A_953 : i32
      %get3A_955 = arith.index_cast %mul3A_954 : i32 to index
      %get3A_956 = tpu.vector_load %arg5[%get3A_955] {strides = array<i32>} : memref<1024xi32, #tpu.memory_space<vmem>>, vector<16xi32>,
      %mul3A_957 = arith.constant 16 : i32
      %mul3A_958 = arith.muli %scan3A_952, %mul3A_957 : i32
      %add3A_959 = arith.addi %mul3A_2, %mul3A_958 : i32
      %add3A_960 = vector.broadcast %add3A_959 : i32 to vector<16xi32>
      %add3A_961 = arith.addi %add3A_960, %iota3A : vector<16xi32>
      %eq3A_962 = arith.constant 0 : i32
      %eq3A_963 = vector.broadcast %eq3A_962 : i32 to vector<16xi32>
      %eq3A_964 = arith.cmpi eq, %get3A_956, %eq3A_963 : vector<16xi32>
      %eq3A_965 = arith.constant 1 : i32
      %eq3A_966 = vector.broadcast %eq3A_965 : i32 to vector<16xi32>
      %eq3A_967 = arith.cmpi eq, %get3A_956, %eq3A_966 : vector<16xi32>
      %convert_element_type3A_968 = arith.extui %eq3A_964 : vector<16xi1> to vector<16xi32>
      %broadcast_in_dim3A_969 = arith.constant true
      %broadcast_in_dim3A_970 = vector.broadcast %broadcast_in_dim3A_969 : i1 to vector<16xi1>
      %masked_cumsum3A_971 = tpu.scan <sum>, %convert_element_type3A_968 masked %broadcast_in_dim3A_970 : vector<16xi32>, vector<16xi1> -> vector<16xi32>
      %add3A_972 = arith.addi %add3A_948, %masked_cumsum3A_971 : vector<16xi32>
      %convert_element_type3A_973 = arith.extui %eq3A_967 : vector<16xi1> to vector<16xi32>
      %broadcast_in_dim3A_974 = arith.constant true
      %broadcast_in_dim3A_975 = vector.broadcast %broadcast_in_dim3A_974 : i1 to vector<16xi1>
      %masked_cumsum3A_976 = tpu.scan <sum>, %convert_element_type3A_973 masked %broadcast_in_dim3A_975 : vector<16xi32>, vector<16xi1> -> vector<16xi32>
      %add3A_977 = arith.addi %add3A_950, %masked_cumsum3A_976 : vector<16xi32>
      %mul3A_978 = arith.constant 16 : i32
      %mul3A_979 = arith.muli %scan3A_952, %mul3A_978 : i32
      %add3A_980 = vector.broadcast %mul3A_979 : i32 to vector<16xi32>
      %add3A_981 = arith.addi %add3A_980, %iota3A : vector<16xi32>
      %add3A_982 = arith.constant 1 : i32
      %add3A_983 = vector.broadcast %add3A_982 : i32 to vector<16xi32>
      %add3A_984 = arith.addi %add3A_981, %add3A_983 : vector<16xi32>
      %sub3A_985 = arith.subi %add3A_984, %add3A_972 : vector<16xi32>
      %sub3A_986 = arith.subi %sub3A_985, %add3A_977 : vector<16xi32>
      %sub3A_987 = arith.constant 1 : i32
      %sub3A_988 = vector.broadcast %sub3A_987 : i32 to vector<16xi32>
      %sub3A_989 = arith.subi %add3A_972, %sub3A_988 : vector<16xi32>
      %jit3A_990 = arith.constant 32 : i32
      %div3A_991 = vector.broadcast %jit3A_990 : i32 to vector<16xi32>
      %div3A_992 = arith.divsi %sub3A_989, %div3A_991 : vector<16xi32>
      %sign3A_993 = arith.constant 0 : i32
      %sign3A_994 = vector.broadcast %sign3A_993 : i32 to vector<16xi32>
      %sign3A_995 = arith.cmpi sgt, %sub3A_989, %sign3A_994 : vector<16xi32>
      %sign3A_996 = arith.extui %sign3A_995 : vector<16xi1> to vector<16xi32>
      %sign3A_997 = arith.constant 0 : i32
      %sign3A_998 = vector.broadcast %sign3A_997 : i32 to vector<16xi32>
      %sign3A_999 = arith.cmpi slt, %sub3A_989, %sign3A_998 : vector<16xi32>
      %sign3A_1000 = arith.extui %sign3A_999 : vector<16xi1> to vector<16xi32>
      %sign3A_1001 = arith.subi %sign3A_996, %sign3A_1000 : vector<16xi32>
      %sign3A_1002 = arith.constant 0 : i32
      %sign3A_1003 = arith.cmpi sgt, %jit3A_990, %sign3A_1002 : i32
      %sign3A_1004 = arith.extui %sign3A_1003 : i1 to i32
      %sign3A_1005 = arith.constant 0 : i32
      %sign3A_1006 = arith.cmpi slt, %jit3A_990, %sign3A_1005 : i32
      %sign3A_1007 = arith.extui %sign3A_1006 : i1 to i32
      %sign3A_1008 = arith.subi %sign3A_1004, %sign3A_1007 : i32
      %ne3A_1009 = vector.broadcast %sign3A_1008 : i32 to vector<16xi32>
      %ne3A_1010 = arith.cmpi ne, %sign3A_1001, %ne3A_1009 : vector<16xi32>
      %rem3A_1011 = vector.broadcast %jit3A_990 : i32 to vector<16xi32>
      %rem3A_1012 = arith.remsi %sub3A_989, %rem3A_1011 : vector<16xi32>
      %ne3A_1013 = arith.constant 0 : i32
      %ne3A_1014 = vector.broadcast %ne3A_1013 : i32 to vector<16xi32>
      %ne3A_1015 = arith.cmpi ne, %rem3A_1012, %ne3A_1014 : vector<16xi32>
      %and3A_1016 = arith.andi %ne3A_1010, %ne3A_1015 : vector<16xi1>
      %sub3A_1017 = arith.constant 1 : i32
      %sub3A_1018 = vector.broadcast %sub3A_1017 : i32 to vector<16xi32>
      %sub3A_1019 = arith.subi %div3A_992, %sub3A_1018 : vector<16xi32>
      %select_n3A_1020 = arith.select %and3A_1016, %sub3A_1019, %div3A_992 : vector<16xi1>, vector<16xi32>
      %jit3A_1021 = arith.constant 32 : i32
      %eq3A_1022 = arith.constant 0 : i32
      %eq3A_1023 = arith.cmpi eq, %jit3A_1021, %eq3A_1022 : i32
      %jit3A_1024 = arith.constant 1 : i32
      %select_n3A_1025 = arith.select %eq3A_1023, %jit3A_1024, %jit3A_1021 : i32
      %rem3A_1026 = vector.broadcast %select_n3A_1025 : i32 to vector<16xi32>
      %rem3A_1027 = arith.remsi %sub3A_989, %rem3A_1026 : vector<16xi32>
      %ne3A_1028 = arith.constant 0 : i32
      %ne3A_1029 = vector.broadcast %ne3A_1028 : i32 to vector<16xi32>
      %ne3A_1030 = arith.cmpi ne, %rem3A_1027, %ne3A_1029 : vector<16xi32>
      %lt3A_1031 = arith.constant 0 : i32
      %lt3A_1032 = vector.broadcast %lt3A_1031 : i32 to vector<16xi32>
      %lt3A_1033 = arith.cmpi slt, %rem3A_1027, %lt3A_1032 : vector<16xi32>
      %lt3A_1034 = arith.constant 0 : i32
      %lt3A_1035 = arith.cmpi slt, %select_n3A_1025, %lt3A_1034 : i32
      %ne3A_1036 = vector.broadcast %lt3A_1035 : i1 to vector<16xi1>
      %ne3A_1037 = vector.broadcast %ne3A_1036 : vector<16xi1> to vector<16xi1>
      %ne3A_1038 = arith.xori %lt3A_1033, %ne3A_1037 : vector<16xi1>
      %and3A_1039 = arith.andi %ne3A_1038, %ne3A_1030 : vector<16xi1>
      %add3A_1040 = vector.broadcast %select_n3A_1025 : i32 to vector<16xi32>
      %add3A_1041 = arith.addi %rem3A_1027, %add3A_1040 : vector<16xi32>
      %select_n3A_1042 = arith.select %and3A_1039, %add3A_1041, %rem3A_1027 : vector<16xi1>, vector<16xi32>
      tpu.vector_store_idx %arg6[%select_n3A_1020, %select_n3A_1042], %add3A_961 masked %eq3A_964 : memref<33x32xi32, #tpu.memory_space<vmem>>[vector<16xi32>, vector<16xi32>], vector<16xi32>, vector<16xi1>
      %sub3A_1043 = arith.constant 1 : i32
      %sub3A_1044 = vector.broadcast %sub3A_1043 : i32 to vector<16xi32>
      %sub3A_1045 = arith.subi %add3A_977, %sub3A_1044 : vector<16xi32>
      %jit3A_1046 = arith.constant 32 : i32
      %div3A_1047 = vector.broadcast %jit3A_1046 : i32 to vector<16xi32>
      %div3A_1048 = arith.divsi %sub3A_1045, %div3A_1047 : vector<16xi32>
      %sign3A_1049 = arith.constant 0 : i32
      %sign3A_1050 = vector.broadcast %sign3A_1049 : i32 to vector<16xi32>
      %sign3A_1051 = arith.cmpi sgt, %sub3A_1045, %sign3A_1050 : vector<16xi32>
      %sign3A_1052 = arith.extui %sign3A_1051 : vector<16xi1> to vector<16xi32>
      %sign3A_1053 = arith.constant 0 : i32
      %sign3A_1054 = vector.broadcast %sign3A_1053 : i32 to vector<16xi32>
      %sign3A_1055 = arith.cmpi slt, %sub3A_1045, %sign3A_1054 : vector<16xi32>
      %sign3A_1056 = arith.extui %sign3A_1055 : vector<16xi1> to vector<16xi32>
      %sign3A_1057 = arith.subi %sign3A_1052, %sign3A_1056 : vector<16xi32>
      %sign3A_1058 = arith.constant 0 : i32
      %sign3A_1059 = arith.cmpi sgt, %jit3A_1046, %sign3A_1058 : i32
      %sign3A_1060 = arith.extui %sign3A_1059 : i1 to i32
      %sign3A_1061 = arith.constant 0 : i32
      %sign3A_1062 = arith.cmpi slt, %jit3A_1046, %sign3A_1061 : i32
      %sign3A_1063 = arith.extui %sign3A_1062 : i1 to i32
      %sign3A_1064 = arith.subi %sign3A_1060, %sign3A_1063 : i32
      %ne3A_1065 = vector.broadcast %sign3A_1064 : i32 to vector<16xi32>
      %ne3A_1066 = arith.cmpi ne, %sign3A_1057, %ne3A_1065 : vector<16xi32>
      %rem3A_1067 = vector.broadcast %jit3A_1046 : i32 to vector<16xi32>
      %rem3A_1068 = arith.remsi %sub3A_1045, %rem3A_1067 : vector<16xi32>
      %ne3A_1069 = arith.constant 0 : i32
      %ne3A_1070 = vector.broadcast %ne3A_1069 : i32 to vector<16xi32>
      %ne3A_1071 = arith.cmpi ne, %rem3A_1068, %ne3A_1070 : vector<16xi32>
      %and3A_1072 = arith.andi %ne3A_1066, %ne3A_1071 : vector<16xi1>
      %sub3A_1073 = arith.constant 1 : i32
      %sub3A_1074 = vector.broadcast %sub3A_1073 : i32 to vector<16xi32>
      %sub3A_1075 = arith.subi %div3A_1048, %sub3A_1074 : vector<16xi32>
      %select_n3A_1076 = arith.select %and3A_1072, %sub3A_1075, %div3A_1048 : vector<16xi1>, vector<16xi32>
      %jit3A_1077 = arith.constant 32 : i32
      %eq3A_1078 = arith.constant 0 : i32
      %eq3A_1079 = arith.cmpi eq, %jit3A_1077, %eq3A_1078 : i32
      %jit3A_1080 = arith.constant 1 : i32
      %select_n3A_1081 = arith.select %eq3A_1079, %jit3A_1080, %jit3A_1077 : i32
      %rem3A_1082 = vector.broadcast %select_n3A_1081 : i32 to vector<16xi32>
      %rem3A_1083 = arith.remsi %sub3A_1045, %rem3A_1082 : vector<16xi32>
      %ne3A_1084 = arith.constant 0 : i32
      %ne3A_1085 = vector.broadcast %ne3A_1084 : i32 to vector<16xi32>
      %ne3A_1086 = arith.cmpi ne, %rem3A_1083, %ne3A_1085 : vector<16xi32>
      %lt3A_1087 = arith.constant 0 : i32
      %lt3A_1088 = vector.broadcast %lt3A_1087 : i32 to vector<16xi32>
      %lt3A_1089 = arith.cmpi slt, %rem3A_1083, %lt3A_1088 : vector<16xi32>
      %lt3A_1090 = arith.constant 0 : i32
      %lt3A_1091 = arith.cmpi slt, %select_n3A_1081, %lt3A_1090 : i32
      %ne3A_1092 = vector.broadcast %lt3A_1091 : i1 to vector<16xi1>
      %ne3A_1093 = vector.broadcast %ne3A_1092 : vector<16xi1> to vector<16xi1>
      %ne3A_1094 = arith.xori %lt3A_1089, %ne3A_1093 : vector<16xi1>
      %and3A_1095 = arith.andi %ne3A_1094, %ne3A_1086 : vector<16xi1>
      %add3A_1096 = vector.broadcast %select_n3A_1081 : i32 to vector<16xi32>
      %add3A_1097 = arith.addi %rem3A_1083, %add3A_1096 : vector<16xi32>
      %select_n3A_1098 = arith.select %and3A_1095, %add3A_1097, %rem3A_1083 : vector<16xi1>, vector<16xi32>
      tpu.vector_store_idx %arg7[%select_n3A_1076, %select_n3A_1098], %add3A_961 masked %eq3A_967 : memref<33x32xi32, #tpu.memory_space<vmem>>[vector<16xi32>, vector<16xi32>], vector<16xi32>, vector<16xi1>
      %sub3A_1099 = arith.constant 1 : i32
      %sub3A_1100 = vector.broadcast %sub3A_1099 : i32 to vector<16xi32>
      %sub3A_1101 = arith.subi %sub3A_986, %sub3A_1100 : vector<16xi32>
      %jit3A_1102 = arith.constant 32 : i32
      %div3A_1103 = vector.broadcast %jit3A_1102 : i32 to vector<16xi32>
      %div3A_1104 = arith.divsi %sub3A_1101, %div3A_1103 : vector<16xi32>
      %sign3A_1105 = arith.constant 0 : i32
      %sign3A_1106 = vector.broadcast %sign3A_1105 : i32 to vector<16xi32>
      %sign3A_1107 = arith.cmpi sgt, %sub3A_1101, %sign3A_1106 : vector<16xi32>
      %sign3A_1108 = arith.extui %sign3A_1107 : vector<16xi1> to vector<16xi32>
      %sign3A_1109 = arith.constant 0 : i32
      %sign3A_1110 = vector.broadcast %sign3A_1109 : i32 to vector<16xi32>
      %sign3A_1111 = arith.cmpi slt, %sub3A_1101, %sign3A_1110 : vector<16xi32>
      %sign3A_1112 = arith.extui %sign3A_1111 : vector<16xi1> to vector<16xi32>
      %sign3A_1113 = arith.subi %sign3A_1108, %sign3A_1112 : vector<16xi32>
      %sign3A_1114 = arith.constant 0 : i32
      %sign3A_1115 = arith.cmpi sgt, %jit3A_1102, %sign3A_1114 : i32
      %sign3A_1116 = arith.extui %sign3A_1115 : i1 to i32
      %sign3A_1117 = arith.constant 0 : i32
      %sign3A_1118 = arith.cmpi slt, %jit3A_1102, %sign3A_1117 : i32
      %sign3A_1119 = arith.extui %sign3A_1118 : i1 to i32
      %sign3A_1120 = arith.subi %sign3A_1116, %sign3A_1119 : i32
      %ne3A_1121 = vector.broadcast %sign3A_1120 : i32 to vector<16xi32>
      %ne3A_1122 = arith.cmpi ne, %sign3A_1113, %ne3A_1121 : vector<16xi32>
      %rem3A_1123 = vector.broadcast %jit3A_1102 : i32 to vector<16xi32>
      %rem3A_1124 = arith.remsi %sub3A_1101, %rem3A_1123 : vector<16xi32>
      %ne3A_1125 = arith.constant 0 : i32
      %ne3A_1126 = vector.broadcast %ne3A_1125 : i32 to vector<16xi32>
      %ne3A_1127 = arith.cmpi ne, %rem3A_1124, %ne3A_1126 : vector<16xi32>
      %and3A_1128 = arith.andi %ne3A_1122, %ne3A_1127 : vector<16xi1>
      %sub3A_1129 = arith.constant 1 : i32
      %sub3A_1130 = vector.broadcast %sub3A_1129 : i32 to vector<16xi32>
      %sub3A_1131 = arith.subi %div3A_1104, %sub3A_1130 : vector<16xi32>
      %select_n3A_1132 = arith.select %and3A_1128, %sub3A_1131, %div3A_1104 : vector<16xi1>, vector<16xi32>
      %jit3A_1133 = arith.constant 32 : i32
      %eq3A_1134 = arith.constant 0 : i32
      %eq3A_1135 = arith.cmpi eq, %jit3A_1133, %eq3A_1134 : i32
      %jit3A_1136 = arith.constant 1 : i32
      %select_n3A_1137 = arith.select %eq3A_1135, %jit3A_1136, %jit3A_1133 : i32
      %rem3A_1138 = vector.broadcast %select_n3A_1137 : i32 to vector<16xi32>
      %rem3A_1139 = arith.remsi %sub3A_1101, %rem3A_1138 : vector<16xi32>
      %ne3A_1140 = arith.constant 0 : i32
      %ne3A_1141 = vector.broadcast %ne3A_1140 : i32 to vector<16xi32>
      %ne3A_1142 = arith.cmpi ne, %rem3A_1139, %ne3A_1141 : vector<16xi32>
      %lt3A_1143 = arith.constant 0 : i32
      %lt3A_1144 = vector.broadcast %lt3A_1143 : i32 to vector<16xi32>
      %lt3A_1145 = arith.cmpi slt, %rem3A_1139, %lt3A_1144 : vector<16xi32>
      %lt3A_1146 = arith.constant 0 : i32
      %lt3A_1147 = arith.cmpi slt, %select_n3A_1137, %lt3A_1146 : i32
      %ne3A_1148 = vector.broadcast %lt3A_1147 : i1 to vector<16xi1>
      %ne3A_1149 = vector.broadcast %ne3A_1148 : vector<16xi1> to vector<16xi1>
      %ne3A_1150 = arith.xori %lt3A_1145, %ne3A_1149 : vector<16xi1>
      %and3A_1151 = arith.andi %ne3A_1150, %ne3A_1142 : vector<16xi1>
      %add3A_1152 = vector.broadcast %select_n3A_1137 : i32 to vector<16xi32>
      %add3A_1153 = arith.addi %rem3A_1139, %add3A_1152 : vector<16xi32>
      %select_n3A_1154 = arith.select %and3A_1151, %add3A_1153, %rem3A_1139 : vector<16xi1>, vector<16xi32>
      %ge3A_1155 = arith.constant 2 : i32
      %ge3A_1156 = vector.broadcast %ge3A_1155 : i32 to vector<16xi32>
      %ge3A_1157 = arith.cmpi sge, %get3A_956, %ge3A_1156 : vector<16xi32>
      tpu.vector_store_idx %arg8[%select_n3A_1132, %select_n3A_1154], %add3A_961 masked %ge3A_1157 : memref<33x32xi32, #tpu.memory_space<vmem>>[vector<16xi32>, vector<16xi32>], vector<16xi32>, vector<16xi1>
      %all_reduce_population_count3A_1158 = tpu.all_reduce %eq3A_964 {dim = 0 : i64, kind = #tpu.reduction_kind<sum>} : vector<16xi1> -> vector<16xi32>
      %add3A_1159 = arith.addi %add3A_948, %all_reduce_population_count3A_1158 : vector<16xi32>
      %all_reduce_population_count3A_1160 = tpu.all_reduce %eq3A_967 {dim = 0 : i64, kind = #tpu.reduction_kind<sum>} : vector<16xi1> -> vector<16xi32>
      %add3A_1161 = arith.addi %add3A_950, %all_reduce_population_count3A_1160 : vector<16xi32>
      %scan3A_1162 = arith.constant 3 : i32
      %scan3A_1163 = arith.addi %scan3A_532, %scan3A_1162 : i32
      %mul3A_1164 = arith.constant 16 : i32
      %mul3A_1165 = arith.muli %scan3A_1163, %mul3A_1164 : i32
      %get3A_1166 = arith.index_cast %mul3A_1165 : i32 to index
      %get3A_1167 = tpu.vector_load %arg5[%get3A_1166] {strides = array<i32>} : memref<1024xi32, #tpu.memory_space<vmem>>, vector<16xi32>,
      %mul3A_1168 = arith.constant 16 : i32
      %mul3A_1169 = arith.muli %scan3A_1163, %mul3A_1168 : i32
      %add3A_1170 = arith.addi %mul3A_2, %mul3A_1169 : i32
      %add3A_1171 = vector.broadcast %add3A_1170 : i32 to vector<16xi32>
      %add3A_1172 = arith.addi %add3A_1171, %iota3A : vector<16xi32>
      %eq3A_1173 = arith.constant 0 : i32
      %eq3A_1174 = vector.broadcast %eq3A_1173 : i32 to vector<16xi32>
      %eq3A_1175 = arith.cmpi eq, %get3A_1167, %eq3A_1174 : vector<16xi32>
      %eq3A_1176 = arith.constant 1 : i32
      %eq3A_1177 = vector.broadcast %eq3A_1176 : i32 to vector<16xi32>
      %eq3A_1178 = arith.cmpi eq, %get3A_1167, %eq3A_1177 : vector<16xi32>
      %convert_element_type3A_1179 = arith.extui %eq3A_1175 : vector<16xi1> to vector<16xi32>
      %broadcast_in_dim3A_1180 = arith.constant true
      %broadcast_in_dim3A_1181 = vector.broadcast %broadcast_in_dim3A_1180 : i1 to vector<16xi1>
      %masked_cumsum3A_1182 = tpu.scan <sum>, %convert_element_type3A_1179 masked %broadcast_in_dim3A_1181 : vector<16xi32>, vector<16xi1> -> vector<16xi32>
      %add3A_1183 = arith.addi %add3A_1159, %masked_cumsum3A_1182 : vector<16xi32>
      %convert_element_type3A_1184 = arith.extui %eq3A_1178 : vector<16xi1> to vector<16xi32>
      %broadcast_in_dim3A_1185 = arith.constant true
      %broadcast_in_dim3A_1186 = vector.broadcast %broadcast_in_dim3A_1185 : i1 to vector<16xi1>
      %masked_cumsum3A_1187 = tpu.scan <sum>, %convert_element_type3A_1184 masked %broadcast_in_dim3A_1186 : vector<16xi32>, vector<16xi1> -> vector<16xi32>
      %add3A_1188 = arith.addi %add3A_1161, %masked_cumsum3A_1187 : vector<16xi32>
      %mul3A_1189 = arith.constant 16 : i32
      %mul3A_1190 = arith.muli %scan3A_1163, %mul3A_1189 : i32
      %add3A_1191 = vector.broadcast %mul3A_1190 : i32 to vector<16xi32>
      %add3A_1192 = arith.addi %add3A_1191, %iota3A : vector<16xi32>
      %add3A_1193 = arith.constant 1 : i32
      %add3A_1194 = vector.broadcast %add3A_1193 : i32 to vector<16xi32>
      %add3A_1195 = arith.addi %add3A_1192, %add3A_1194 : vector<16xi32>
      %sub3A_1196 = arith.subi %add3A_1195, %add3A_1183 : vector<16xi32>
      %sub3A_1197 = arith.subi %sub3A_1196, %add3A_1188 : vector<16xi32>
      %sub3A_1198 = arith.constant 1 : i32
      %sub3A_1199 = vector.broadcast %sub3A_1198 : i32 to vector<16xi32>
      %sub3A_1200 = arith.subi %add3A_1183, %sub3A_1199 : vector<16xi32>
      %jit3A_1201 = arith.constant 32 : i32
      %div3A_1202 = vector.broadcast %jit3A_1201 : i32 to vector<16xi32>
      %div3A_1203 = arith.divsi %sub3A_1200, %div3A_1202 : vector<16xi32>
      %sign3A_1204 = arith.constant 0 : i32
      %sign3A_1205 = vector.broadcast %sign3A_1204 : i32 to vector<16xi32>
      %sign3A_1206 = arith.cmpi sgt, %sub3A_1200, %sign3A_1205 : vector<16xi32>
      %sign3A_1207 = arith.extui %sign3A_1206 : vector<16xi1> to vector<16xi32>
      %sign3A_1208 = arith.constant 0 : i32
      %sign3A_1209 = vector.broadcast %sign3A_1208 : i32 to vector<16xi32>
      %sign3A_1210 = arith.cmpi slt, %sub3A_1200, %sign3A_1209 : vector<16xi32>
      %sign3A_1211 = arith.extui %sign3A_1210 : vector<16xi1> to vector<16xi32>
      %sign3A_1212 = arith.subi %sign3A_1207, %sign3A_1211 : vector<16xi32>
      %sign3A_1213 = arith.constant 0 : i32
      %sign3A_1214 = arith.cmpi sgt, %jit3A_1201, %sign3A_1213 : i32
      %sign3A_1215 = arith.extui %sign3A_1214 : i1 to i32
      %sign3A_1216 = arith.constant 0 : i32
      %sign3A_1217 = arith.cmpi slt, %jit3A_1201, %sign3A_1216 : i32
      %sign3A_1218 = arith.extui %sign3A_1217 : i1 to i32
      %sign3A_1219 = arith.subi %sign3A_1215, %sign3A_1218 : i32
      %ne3A_1220 = vector.broadcast %sign3A_1219 : i32 to vector<16xi32>
      %ne3A_1221 = arith.cmpi ne, %sign3A_1212, %ne3A_1220 : vector<16xi32>
      %rem3A_1222 = vector.broadcast %jit3A_1201 : i32 to vector<16xi32>
      %rem3A_1223 = arith.remsi %sub3A_1200, %rem3A_1222 : vector<16xi32>
      %ne3A_1224 = arith.constant 0 : i32
      %ne3A_1225 = vector.broadcast %ne3A_1224 : i32 to vector<16xi32>
      %ne3A_1226 = arith.cmpi ne, %rem3A_1223, %ne3A_1225 : vector<16xi32>
      %and3A_1227 = arith.andi %ne3A_1221, %ne3A_1226 : vector<16xi1>
      %sub3A_1228 = arith.constant 1 : i32
      %sub3A_1229 = vector.broadcast %sub3A_1228 : i32 to vector<16xi32>
      %sub3A_1230 = arith.subi %div3A_1203, %sub3A_1229 : vector<16xi32>
      %select_n3A_1231 = arith.select %and3A_1227, %sub3A_1230, %div3A_1203 : vector<16xi1>, vector<16xi32>
      %jit3A_1232 = arith.constant 32 : i32
      %eq3A_1233 = arith.constant 0 : i32
      %eq3A_1234 = arith.cmpi eq, %jit3A_1232, %eq3A_1233 : i32
      %jit3A_1235 = arith.constant 1 : i32
      %select_n3A_1236 = arith.select %eq3A_1234, %jit3A_1235, %jit3A_1232 : i32
      %rem3A_1237 = vector.broadcast %select_n3A_1236 : i32 to vector<16xi32>
      %rem3A_1238 = arith.remsi %sub3A_1200, %rem3A_1237 : vector<16xi32>
      %ne3A_1239 = arith.constant 0 : i32
      %ne3A_1240 = vector.broadcast %ne3A_1239 : i32 to vector<16xi32>
      %ne3A_1241 = arith.cmpi ne, %rem3A_1238, %ne3A_1240 : vector<16xi32>
      %lt3A_1242 = arith.constant 0 : i32
      %lt3A_1243 = vector.broadcast %lt3A_1242 : i32 to vector<16xi32>
      %lt3A_1244 = arith.cmpi slt, %rem3A_1238, %lt3A_1243 : vector<16xi32>
      %lt3A_1245 = arith.constant 0 : i32
      %lt3A_1246 = arith.cmpi slt, %select_n3A_1236, %lt3A_1245 : i32
      %ne3A_1247 = vector.broadcast %lt3A_1246 : i1 to vector<16xi1>
      %ne3A_1248 = vector.broadcast %ne3A_1247 : vector<16xi1> to vector<16xi1>
      %ne3A_1249 = arith.xori %lt3A_1244, %ne3A_1248 : vector<16xi1>
      %and3A_1250 = arith.andi %ne3A_1249, %ne3A_1241 : vector<16xi1>
      %add3A_1251 = vector.broadcast %select_n3A_1236 : i32 to vector<16xi32>
      %add3A_1252 = arith.addi %rem3A_1238, %add3A_1251 : vector<16xi32>
      %select_n3A_1253 = arith.select %and3A_1250, %add3A_1252, %rem3A_1238 : vector<16xi1>, vector<16xi32>
      tpu.vector_store_idx %arg6[%select_n3A_1231, %select_n3A_1253], %add3A_1172 masked %eq3A_1175 : memref<33x32xi32, #tpu.memory_space<vmem>>[vector<16xi32>, vector<16xi32>], vector<16xi32>, vector<16xi1>
      %sub3A_1254 = arith.constant 1 : i32
      %sub3A_1255 = vector.broadcast %sub3A_1254 : i32 to vector<16xi32>
      %sub3A_1256 = arith.subi %add3A_1188, %sub3A_1255 : vector<16xi32>
      %jit3A_1257 = arith.constant 32 : i32
      %div3A_1258 = vector.broadcast %jit3A_1257 : i32 to vector<16xi32>
      %div3A_1259 = arith.divsi %sub3A_1256, %div3A_1258 : vector<16xi32>
      %sign3A_1260 = arith.constant 0 : i32
      %sign3A_1261 = vector.broadcast %sign3A_1260 : i32 to vector<16xi32>
      %sign3A_1262 = arith.cmpi sgt, %sub3A_1256, %sign3A_1261 : vector<16xi32>
      %sign3A_1263 = arith.extui %sign3A_1262 : vector<16xi1> to vector<16xi32>
      %sign3A_1264 = arith.constant 0 : i32
      %sign3A_1265 = vector.broadcast %sign3A_1264 : i32 to vector<16xi32>
      %sign3A_1266 = arith.cmpi slt, %sub3A_1256, %sign3A_1265 : vector<16xi32>
      %sign3A_1267 = arith.extui %sign3A_1266 : vector<16xi1> to vector<16xi32>
      %sign3A_1268 = arith.subi %sign3A_1263, %sign3A_1267 : vector<16xi32>
      %sign3A_1269 = arith.constant 0 : i32
      %sign3A_1270 = arith.cmpi sgt, %jit3A_1257, %sign3A_1269 : i32
      %sign3A_1271 = arith.extui %sign3A_1270 : i1 to i32
      %sign3A_1272 = arith.constant 0 : i32
      %sign3A_1273 = arith.cmpi slt, %jit3A_1257, %sign3A_1272 : i32
      %sign3A_1274 = arith.extui %sign3A_1273 : i1 to i32
      %sign3A_1275 = arith.subi %sign3A_1271, %sign3A_1274 : i32
      %ne3A_1276 = vector.broadcast %sign3A_1275 : i32 to vector<16xi32>
      %ne3A_1277 = arith.cmpi ne, %sign3A_1268, %ne3A_1276 : vector<16xi32>
      %rem3A_1278 = vector.broadcast %jit3A_1257 : i32 to vector<16xi32>
      %rem3A_1279 = arith.remsi %sub3A_1256, %rem3A_1278 : vector<16xi32>
      %ne3A_1280 = arith.constant 0 : i32
      %ne3A_1281 = vector.broadcast %ne3A_1280 : i32 to vector<16xi32>
      %ne3A_1282 = arith.cmpi ne, %rem3A_1279, %ne3A_1281 : vector<16xi32>
      %and3A_1283 = arith.andi %ne3A_1277, %ne3A_1282 : vector<16xi1>
      %sub3A_1284 = arith.constant 1 : i32
      %sub3A_1285 = vector.broadcast %sub3A_1284 : i32 to vector<16xi32>
      %sub3A_1286 = arith.subi %div3A_1259, %sub3A_1285 : vector<16xi32>
      %select_n3A_1287 = arith.select %and3A_1283, %sub3A_1286, %div3A_1259 : vector<16xi1>, vector<16xi32>
      %jit3A_1288 = arith.constant 32 : i32
      %eq3A_1289 = arith.constant 0 : i32
      %eq3A_1290 = arith.cmpi eq, %jit3A_1288, %eq3A_1289 : i32
      %jit3A_1291 = arith.constant 1 : i32
      %select_n3A_1292 = arith.select %eq3A_1290, %jit3A_1291, %jit3A_1288 : i32
      %rem3A_1293 = vector.broadcast %select_n3A_1292 : i32 to vector<16xi32>
      %rem3A_1294 = arith.remsi %sub3A_1256, %rem3A_1293 : vector<16xi32>
      %ne3A_1295 = arith.constant 0 : i32
      %ne3A_1296 = vector.broadcast %ne3A_1295 : i32 to vector<16xi32>
      %ne3A_1297 = arith.cmpi ne, %rem3A_1294, %ne3A_1296 : vector<16xi32>
      %lt3A_1298 = arith.constant 0 : i32
      %lt3A_1299 = vector.broadcast %lt3A_1298 : i32 to vector<16xi32>
      %lt3A_1300 = arith.cmpi slt, %rem3A_1294, %lt3A_1299 : vector<16xi32>
      %lt3A_1301 = arith.constant 0 : i32
      %lt3A_1302 = arith.cmpi slt, %select_n3A_1292, %lt3A_1301 : i32
      %ne3A_1303 = vector.broadcast %lt3A_1302 : i1 to vector<16xi1>
      %ne3A_1304 = vector.broadcast %ne3A_1303 : vector<16xi1> to vector<16xi1>
      %ne3A_1305 = arith.xori %lt3A_1300, %ne3A_1304 : vector<16xi1>
      %and3A_1306 = arith.andi %ne3A_1305, %ne3A_1297 : vector<16xi1>
      %add3A_1307 = vector.broadcast %select_n3A_1292 : i32 to vector<16xi32>
      %add3A_1308 = arith.addi %rem3A_1294, %add3A_1307 : vector<16xi32>
      %select_n3A_1309 = arith.select %and3A_1306, %add3A_1308, %rem3A_1294 : vector<16xi1>, vector<16xi32>
      tpu.vector_store_idx %arg7[%select_n3A_1287, %select_n3A_1309], %add3A_1172 masked %eq3A_1178 : memref<33x32xi32, #tpu.memory_space<vmem>>[vector<16xi32>, vector<16xi32>], vector<16xi32>, vector<16xi1>
      %sub3A_1310 = arith.constant 1 : i32
      %sub3A_1311 = vector.broadcast %sub3A_1310 : i32 to vector<16xi32>
      %sub3A_1312 = arith.subi %sub3A_1197, %sub3A_1311 : vector<16xi32>
      %jit3A_1313 = arith.constant 32 : i32
      %div3A_1314 = vector.broadcast %jit3A_1313 : i32 to vector<16xi32>
      %div3A_1315 = arith.divsi %sub3A_1312, %div3A_1314 : vector<16xi32>
      %sign3A_1316 = arith.constant 0 : i32
      %sign3A_1317 = vector.broadcast %sign3A_1316 : i32 to vector<16xi32>
      %sign3A_1318 = arith.cmpi sgt, %sub3A_1312, %sign3A_1317 : vector<16xi32>
      %sign3A_1319 = arith.extui %sign3A_1318 : vector<16xi1> to vector<16xi32>
      %sign3A_1320 = arith.constant 0 : i32
      %sign3A_1321 = vector.broadcast %sign3A_1320 : i32 to vector<16xi32>
      %sign3A_1322 = arith.cmpi slt, %sub3A_1312, %sign3A_1321 : vector<16xi32>
      %sign3A_1323 = arith.extui %sign3A_1322 : vector<16xi1> to vector<16xi32>
      %sign3A_1324 = arith.subi %sign3A_1319, %sign3A_1323 : vector<16xi32>
      %sign3A_1325 = arith.constant 0 : i32
      %sign3A_1326 = arith.cmpi sgt, %jit3A_1313, %sign3A_1325 : i32
      %sign3A_1327 = arith.extui %sign3A_1326 : i1 to i32
      %sign3A_1328 = arith.constant 0 : i32
      %sign3A_1329 = arith.cmpi slt, %jit3A_1313, %sign3A_1328 : i32
      %sign3A_1330 = arith.extui %sign3A_1329 : i1 to i32
      %sign3A_1331 = arith.subi %sign3A_1327, %sign3A_1330 : i32
      %ne3A_1332 = vector.broadcast %sign3A_1331 : i32 to vector<16xi32>
      %ne3A_1333 = arith.cmpi ne, %sign3A_1324, %ne3A_1332 : vector<16xi32>
      %rem3A_1334 = vector.broadcast %jit3A_1313 : i32 to vector<16xi32>
      %rem3A_1335 = arith.remsi %sub3A_1312, %rem3A_1334 : vector<16xi32>
      %ne3A_1336 = arith.constant 0 : i32
      %ne3A_1337 = vector.broadcast %ne3A_1336 : i32 to vector<16xi32>
      %ne3A_1338 = arith.cmpi ne, %rem3A_1335, %ne3A_1337 : vector<16xi32>
      %and3A_1339 = arith.andi %ne3A_1333, %ne3A_1338 : vector<16xi1>
      %sub3A_1340 = arith.constant 1 : i32
      %sub3A_1341 = vector.broadcast %sub3A_1340 : i32 to vector<16xi32>
      %sub3A_1342 = arith.subi %div3A_1315, %sub3A_1341 : vector<16xi32>
      %select_n3A_1343 = arith.select %and3A_1339, %sub3A_1342, %div3A_1315 : vector<16xi1>, vector<16xi32>
      %jit3A_1344 = arith.constant 32 : i32
      %eq3A_1345 = arith.constant 0 : i32
      %eq3A_1346 = arith.cmpi eq, %jit3A_1344, %eq3A_1345 : i32
      %jit3A_1347 = arith.constant 1 : i32
      %select_n3A_1348 = arith.select %eq3A_1346, %jit3A_1347, %jit3A_1344 : i32
      %rem3A_1349 = vector.broadcast %select_n3A_1348 : i32 to vector<16xi32>
      %rem3A_1350 = arith.remsi %sub3A_1312, %rem3A_1349 : vector<16xi32>
      %ne3A_1351 = arith.constant 0 : i32
      %ne3A_1352 = vector.broadcast %ne3A_1351 : i32 to vector<16xi32>
      %ne3A_1353 = arith.cmpi ne, %rem3A_1350, %ne3A_1352 : vector<16xi32>
      %lt3A_1354 = arith.constant 0 : i32
      %lt3A_1355 = vector.broadcast %lt3A_1354 : i32 to vector<16xi32>
      %lt3A_1356 = arith.cmpi slt, %rem3A_1350, %lt3A_1355 : vector<16xi32>
      %lt3A_1357 = arith.constant 0 : i32
      %lt3A_1358 = arith.cmpi slt, %select_n3A_1348, %lt3A_1357 : i32
      %ne3A_1359 = vector.broadcast %lt3A_1358 : i1 to vector<16xi1>
      %ne3A_1360 = vector.broadcast %ne3A_1359 : vector<16xi1> to vector<16xi1>
      %ne3A_1361 = arith.xori %lt3A_1356, %ne3A_1360 : vector<16xi1>
      %and3A_1362 = arith.andi %ne3A_1361, %ne3A_1353 : vector<16xi1>
      %add3A_1363 = vector.broadcast %select_n3A_1348 : i32 to vector<16xi32>
      %add3A_1364 = arith.addi %rem3A_1350, %add3A_1363 : vector<16xi32>
      %select_n3A_1365 = arith.select %and3A_1362, %add3A_1364, %rem3A_1350 : vector<16xi1>, vector<16xi32>
      %ge3A_1366 = arith.constant 2 : i32
      %ge3A_1367 = vector.broadcast %ge3A_1366 : i32 to vector<16xi32>
      %ge3A_1368 = arith.cmpi sge, %get3A_1167, %ge3A_1367 : vector<16xi32>
      tpu.vector_store_idx %arg8[%select_n3A_1343, %select_n3A_1365], %add3A_1172 masked %ge3A_1368 : memref<33x32xi32, #tpu.memory_space<vmem>>[vector<16xi32>, vector<16xi32>], vector<16xi32>, vector<16xi1>
      %all_reduce_population_count3A_1369 = tpu.all_reduce %eq3A_1175 {dim = 0 : i64, kind = #tpu.reduction_kind<sum>} : vector<16xi1> -> vector<16xi32>
      %add3A_1370 = arith.addi %add3A_1159, %all_reduce_population_count3A_1369 : vector<16xi32>
      %all_reduce_population_count3A_1371 = tpu.all_reduce %eq3A_1178 {dim = 0 : i64, kind = #tpu.reduction_kind<sum>} : vector<16xi1> -> vector<16xi32>
      %add3A_1372 = arith.addi %add3A_1161, %all_reduce_population_count3A_1371 : vector<16xi32>
      scf.yield %add3A_1370, %add3A_1372 : vector<16xi32>, vector<16xi32>
    }
    %scan3A_13 = arith.constant 64 : i32
    %slice3A = vector.extract_strided_slice %scan3A_12#0 {offsets = [0], sizes = [1], strides = [1]} : vector<16xi32> to vector<1xi32>
    %squeeze3A = vector.extract %slice3A[0] : i32 from vector<1xi32>
    %slice3A_14 = vector.extract_strided_slice %scan3A_12#1 {offsets = [0], sizes = [1], strides = [1]} : vector<16xi32> to vector<1xi32>
    %squeeze3A_15 = vector.extract %slice3A_14[0] : i32 from vector<1xi32>
    %slice3A_16 = vector.extract_strided_slice %scan3A_12#0 {offsets = [0], sizes = [1], strides = [1]} : vector<16xi32> to vector<1xi32>
    %squeeze3A_17 = vector.extract %slice3A_16[0] : i32 from vector<1xi32>
    %sub3A = arith.constant 1024 : i32
    %sub3A_18 = arith.subi %sub3A, %squeeze3A_17 : i32
    %slice3A_19 = vector.extract_strided_slice %scan3A_12#1 {offsets = [0], sizes = [1], strides = [1]} : vector<16xi32> to vector<1xi32>
    %squeeze3A_20 = vector.extract %slice3A_19[0] : i32 from vector<1xi32>
    %sub3A_21 = arith.subi %sub3A_18, %squeeze3A_20 : i32
    %get3A = arith.constant 0 : i32
    %get3A_22 = arith.index_cast %get3A : i32 to index
    %get3A_23 = arith.constant 0 : index
    %get3A_24 = tpu.vector_load %arg6[%get3A_22, %get3A_23] {strides = array<i32>} : memref<33x32xi32, #tpu.memory_space<vmem>>, vector<16xi32>,
    %broadcast_in_dim3A_25 = arith.constant 0 : i32
    %broadcast_in_dim3A_26 = vector.broadcast %broadcast_in_dim3A_25 : i32 to vector<16xi32>
    %eq3A = arith.constant 0 : i32
    %eq3A_27 = vector.broadcast %eq3A : i32 to vector<16xi32>
    %eq3A_28 = arith.cmpi eq, %iota3A, %eq3A_27 : vector<16xi32>
    %jit3A = arith.constant 0 : i32
    %broadcast_in_dim3A_29 = vector.broadcast %jit3A : i32 to vector<16xi32>
    %select_n3A = arith.select %eq3A_28, %get3A_24, %broadcast_in_dim3A_29 : vector<16xi1>, vector<16xi32>
    %reduce_sum3A = arith.constant true
    %reduce_sum3A_30 = vector.broadcast %reduce_sum3A : i1 to vector<16xi1>
    %reduce_sum3A_31 = tpu.scan <sum>, %select_n3A masked %reduce_sum3A_30 : vector<16xi32>, vector<16xi1> -> vector<16xi32>
    %reduce_sum3A_32 = vector.extract %reduce_sum3A_31[15] : i32 from vector<16xi32>
    %add3A_33 = vector.broadcast %reduce_sum3A_32 : i32 to vector<16xi32>
    %add3A_34 = arith.addi %broadcast_in_dim3A_26, %add3A_33 : vector<16xi32>
    %add3A_35 = arith.constant 0 : i32
    %add3A_36 = arith.addi %squeeze3A, %add3A_35 : i32
    %add3A_37 = vector.broadcast %add3A_36 : i32 to vector<16xi32>
    %add3A_38 = arith.addi %add3A_37, %iota3A : vector<16xi32>
    %jit3A_39 = arith.constant 32 : i32
    %div3A = vector.broadcast %jit3A_39 : i32 to vector<16xi32>
    %div3A_40 = arith.divsi %add3A_38, %div3A : vector<16xi32>
    %sign3A = arith.constant 0 : i32
    %sign3A_41 = vector.broadcast %sign3A : i32 to vector<16xi32>
    %sign3A_42 = arith.cmpi sgt, %add3A_38, %sign3A_41 : vector<16xi32>
    %sign3A_43 = arith.extui %sign3A_42 : vector<16xi1> to vector<16xi32>
    %sign3A_44 = arith.constant 0 : i32
    %sign3A_45 = vector.broadcast %sign3A_44 : i32 to vector<16xi32>
    %sign3A_46 = arith.cmpi slt, %add3A_38, %sign3A_45 : vector<16xi32>
    %sign3A_47 = arith.extui %sign3A_46 : vector<16xi1> to vector<16xi32>
    %sign3A_48 = arith.subi %sign3A_43, %sign3A_47 : vector<16xi32>
    %sign3A_49 = arith.constant 0 : i32
    %sign3A_50 = arith.cmpi sgt, %jit3A_39, %sign3A_49 : i32
    %sign3A_51 = arith.extui %sign3A_50 : i1 to i32
    %sign3A_52 = arith.constant 0 : i32
    %sign3A_53 = arith.cmpi slt, %jit3A_39, %sign3A_52 : i32
    %sign3A_54 = arith.extui %sign3A_53 : i1 to i32
    %sign3A_55 = arith.subi %sign3A_51, %sign3A_54 : i32
    %ne3A = vector.broadcast %sign3A_55 : i32 to vector<16xi32>
    %ne3A_56 = arith.cmpi ne, %sign3A_48, %ne3A : vector<16xi32>
    %rem3A = vector.broadcast %jit3A_39 : i32 to vector<16xi32>
    %rem3A_57 = arith.remsi %add3A_38, %rem3A : vector<16xi32>
    %ne3A_58 = arith.constant 0 : i32
    %ne3A_59 = vector.broadcast %ne3A_58 : i32 to vector<16xi32>
    %ne3A_60 = arith.cmpi ne, %rem3A_57, %ne3A_59 : vector<16xi32>
    %and3A = arith.andi %ne3A_56, %ne3A_60 : vector<16xi1>
    %sub3A_61 = arith.constant 1 : i32
    %sub3A_62 = vector.broadcast %sub3A_61 : i32 to vector<16xi32>
    %sub3A_63 = arith.subi %div3A_40, %sub3A_62 : vector<16xi32>
    %select_n3A_64 = arith.select %and3A, %sub3A_63, %div3A_40 : vector<16xi1>, vector<16xi32>
    %jit3A_65 = arith.constant 32 : i32
    %eq3A_66 = arith.constant 0 : i32
    %eq3A_67 = arith.cmpi eq, %jit3A_65, %eq3A_66 : i32
    %jit3A_68 = arith.constant 1 : i32
    %select_n3A_69 = arith.select %eq3A_67, %jit3A_68, %jit3A_65 : i32
    %rem3A_70 = vector.broadcast %select_n3A_69 : i32 to vector<16xi32>
    %rem3A_71 = arith.remsi %add3A_38, %rem3A_70 : vector<16xi32>
    %ne3A_72 = arith.constant 0 : i32
    %ne3A_73 = vector.broadcast %ne3A_72 : i32 to vector<16xi32>
    %ne3A_74 = arith.cmpi ne, %rem3A_71, %ne3A_73 : vector<16xi32>
    %lt3A = arith.constant 0 : i32
    %lt3A_75 = vector.broadcast %lt3A : i32 to vector<16xi32>
    %lt3A_76 = arith.cmpi slt, %rem3A_71, %lt3A_75 : vector<16xi32>
    %lt3A_77 = arith.constant 0 : i32
    %lt3A_78 = arith.cmpi slt, %select_n3A_69, %lt3A_77 : i32
    %ne3A_79 = vector.broadcast %lt3A_78 : i1 to vector<16xi1>
    %ne3A_80 = vector.broadcast %ne3A_79 : vector<16xi1> to vector<16xi1>
    %ne3A_81 = arith.xori %lt3A_76, %ne3A_80 : vector<16xi1>
    %and3A_82 = arith.andi %ne3A_81, %ne3A_74 : vector<16xi1>
    %add3A_83 = vector.broadcast %select_n3A_69 : i32 to vector<16xi32>
    %add3A_84 = arith.addi %rem3A_71, %add3A_83 : vector<16xi32>
    %select_n3A_85 = arith.select %and3A_82, %add3A_84, %rem3A_71 : vector<16xi1>, vector<16xi32>
    tpu.vector_store_idx %arg6[%select_n3A_64, %select_n3A_85], %add3A_34 : memref<33x32xi32, #tpu.memory_space<vmem>>[vector<16xi32>, vector<16xi32>], vector<16xi32>,
    %add3A_86 = arith.constant 16 : i32
    %add3A_87 = arith.addi %squeeze3A, %add3A_86 : i32
    %add3A_88 = vector.broadcast %add3A_87 : i32 to vector<16xi32>
    %add3A_89 = arith.addi %add3A_88, %iota3A : vector<16xi32>
    %jit3A_90 = arith.constant 32 : i32
    %div3A_91 = vector.broadcast %jit3A_90 : i32 to vector<16xi32>
    %div3A_92 = arith.divsi %add3A_89, %div3A_91 : vector<16xi32>
    %sign3A_93 = arith.constant 0 : i32
    %sign3A_94 = vector.broadcast %sign3A_93 : i32 to vector<16xi32>
    %sign3A_95 = arith.cmpi sgt, %add3A_89, %sign3A_94 : vector<16xi32>
    %sign3A_96 = arith.extui %sign3A_95 : vector<16xi1> to vector<16xi32>
    %sign3A_97 = arith.constant 0 : i32
    %sign3A_98 = vector.broadcast %sign3A_97 : i32 to vector<16xi32>
    %sign3A_99 = arith.cmpi slt, %add3A_89, %sign3A_98 : vector<16xi32>
    %sign3A_100 = arith.extui %sign3A_99 : vector<16xi1> to vector<16xi32>
    %sign3A_101 = arith.subi %sign3A_96, %sign3A_100 : vector<16xi32>
    %sign3A_102 = arith.constant 0 : i32
    %sign3A_103 = arith.cmpi sgt, %jit3A_90, %sign3A_102 : i32
    %sign3A_104 = arith.extui %sign3A_103 : i1 to i32
    %sign3A_105 = arith.constant 0 : i32
    %sign3A_106 = arith.cmpi slt, %jit3A_90, %sign3A_105 : i32
    %sign3A_107 = arith.extui %sign3A_106 : i1 to i32
    %sign3A_108 = arith.subi %sign3A_104, %sign3A_107 : i32
    %ne3A_109 = vector.broadcast %sign3A_108 : i32 to vector<16xi32>
    %ne3A_110 = arith.cmpi ne, %sign3A_101, %ne3A_109 : vector<16xi32>
    %rem3A_111 = vector.broadcast %jit3A_90 : i32 to vector<16xi32>
    %rem3A_112 = arith.remsi %add3A_89, %rem3A_111 : vector<16xi32>
    %ne3A_113 = arith.constant 0 : i32
    %ne3A_114 = vector.broadcast %ne3A_113 : i32 to vector<16xi32>
    %ne3A_115 = arith.cmpi ne, %rem3A_112, %ne3A_114 : vector<16xi32>
    %and3A_116 = arith.andi %ne3A_110, %ne3A_115 : vector<16xi1>
    %sub3A_117 = arith.constant 1 : i32
    %sub3A_118 = vector.broadcast %sub3A_117 : i32 to vector<16xi32>
    %sub3A_119 = arith.subi %div3A_92, %sub3A_118 : vector<16xi32>
    %select_n3A_120 = arith.select %and3A_116, %sub3A_119, %div3A_92 : vector<16xi1>, vector<16xi32>
    %jit3A_121 = arith.constant 32 : i32
    %eq3A_122 = arith.constant 0 : i32
    %eq3A_123 = arith.cmpi eq, %jit3A_121, %eq3A_122 : i32
    %jit3A_124 = arith.constant 1 : i32
    %select_n3A_125 = arith.select %eq3A_123, %jit3A_124, %jit3A_121 : i32
    %rem3A_126 = vector.broadcast %select_n3A_125 : i32 to vector<16xi32>
    %rem3A_127 = arith.remsi %add3A_89, %rem3A_126 : vector<16xi32>
    %ne3A_128 = arith.constant 0 : i32
    %ne3A_129 = vector.broadcast %ne3A_128 : i32 to vector<16xi32>
    %ne3A_130 = arith.cmpi ne, %rem3A_127, %ne3A_129 : vector<16xi32>
    %lt3A_131 = arith.constant 0 : i32
    %lt3A_132 = vector.broadcast %lt3A_131 : i32 to vector<16xi32>
    %lt3A_133 = arith.cmpi slt, %rem3A_127, %lt3A_132 : vector<16xi32>
    %lt3A_134 = arith.constant 0 : i32
    %lt3A_135 = arith.cmpi slt, %select_n3A_125, %lt3A_134 : i32
    %ne3A_136 = vector.broadcast %lt3A_135 : i1 to vector<16xi1>
    %ne3A_137 = vector.broadcast %ne3A_136 : vector<16xi1> to vector<16xi1>
    %ne3A_138 = arith.xori %lt3A_133, %ne3A_137 : vector<16xi1>
    %and3A_139 = arith.andi %ne3A_138, %ne3A_130 : vector<16xi1>
    %add3A_140 = vector.broadcast %select_n3A_125 : i32 to vector<16xi32>
    %add3A_141 = arith.addi %rem3A_127, %add3A_140 : vector<16xi32>
    %select_n3A_142 = arith.select %and3A_139, %add3A_141, %rem3A_127 : vector<16xi1>, vector<16xi32>
    tpu.vector_store_idx %arg6[%select_n3A_120, %select_n3A_142], %add3A_34 : memref<33x32xi32, #tpu.memory_space<vmem>>[vector<16xi32>, vector<16xi32>], vector<16xi32>,
    %add3A_143 = arith.constant 32 : i32
    %add3A_144 = arith.addi %squeeze3A, %add3A_143 : i32
    %sub3A_145 = arith.constant 1 : i32
    %sub3A_146 = arith.subi %add3A_144, %sub3A_145 : i32
    %jit3A_147 = arith.constant 32 : i32
    %div3A_148 = arith.divsi %sub3A_146, %jit3A_147 : i32
    %sign3A_149 = arith.constant 0 : i32
    %sign3A_150 = arith.cmpi sgt, %sub3A_146, %sign3A_149 : i32
    %sign3A_151 = arith.extui %sign3A_150 : i1 to i32
    %sign3A_152 = arith.constant 0 : i32
    %sign3A_153 = arith.cmpi slt, %sub3A_146, %sign3A_152 : i32
    %sign3A_154 = arith.extui %sign3A_153 : i1 to i32
    %sign3A_155 = arith.subi %sign3A_151, %sign3A_154 : i32
    %sign3A_156 = arith.constant 0 : i32
    %sign3A_157 = arith.cmpi sgt, %jit3A_147, %sign3A_156 : i32
    %sign3A_158 = arith.extui %sign3A_157 : i1 to i32
    %sign3A_159 = arith.constant 0 : i32
    %sign3A_160 = arith.cmpi slt, %jit3A_147, %sign3A_159 : i32
    %sign3A_161 = arith.extui %sign3A_160 : i1 to i32
    %sign3A_162 = arith.subi %sign3A_158, %sign3A_161 : i32
    %ne3A_163 = arith.cmpi ne, %sign3A_155, %sign3A_162 : i32
    %rem3A_164 = arith.remsi %sub3A_146, %jit3A_147 : i32
    %ne3A_165 = arith.constant 0 : i32
    %ne3A_166 = arith.cmpi ne, %rem3A_164, %ne3A_165 : i32
    %and3A_167 = arith.andi %ne3A_163, %ne3A_166 : i1
    %sub3A_168 = arith.constant 1 : i32
    %sub3A_169 = arith.subi %div3A_148, %sub3A_168 : i32
    %select_n3A_170 = arith.select %and3A_167, %sub3A_169, %div3A_148 : i32
    %get3A_171 = arith.constant 0 : i32
    %get3A_172 = arith.index_cast %get3A_171 : i32 to index
    %get3A_173 = arith.constant 0 : index
    %get3A_174 = tpu.vector_load %arg7[%get3A_172, %get3A_173] {strides = array<i32>} : memref<33x32xi32, #tpu.memory_space<vmem>>, vector<16xi32>,
    %broadcast_in_dim3A_175 = arith.constant 0 : i32
    %broadcast_in_dim3A_176 = vector.broadcast %broadcast_in_dim3A_175 : i32 to vector<16xi32>
    %eq3A_177 = arith.constant 0 : i32
    %eq3A_178 = vector.broadcast %eq3A_177 : i32 to vector<16xi32>
    %eq3A_179 = arith.cmpi eq, %iota3A, %eq3A_178 : vector<16xi32>
    %jit3A_180 = arith.constant 0 : i32
    %broadcast_in_dim3A_181 = vector.broadcast %jit3A_180 : i32 to vector<16xi32>
    %select_n3A_182 = arith.select %eq3A_179, %get3A_174, %broadcast_in_dim3A_181 : vector<16xi1>, vector<16xi32>
    %reduce_sum3A_183 = arith.constant true
    %reduce_sum3A_184 = vector.broadcast %reduce_sum3A_183 : i1 to vector<16xi1>
    %reduce_sum3A_185 = tpu.scan <sum>, %select_n3A_182 masked %reduce_sum3A_184 : vector<16xi32>, vector<16xi1> -> vector<16xi32>
    %reduce_sum3A_186 = vector.extract %reduce_sum3A_185[15] : i32 from vector<16xi32>
    %add3A_187 = vector.broadcast %reduce_sum3A_186 : i32 to vector<16xi32>
    %add3A_188 = arith.addi %broadcast_in_dim3A_176, %add3A_187 : vector<16xi32>
    %add3A_189 = arith.constant 0 : i32
    %add3A_190 = arith.addi %squeeze3A_15, %add3A_189 : i32
    %add3A_191 = vector.broadcast %add3A_190 : i32 to vector<16xi32>
    %add3A_192 = arith.addi %add3A_191, %iota3A : vector<16xi32>
    %jit3A_193 = arith.constant 32 : i32
    %div3A_194 = vector.broadcast %jit3A_193 : i32 to vector<16xi32>
    %div3A_195 = arith.divsi %add3A_192, %div3A_194 : vector<16xi32>
    %sign3A_196 = arith.constant 0 : i32
    %sign3A_197 = vector.broadcast %sign3A_196 : i32 to vector<16xi32>
    %sign3A_198 = arith.cmpi sgt, %add3A_192, %sign3A_197 : vector<16xi32>
    %sign3A_199 = arith.extui %sign3A_198 : vector<16xi1> to vector<16xi32>
    %sign3A_200 = arith.constant 0 : i32
    %sign3A_201 = vector.broadcast %sign3A_200 : i32 to vector<16xi32>
    %sign3A_202 = arith.cmpi slt, %add3A_192, %sign3A_201 : vector<16xi32>
    %sign3A_203 = arith.extui %sign3A_202 : vector<16xi1> to vector<16xi32>
    %sign3A_204 = arith.subi %sign3A_199, %sign3A_203 : vector<16xi32>
    %sign3A_205 = arith.constant 0 : i32
    %sign3A_206 = arith.cmpi sgt, %jit3A_193, %sign3A_205 : i32
    %sign3A_207 = arith.extui %sign3A_206 : i1 to i32
    %sign3A_208 = arith.constant 0 : i32
    %sign3A_209 = arith.cmpi slt, %jit3A_193, %sign3A_208 : i32
    %sign3A_210 = arith.extui %sign3A_209 : i1 to i32
    %sign3A_211 = arith.subi %sign3A_207, %sign3A_210 : i32
    %ne3A_212 = vector.broadcast %sign3A_211 : i32 to vector<16xi32>
    %ne3A_213 = arith.cmpi ne, %sign3A_204, %ne3A_212 : vector<16xi32>
    %rem3A_214 = vector.broadcast %jit3A_193 : i32 to vector<16xi32>
    %rem3A_215 = arith.remsi %add3A_192, %rem3A_214 : vector<16xi32>
    %ne3A_216 = arith.constant 0 : i32
    %ne3A_217 = vector.broadcast %ne3A_216 : i32 to vector<16xi32>
    %ne3A_218 = arith.cmpi ne, %rem3A_215, %ne3A_217 : vector<16xi32>
    %and3A_219 = arith.andi %ne3A_213, %ne3A_218 : vector<16xi1>
    %sub3A_220 = arith.constant 1 : i32
    %sub3A_221 = vector.broadcast %sub3A_220 : i32 to vector<16xi32>
    %sub3A_222 = arith.subi %div3A_195, %sub3A_221 : vector<16xi32>
    %select_n3A_223 = arith.select %and3A_219, %sub3A_222, %div3A_195 : vector<16xi1>, vector<16xi32>
    %jit3A_224 = arith.constant 32 : i32
    %eq3A_225 = arith.constant 0 : i32
    %eq3A_226 = arith.cmpi eq, %jit3A_224, %eq3A_225 : i32
    %jit3A_227 = arith.constant 1 : i32
    %select_n3A_228 = arith.select %eq3A_226, %jit3A_227, %jit3A_224 : i32
    %rem3A_229 = vector.broadcast %select_n3A_228 : i32 to vector<16xi32>
    %rem3A_230 = arith.remsi %add3A_192, %rem3A_229 : vector<16xi32>
    %ne3A_231 = arith.constant 0 : i32
    %ne3A_232 = vector.broadcast %ne3A_231 : i32 to vector<16xi32>
    %ne3A_233 = arith.cmpi ne, %rem3A_230, %ne3A_232 : vector<16xi32>
    %lt3A_234 = arith.constant 0 : i32
    %lt3A_235 = vector.broadcast %lt3A_234 : i32 to vector<16xi32>
    %lt3A_236 = arith.cmpi slt, %rem3A_230, %lt3A_235 : vector<16xi32>
    %lt3A_237 = arith.constant 0 : i32
    %lt3A_238 = arith.cmpi slt, %select_n3A_228, %lt3A_237 : i32
    %ne3A_239 = vector.broadcast %lt3A_238 : i1 to vector<16xi1>
    %ne3A_240 = vector.broadcast %ne3A_239 : vector<16xi1> to vector<16xi1>
    %ne3A_241 = arith.xori %lt3A_236, %ne3A_240 : vector<16xi1>
    %and3A_242 = arith.andi %ne3A_241, %ne3A_233 : vector<16xi1>
    %add3A_243 = vector.broadcast %select_n3A_228 : i32 to vector<16xi32>
    %add3A_244 = arith.addi %rem3A_230, %add3A_243 : vector<16xi32>
    %select_n3A_245 = arith.select %and3A_242, %add3A_244, %rem3A_230 : vector<16xi1>, vector<16xi32>
    tpu.vector_store_idx %arg7[%select_n3A_223, %select_n3A_245], %add3A_188 : memref<33x32xi32, #tpu.memory_space<vmem>>[vector<16xi32>, vector<16xi32>], vector<16xi32>,
    %add3A_246 = arith.constant 16 : i32
    %add3A_247 = arith.addi %squeeze3A_15, %add3A_246 : i32
    %add3A_248 = vector.broadcast %add3A_247 : i32 to vector<16xi32>
    %add3A_249 = arith.addi %add3A_248, %iota3A : vector<16xi32>
    %jit3A_250 = arith.constant 32 : i32
    %div3A_251 = vector.broadcast %jit3A_250 : i32 to vector<16xi32>
    %div3A_252 = arith.divsi %add3A_249, %div3A_251 : vector<16xi32>
    %sign3A_253 = arith.constant 0 : i32
    %sign3A_254 = vector.broadcast %sign3A_253 : i32 to vector<16xi32>
    %sign3A_255 = arith.cmpi sgt, %add3A_249, %sign3A_254 : vector<16xi32>
    %sign3A_256 = arith.extui %sign3A_255 : vector<16xi1> to vector<16xi32>
    %sign3A_257 = arith.constant 0 : i32
    %sign3A_258 = vector.broadcast %sign3A_257 : i32 to vector<16xi32>
    %sign3A_259 = arith.cmpi slt, %add3A_249, %sign3A_258 : vector<16xi32>
    %sign3A_260 = arith.extui %sign3A_259 : vector<16xi1> to vector<16xi32>
    %sign3A_261 = arith.subi %sign3A_256, %sign3A_260 : vector<16xi32>
    %sign3A_262 = arith.constant 0 : i32
    %sign3A_263 = arith.cmpi sgt, %jit3A_250, %sign3A_262 : i32
    %sign3A_264 = arith.extui %sign3A_263 : i1 to i32
    %sign3A_265 = arith.constant 0 : i32
    %sign3A_266 = arith.cmpi slt, %jit3A_250, %sign3A_265 : i32
    %sign3A_267 = arith.extui %sign3A_266 : i1 to i32
    %sign3A_268 = arith.subi %sign3A_264, %sign3A_267 : i32
    %ne3A_269 = vector.broadcast %sign3A_268 : i32 to vector<16xi32>
    %ne3A_270 = arith.cmpi ne, %sign3A_261, %ne3A_269 : vector<16xi32>
    %rem3A_271 = vector.broadcast %jit3A_250 : i32 to vector<16xi32>
    %rem3A_272 = arith.remsi %add3A_249, %rem3A_271 : vector<16xi32>
    %ne3A_273 = arith.constant 0 : i32
    %ne3A_274 = vector.broadcast %ne3A_273 : i32 to vector<16xi32>
    %ne3A_275 = arith.cmpi ne, %rem3A_272, %ne3A_274 : vector<16xi32>
    %and3A_276 = arith.andi %ne3A_270, %ne3A_275 : vector<16xi1>
    %sub3A_277 = arith.constant 1 : i32
    %sub3A_278 = vector.broadcast %sub3A_277 : i32 to vector<16xi32>
    %sub3A_279 = arith.subi %div3A_252, %sub3A_278 : vector<16xi32>
    %select_n3A_280 = arith.select %and3A_276, %sub3A_279, %div3A_252 : vector<16xi1>, vector<16xi32>
    %jit3A_281 = arith.constant 32 : i32
    %eq3A_282 = arith.constant 0 : i32
    %eq3A_283 = arith.cmpi eq, %jit3A_281, %eq3A_282 : i32
    %jit3A_284 = arith.constant 1 : i32
    %select_n3A_285 = arith.select %eq3A_283, %jit3A_284, %jit3A_281 : i32
    %rem3A_286 = vector.broadcast %select_n3A_285 : i32 to vector<16xi32>
    %rem3A_287 = arith.remsi %add3A_249, %rem3A_286 : vector<16xi32>
    %ne3A_288 = arith.constant 0 : i32
    %ne3A_289 = vector.broadcast %ne3A_288 : i32 to vector<16xi32>
    %ne3A_290 = arith.cmpi ne, %rem3A_287, %ne3A_289 : vector<16xi32>
    %lt3A_291 = arith.constant 0 : i32
    %lt3A_292 = vector.broadcast %lt3A_291 : i32 to vector<16xi32>
    %lt3A_293 = arith.cmpi slt, %rem3A_287, %lt3A_292 : vector<16xi32>
    %lt3A_294 = arith.constant 0 : i32
    %lt3A_295 = arith.cmpi slt, %select_n3A_285, %lt3A_294 : i32
    %ne3A_296 = vector.broadcast %lt3A_295 : i1 to vector<16xi1>
    %ne3A_297 = vector.broadcast %ne3A_296 : vector<16xi1> to vector<16xi1>
    %ne3A_298 = arith.xori %lt3A_293, %ne3A_297 : vector<16xi1>
    %and3A_299 = arith.andi %ne3A_298, %ne3A_290 : vector<16xi1>
    %add3A_300 = vector.broadcast %select_n3A_285 : i32 to vector<16xi32>
    %add3A_301 = arith.addi %rem3A_287, %add3A_300 : vector<16xi32>
    %select_n3A_302 = arith.select %and3A_299, %add3A_301, %rem3A_287 : vector<16xi1>, vector<16xi32>
    tpu.vector_store_idx %arg7[%select_n3A_280, %select_n3A_302], %add3A_188 : memref<33x32xi32, #tpu.memory_space<vmem>>[vector<16xi32>, vector<16xi32>], vector<16xi32>,
    %add3A_303 = arith.constant 32 : i32
    %add3A_304 = arith.addi %squeeze3A_15, %add3A_303 : i32
    %sub3A_305 = arith.constant 1 : i32
    %sub3A_306 = arith.subi %add3A_304, %sub3A_305 : i32
    %jit3A_307 = arith.constant 32 : i32
    %div3A_308 = arith.divsi %sub3A_306, %jit3A_307 : i32
    %sign3A_309 = arith.constant 0 : i32
    %sign3A_310 = arith.cmpi sgt, %sub3A_306, %sign3A_309 : i32
    %sign3A_311 = arith.extui %sign3A_310 : i1 to i32
    %sign3A_312 = arith.constant 0 : i32
    %sign3A_313 = arith.cmpi slt, %sub3A_306, %sign3A_312 : i32
    %sign3A_314 = arith.extui %sign3A_313 : i1 to i32
    %sign3A_315 = arith.subi %sign3A_311, %sign3A_314 : i32
    %sign3A_316 = arith.constant 0 : i32
    %sign3A_317 = arith.cmpi sgt, %jit3A_307, %sign3A_316 : i32
    %sign3A_318 = arith.extui %sign3A_317 : i1 to i32
    %sign3A_319 = arith.constant 0 : i32
    %sign3A_320 = arith.cmpi slt, %jit3A_307, %sign3A_319 : i32
    %sign3A_321 = arith.extui %sign3A_320 : i1 to i32
    %sign3A_322 = arith.subi %sign3A_318, %sign3A_321 : i32
    %ne3A_323 = arith.cmpi ne, %sign3A_315, %sign3A_322 : i32
    %rem3A_324 = arith.remsi %sub3A_306, %jit3A_307 : i32
    %ne3A_325 = arith.constant 0 : i32
    %ne3A_326 = arith.cmpi ne, %rem3A_324, %ne3A_325 : i32
    %and3A_327 = arith.andi %ne3A_323, %ne3A_326 : i1
    %sub3A_328 = arith.constant 1 : i32
    %sub3A_329 = arith.subi %div3A_308, %sub3A_328 : i32
    %select_n3A_330 = arith.select %and3A_327, %sub3A_329, %div3A_308 : i32
    %get3A_331 = arith.constant 0 : i32
    %get3A_332 = arith.index_cast %get3A_331 : i32 to index
    %get3A_333 = arith.constant 0 : index
    %get3A_334 = tpu.vector_load %arg8[%get3A_332, %get3A_333] {strides = array<i32>} : memref<33x32xi32, #tpu.memory_space<vmem>>, vector<16xi32>,
    %broadcast_in_dim3A_335 = arith.constant 0 : i32
    %broadcast_in_dim3A_336 = vector.broadcast %broadcast_in_dim3A_335 : i32 to vector<16xi32>
    %eq3A_337 = arith.constant 0 : i32
    %eq3A_338 = vector.broadcast %eq3A_337 : i32 to vector<16xi32>
    %eq3A_339 = arith.cmpi eq, %iota3A, %eq3A_338 : vector<16xi32>
    %jit3A_340 = arith.constant 0 : i32
    %broadcast_in_dim3A_341 = vector.broadcast %jit3A_340 : i32 to vector<16xi32>
    %select_n3A_342 = arith.select %eq3A_339, %get3A_334, %broadcast_in_dim3A_341 : vector<16xi1>, vector<16xi32>
    %reduce_sum3A_343 = arith.constant true
    %reduce_sum3A_344 = vector.broadcast %reduce_sum3A_343 : i1 to vector<16xi1>
    %reduce_sum3A_345 = tpu.scan <sum>, %select_n3A_342 masked %reduce_sum3A_344 : vector<16xi32>, vector<16xi1> -> vector<16xi32>
    %reduce_sum3A_346 = vector.extract %reduce_sum3A_345[15] : i32 from vector<16xi32>
    %add3A_347 = vector.broadcast %reduce_sum3A_346 : i32 to vector<16xi32>
    %add3A_348 = arith.addi %broadcast_in_dim3A_336, %add3A_347 : vector<16xi32>
    %add3A_349 = arith.constant 0 : i32
    %add3A_350 = arith.addi %sub3A_21, %add3A_349 : i32
    %add3A_351 = vector.broadcast %add3A_350 : i32 to vector<16xi32>
    %add3A_352 = arith.addi %add3A_351, %iota3A : vector<16xi32>
    %jit3A_353 = arith.constant 32 : i32
    %div3A_354 = vector.broadcast %jit3A_353 : i32 to vector<16xi32>
    %div3A_355 = arith.divsi %add3A_352, %div3A_354 : vector<16xi32>
    %sign3A_356 = arith.constant 0 : i32
    %sign3A_357 = vector.broadcast %sign3A_356 : i32 to vector<16xi32>
    %sign3A_358 = arith.cmpi sgt, %add3A_352, %sign3A_357 : vector<16xi32>
    %sign3A_359 = arith.extui %sign3A_358 : vector<16xi1> to vector<16xi32>
    %sign3A_360 = arith.constant 0 : i32
    %sign3A_361 = vector.broadcast %sign3A_360 : i32 to vector<16xi32>
    %sign3A_362 = arith.cmpi slt, %add3A_352, %sign3A_361 : vector<16xi32>
    %sign3A_363 = arith.extui %sign3A_362 : vector<16xi1> to vector<16xi32>
    %sign3A_364 = arith.subi %sign3A_359, %sign3A_363 : vector<16xi32>
    %sign3A_365 = arith.constant 0 : i32
    %sign3A_366 = arith.cmpi sgt, %jit3A_353, %sign3A_365 : i32
    %sign3A_367 = arith.extui %sign3A_366 : i1 to i32
    %sign3A_368 = arith.constant 0 : i32
    %sign3A_369 = arith.cmpi slt, %jit3A_353, %sign3A_368 : i32
    %sign3A_370 = arith.extui %sign3A_369 : i1 to i32
    %sign3A_371 = arith.subi %sign3A_367, %sign3A_370 : i32
    %ne3A_372 = vector.broadcast %sign3A_371 : i32 to vector<16xi32>
    %ne3A_373 = arith.cmpi ne, %sign3A_364, %ne3A_372 : vector<16xi32>
    %rem3A_374 = vector.broadcast %jit3A_353 : i32 to vector<16xi32>
    %rem3A_375 = arith.remsi %add3A_352, %rem3A_374 : vector<16xi32>
    %ne3A_376 = arith.constant 0 : i32
    %ne3A_377 = vector.broadcast %ne3A_376 : i32 to vector<16xi32>
    %ne3A_378 = arith.cmpi ne, %rem3A_375, %ne3A_377 : vector<16xi32>
    %and3A_379 = arith.andi %ne3A_373, %ne3A_378 : vector<16xi1>
    %sub3A_380 = arith.constant 1 : i32
    %sub3A_381 = vector.broadcast %sub3A_380 : i32 to vector<16xi32>
    %sub3A_382 = arith.subi %div3A_355, %sub3A_381 : vector<16xi32>
    %select_n3A_383 = arith.select %and3A_379, %sub3A_382, %div3A_355 : vector<16xi1>, vector<16xi32>
    %jit3A_384 = arith.constant 32 : i32
    %eq3A_385 = arith.constant 0 : i32
    %eq3A_386 = arith.cmpi eq, %jit3A_384, %eq3A_385 : i32
    %jit3A_387 = arith.constant 1 : i32
    %select_n3A_388 = arith.select %eq3A_386, %jit3A_387, %jit3A_384 : i32
    %rem3A_389 = vector.broadcast %select_n3A_388 : i32 to vector<16xi32>
    %rem3A_390 = arith.remsi %add3A_352, %rem3A_389 : vector<16xi32>
    %ne3A_391 = arith.constant 0 : i32
    %ne3A_392 = vector.broadcast %ne3A_391 : i32 to vector<16xi32>
    %ne3A_393 = arith.cmpi ne, %rem3A_390, %ne3A_392 : vector<16xi32>
    %lt3A_394 = arith.constant 0 : i32
    %lt3A_395 = vector.broadcast %lt3A_394 : i32 to vector<16xi32>
    %lt3A_396 = arith.cmpi slt, %rem3A_390, %lt3A_395 : vector<16xi32>
    %lt3A_397 = arith.constant 0 : i32
    %lt3A_398 = arith.cmpi slt, %select_n3A_388, %lt3A_397 : i32
    %ne3A_399 = vector.broadcast %lt3A_398 : i1 to vector<16xi1>
    %ne3A_400 = vector.broadcast %ne3A_399 : vector<16xi1> to vector<16xi1>
    %ne3A_401 = arith.xori %lt3A_396, %ne3A_400 : vector<16xi1>
    %and3A_402 = arith.andi %ne3A_401, %ne3A_393 : vector<16xi1>
    %add3A_403 = vector.broadcast %select_n3A_388 : i32 to vector<16xi32>
    %add3A_404 = arith.addi %rem3A_390, %add3A_403 : vector<16xi32>
    %select_n3A_405 = arith.select %and3A_402, %add3A_404, %rem3A_390 : vector<16xi1>, vector<16xi32>
    tpu.vector_store_idx %arg8[%select_n3A_383, %select_n3A_405], %add3A_348 : memref<33x32xi32, #tpu.memory_space<vmem>>[vector<16xi32>, vector<16xi32>], vector<16xi32>,
    %add3A_406 = arith.constant 16 : i32
    %add3A_407 = arith.addi %sub3A_21, %add3A_406 : i32
    %add3A_408 = vector.broadcast %add3A_407 : i32 to vector<16xi32>
    %add3A_409 = arith.addi %add3A_408, %iota3A : vector<16xi32>
    %jit3A_410 = arith.constant 32 : i32
    %div3A_411 = vector.broadcast %jit3A_410 : i32 to vector<16xi32>
    %div3A_412 = arith.divsi %add3A_409, %div3A_411 : vector<16xi32>
    %sign3A_413 = arith.constant 0 : i32
    %sign3A_414 = vector.broadcast %sign3A_413 : i32 to vector<16xi32>
    %sign3A_415 = arith.cmpi sgt, %add3A_409, %sign3A_414 : vector<16xi32>
    %sign3A_416 = arith.extui %sign3A_415 : vector<16xi1> to vector<16xi32>
    %sign3A_417 = arith.constant 0 : i32
    %sign3A_418 = vector.broadcast %sign3A_417 : i32 to vector<16xi32>
    %sign3A_419 = arith.cmpi slt, %add3A_409, %sign3A_418 : vector<16xi32>
    %sign3A_420 = arith.extui %sign3A_419 : vector<16xi1> to vector<16xi32>
    %sign3A_421 = arith.subi %sign3A_416, %sign3A_420 : vector<16xi32>
    %sign3A_422 = arith.constant 0 : i32
    %sign3A_423 = arith.cmpi sgt, %jit3A_410, %sign3A_422 : i32
    %sign3A_424 = arith.extui %sign3A_423 : i1 to i32
    %sign3A_425 = arith.constant 0 : i32
    %sign3A_426 = arith.cmpi slt, %jit3A_410, %sign3A_425 : i32
    %sign3A_427 = arith.extui %sign3A_426 : i1 to i32
    %sign3A_428 = arith.subi %sign3A_424, %sign3A_427 : i32
    %ne3A_429 = vector.broadcast %sign3A_428 : i32 to vector<16xi32>
    %ne3A_430 = arith.cmpi ne, %sign3A_421, %ne3A_429 : vector<16xi32>
    %rem3A_431 = vector.broadcast %jit3A_410 : i32 to vector<16xi32>
    %rem3A_432 = arith.remsi %add3A_409, %rem3A_431 : vector<16xi32>
    %ne3A_433 = arith.constant 0 : i32
    %ne3A_434 = vector.broadcast %ne3A_433 : i32 to vector<16xi32>
    %ne3A_435 = arith.cmpi ne, %rem3A_432, %ne3A_434 : vector<16xi32>
    %and3A_436 = arith.andi %ne3A_430, %ne3A_435 : vector<16xi1>
    %sub3A_437 = arith.constant 1 : i32
    %sub3A_438 = vector.broadcast %sub3A_437 : i32 to vector<16xi32>
    %sub3A_439 = arith.subi %div3A_412, %sub3A_438 : vector<16xi32>
    %select_n3A_440 = arith.select %and3A_436, %sub3A_439, %div3A_412 : vector<16xi1>, vector<16xi32>
    %jit3A_441 = arith.constant 32 : i32
    %eq3A_442 = arith.constant 0 : i32
    %eq3A_443 = arith.cmpi eq, %jit3A_441, %eq3A_442 : i32
    %jit3A_444 = arith.constant 1 : i32
    %select_n3A_445 = arith.select %eq3A_443, %jit3A_444, %jit3A_441 : i32
    %rem3A_446 = vector.broadcast %select_n3A_445 : i32 to vector<16xi32>
    %rem3A_447 = arith.remsi %add3A_409, %rem3A_446 : vector<16xi32>
    %ne3A_448 = arith.constant 0 : i32
    %ne3A_449 = vector.broadcast %ne3A_448 : i32 to vector<16xi32>
    %ne3A_450 = arith.cmpi ne, %rem3A_447, %ne3A_449 : vector<16xi32>
    %lt3A_451 = arith.constant 0 : i32
    %lt3A_452 = vector.broadcast %lt3A_451 : i32 to vector<16xi32>
    %lt3A_453 = arith.cmpi slt, %rem3A_447, %lt3A_452 : vector<16xi32>
    %lt3A_454 = arith.constant 0 : i32
    %lt3A_455 = arith.cmpi slt, %select_n3A_445, %lt3A_454 : i32
    %ne3A_456 = vector.broadcast %lt3A_455 : i1 to vector<16xi1>
    %ne3A_457 = vector.broadcast %ne3A_456 : vector<16xi1> to vector<16xi1>
    %ne3A_458 = arith.xori %lt3A_453, %ne3A_457 : vector<16xi1>
    %and3A_459 = arith.andi %ne3A_458, %ne3A_450 : vector<16xi1>
    %add3A_460 = vector.broadcast %select_n3A_445 : i32 to vector<16xi32>
    %add3A_461 = arith.addi %rem3A_447, %add3A_460 : vector<16xi32>
    %select_n3A_462 = arith.select %and3A_459, %add3A_461, %rem3A_447 : vector<16xi1>, vector<16xi32>
    tpu.vector_store_idx %arg8[%select_n3A_440, %select_n3A_462], %add3A_348 : memref<33x32xi32, #tpu.memory_space<vmem>>[vector<16xi32>, vector<16xi32>], vector<16xi32>,
    %add3A_463 = arith.constant 32 : i32
    %add3A_464 = arith.addi %sub3A_21, %add3A_463 : i32
    %sub3A_465 = arith.constant 1 : i32
    %sub3A_466 = arith.subi %add3A_464, %sub3A_465 : i32
    %jit3A_467 = arith.constant 32 : i32
    %div3A_468 = arith.divsi %sub3A_466, %jit3A_467 : i32
    %sign3A_469 = arith.constant 0 : i32
    %sign3A_470 = arith.cmpi sgt, %sub3A_466, %sign3A_469 : i32
    %sign3A_471 = arith.extui %sign3A_470 : i1 to i32
    %sign3A_472 = arith.constant 0 : i32
    %sign3A_473 = arith.cmpi slt, %sub3A_466, %sign3A_472 : i32
    %sign3A_474 = arith.extui %sign3A_473 : i1 to i32
    %sign3A_475 = arith.subi %sign3A_471, %sign3A_474 : i32
    %sign3A_476 = arith.constant 0 : i32
    %sign3A_477 = arith.cmpi sgt, %jit3A_467, %sign3A_476 : i32
    %sign3A_478 = arith.extui %sign3A_477 : i1 to i32
    %sign3A_479 = arith.constant 0 : i32
    %sign3A_480 = arith.cmpi slt, %jit3A_467, %sign3A_479 : i32
    %sign3A_481 = arith.extui %sign3A_480 : i1 to i32
    %sign3A_482 = arith.subi %sign3A_478, %sign3A_481 : i32
    %ne3A_483 = arith.cmpi ne, %sign3A_475, %sign3A_482 : i32
    %rem3A_484 = arith.remsi %sub3A_466, %jit3A_467 : i32
    %ne3A_485 = arith.constant 0 : i32
    %ne3A_486 = arith.cmpi ne, %rem3A_484, %ne3A_485 : i32
    %and3A_487 = arith.andi %ne3A_483, %ne3A_486 : i1
    %sub3A_488 = arith.constant 1 : i32
    %sub3A_489 = arith.subi %div3A_468, %sub3A_488 : i32
    %select_n3A_490 = arith.select %and3A_487, %sub3A_489, %div3A_468 : i32
    %while3A = arith.constant 0 : i32
    %while3A_491 = arith.constant 0 : i32
    %while3A_492 = arith.subi %select_n3A_170, %while3A_491 : i32
    %while3A_493 = arith.addi %while3A_491, %while3A_492 : i32
    %while3A_494 = arith.constant 1 : i32
    %while3A_495 = arith.divsi %while3A_492, %while3A_494 : i32
    %while3A_496 = arith.muli %while3A_495, %while3A_494 : i32
    %while3A_497 = arith.addi %while3A_491, %while3A_496 : i32
    %while3A_498 = arith.constant 1 : i32
    scf.for %while3A_532 = %while3A_491 to %while3A_497 step %while3A_498  : i32 {
      %dma_start3A = arith.constant 0 : i32
      %dma_start3A_533 = arith.constant 0 : i32
      %dma_start3A_534 = tpu.memref_slice %arg10[%dma_start3A, %dma_start3A_533] : memref<96x1024xf32, #tpu.memory_space<vmem>> -> memref<32x1024xf32, #tpu.memory_space<vmem>>
      %dma_start3A_535 = arith.constant 0 : i32
      %dma_start3A_536 = tpu.memref_slice %arg6[%while3A_532, %dma_start3A_535] : memref<33x32xi32, #tpu.memory_space<vmem>> -> memref<1x32xi32, #tpu.memory_space<vmem>>
      %dma_start3A_537 = tpu.memref_squeeze %dma_start3A_536 : memref<1x32xi32, #tpu.memory_space<vmem>> -> memref<32xi32, #tpu.memory_space<vmem>>
      %dma_start3A_538 = arith.constant 0 : i32
      %dma_start3A_539 = arith.constant 0 : i32
      %dma_start3A_540 = tpu.memref_slice %arg4[%dma_start3A_538, %dma_start3A_539] : memref<32768x1024xf32, #tpu.memory_space<hbm>> -> memref<32768x1024xf32, #tpu.memory_space<hbm>>
      tpu.enqueue_indirect_dma source(%dma_start3A_534 : memref<32x1024xf32, #tpu.memory_space<vmem>>) target(%dma_start3A_540 : memref<32768x1024xf32, #tpu.memory_space<hbm>>) offsets(%dma_start3A_537 : memref<32xi32, #tpu.memory_space<vmem>>) semaphore(%arg11 : memref<!tpu.dma_semaphore, #tpu.memory_space<semaphore_mem>>)
    }
    %while3A_499 = arith.constant 1 : i32
    scf.for %while3A_532 = %while3A_497 to %while3A_493 step %while3A_499  : i32 {
      %dma_start3A = arith.constant 0 : i32
      %dma_start3A_533 = arith.constant 0 : i32
      %dma_start3A_534 = tpu.memref_slice %arg10[%dma_start3A, %dma_start3A_533] : memref<96x1024xf32, #tpu.memory_space<vmem>> -> memref<32x1024xf32, #tpu.memory_space<vmem>>
      %dma_start3A_535 = arith.constant 0 : i32
      %dma_start3A_536 = tpu.memref_slice %arg6[%while3A_532, %dma_start3A_535] : memref<33x32xi32, #tpu.memory_space<vmem>> -> memref<1x32xi32, #tpu.memory_space<vmem>>
      %dma_start3A_537 = tpu.memref_squeeze %dma_start3A_536 : memref<1x32xi32, #tpu.memory_space<vmem>> -> memref<32xi32, #tpu.memory_space<vmem>>
      %dma_start3A_538 = arith.constant 0 : i32
      %dma_start3A_539 = arith.constant 0 : i32
      %dma_start3A_540 = tpu.memref_slice %arg4[%dma_start3A_538, %dma_start3A_539] : memref<32768x1024xf32, #tpu.memory_space<hbm>> -> memref<32768x1024xf32, #tpu.memory_space<hbm>>
      tpu.enqueue_indirect_dma source(%dma_start3A_534 : memref<32x1024xf32, #tpu.memory_space<vmem>>) target(%dma_start3A_540 : memref<32768x1024xf32, #tpu.memory_space<hbm>>) offsets(%dma_start3A_537 : memref<32xi32, #tpu.memory_space<vmem>>) semaphore(%arg11 : memref<!tpu.dma_semaphore, #tpu.memory_space<semaphore_mem>>)
    }
    %while3A_500 = arith.constant 0 : i32
    %while3A_501 = arith.constant 0 : i32
    %while3A_502 = arith.subi %select_n3A_330, %while3A_501 : i32
    %while3A_503 = arith.addi %while3A_501, %while3A_502 : i32
    %while3A_504 = arith.constant 1 : i32
    %while3A_505 = arith.divsi %while3A_502, %while3A_504 : i32
    %while3A_506 = arith.muli %while3A_505, %while3A_504 : i32
    %while3A_507 = arith.addi %while3A_501, %while3A_506 : i32
    %while3A_508 = arith.constant 1 : i32
    scf.for %while3A_532 = %while3A_501 to %while3A_507 step %while3A_508  : i32 {
      %dma_start3A = arith.constant 32 : i32
      %dma_start3A_533 = arith.constant 0 : i32
      %dma_start3A_534 = tpu.memref_slice %arg10[%dma_start3A, %dma_start3A_533] : memref<96x1024xf32, #tpu.memory_space<vmem>> -> memref<32x1024xf32, #tpu.memory_space<vmem>>
      %dma_start3A_535 = arith.constant 0 : i32
      %dma_start3A_536 = tpu.memref_slice %arg7[%while3A_532, %dma_start3A_535] : memref<33x32xi32, #tpu.memory_space<vmem>> -> memref<1x32xi32, #tpu.memory_space<vmem>>
      %dma_start3A_537 = tpu.memref_squeeze %dma_start3A_536 : memref<1x32xi32, #tpu.memory_space<vmem>> -> memref<32xi32, #tpu.memory_space<vmem>>
      %dma_start3A_538 = arith.constant 0 : i32
      %dma_start3A_539 = arith.constant 0 : i32
      %dma_start3A_540 = tpu.memref_slice %arg4[%dma_start3A_538, %dma_start3A_539] : memref<32768x1024xf32, #tpu.memory_space<hbm>> -> memref<32768x1024xf32, #tpu.memory_space<hbm>>
      tpu.enqueue_indirect_dma source(%dma_start3A_534 : memref<32x1024xf32, #tpu.memory_space<vmem>>) target(%dma_start3A_540 : memref<32768x1024xf32, #tpu.memory_space<hbm>>) offsets(%dma_start3A_537 : memref<32xi32, #tpu.memory_space<vmem>>) semaphore(%arg11 : memref<!tpu.dma_semaphore, #tpu.memory_space<semaphore_mem>>)
    }
    %while3A_509 = arith.constant 1 : i32
    scf.for %while3A_532 = %while3A_507 to %while3A_503 step %while3A_509  : i32 {
      %dma_start3A = arith.constant 32 : i32
      %dma_start3A_533 = arith.constant 0 : i32
      %dma_start3A_534 = tpu.memref_slice %arg10[%dma_start3A, %dma_start3A_533] : memref<96x1024xf32, #tpu.memory_space<vmem>> -> memref<32x1024xf32, #tpu.memory_space<vmem>>
      %dma_start3A_535 = arith.constant 0 : i32
      %dma_start3A_536 = tpu.memref_slice %arg7[%while3A_532, %dma_start3A_535] : memref<33x32xi32, #tpu.memory_space<vmem>> -> memref<1x32xi32, #tpu.memory_space<vmem>>
      %dma_start3A_537 = tpu.memref_squeeze %dma_start3A_536 : memref<1x32xi32, #tpu.memory_space<vmem>> -> memref<32xi32, #tpu.memory_space<vmem>>
      %dma_start3A_538 = arith.constant 0 : i32
      %dma_start3A_539 = arith.constant 0 : i32
      %dma_start3A_540 = tpu.memref_slice %arg4[%dma_start3A_538, %dma_start3A_539] : memref<32768x1024xf32, #tpu.memory_space<hbm>> -> memref<32768x1024xf32, #tpu.memory_space<hbm>>
      tpu.enqueue_indirect_dma source(%dma_start3A_534 : memref<32x1024xf32, #tpu.memory_space<vmem>>) target(%dma_start3A_540 : memref<32768x1024xf32, #tpu.memory_space<hbm>>) offsets(%dma_start3A_537 : memref<32xi32, #tpu.memory_space<vmem>>) semaphore(%arg11 : memref<!tpu.dma_semaphore, #tpu.memory_space<semaphore_mem>>)
    }
    %while3A_510 = arith.constant 0 : i32
    %while3A_511 = arith.constant 0 : i32
    %while3A_512 = arith.subi %select_n3A_490, %while3A_511 : i32
    %while3A_513 = arith.addi %while3A_511, %while3A_512 : i32
    %while3A_514 = arith.constant 1 : i32
    %while3A_515 = arith.divsi %while3A_512, %while3A_514 : i32
    %while3A_516 = arith.muli %while3A_515, %while3A_514 : i32
    %while3A_517 = arith.addi %while3A_511, %while3A_516 : i32
    %while3A_518 = arith.constant 1 : i32
    scf.for %while3A_532 = %while3A_511 to %while3A_517 step %while3A_518  : i32 {
      %dma_start3A = arith.constant 64 : i32
      %dma_start3A_533 = arith.constant 0 : i32
      %dma_start3A_534 = tpu.memref_slice %arg10[%dma_start3A, %dma_start3A_533] : memref<96x1024xf32, #tpu.memory_space<vmem>> -> memref<32x1024xf32, #tpu.memory_space<vmem>>
      %dma_start3A_535 = arith.constant 0 : i32
      %dma_start3A_536 = tpu.memref_slice %arg8[%while3A_532, %dma_start3A_535] : memref<33x32xi32, #tpu.memory_space<vmem>> -> memref<1x32xi32, #tpu.memory_space<vmem>>
      %dma_start3A_537 = tpu.memref_squeeze %dma_start3A_536 : memref<1x32xi32, #tpu.memory_space<vmem>> -> memref<32xi32, #tpu.memory_space<vmem>>
      %dma_start3A_538 = arith.constant 0 : i32
      %dma_start3A_539 = arith.constant 0 : i32
      %dma_start3A_540 = tpu.memref_slice %arg4[%dma_start3A_538, %dma_start3A_539] : memref<32768x1024xf32, #tpu.memory_space<hbm>> -> memref<32768x1024xf32, #tpu.memory_space<hbm>>
      tpu.enqueue_indirect_dma source(%dma_start3A_534 : memref<32x1024xf32, #tpu.memory_space<vmem>>) target(%dma_start3A_540 : memref<32768x1024xf32, #tpu.memory_space<hbm>>) offsets(%dma_start3A_537 : memref<32xi32, #tpu.memory_space<vmem>>) semaphore(%arg11 : memref<!tpu.dma_semaphore, #tpu.memory_space<semaphore_mem>>)
    }
    %while3A_519 = arith.constant 1 : i32
    scf.for %while3A_532 = %while3A_517 to %while3A_513 step %while3A_519  : i32 {
      %dma_start3A = arith.constant 64 : i32
      %dma_start3A_533 = arith.constant 0 : i32
      %dma_start3A_534 = tpu.memref_slice %arg10[%dma_start3A, %dma_start3A_533] : memref<96x1024xf32, #tpu.memory_space<vmem>> -> memref<32x1024xf32, #tpu.memory_space<vmem>>
      %dma_start3A_535 = arith.constant 0 : i32
      %dma_start3A_536 = tpu.memref_slice %arg8[%while3A_532, %dma_start3A_535] : memref<33x32xi32, #tpu.memory_space<vmem>> -> memref<1x32xi32, #tpu.memory_space<vmem>>
      %dma_start3A_537 = tpu.memref_squeeze %dma_start3A_536 : memref<1x32xi32, #tpu.memory_space<vmem>> -> memref<32xi32, #tpu.memory_space<vmem>>
      %dma_start3A_538 = arith.constant 0 : i32
      %dma_start3A_539 = arith.constant 0 : i32
      %dma_start3A_540 = tpu.memref_slice %arg4[%dma_start3A_538, %dma_start3A_539] : memref<32768x1024xf32, #tpu.memory_space<hbm>> -> memref<32768x1024xf32, #tpu.memory_space<hbm>>
      tpu.enqueue_indirect_dma source(%dma_start3A_534 : memref<32x1024xf32, #tpu.memory_space<vmem>>) target(%dma_start3A_540 : memref<32768x1024xf32, #tpu.memory_space<hbm>>) offsets(%dma_start3A_537 : memref<32xi32, #tpu.memory_space<vmem>>) semaphore(%arg11 : memref<!tpu.dma_semaphore, #tpu.memory_space<semaphore_mem>>)
    }
    %add3A_520 = arith.addi %select_n3A_170, %select_n3A_330 : i32
    %add3A_521 = arith.addi %add3A_520, %select_n3A_490 : i32
    %while3A_522 = arith.constant 0 : i32
    %while3A_523 = arith.constant 0 : i32
    %while3A_524 = arith.subi %add3A_521, %while3A_523 : i32
    %while3A_525 = arith.addi %while3A_523, %while3A_524 : i32
    %while3A_526 = arith.constant 1 : i32
    %while3A_527 = arith.divsi %while3A_524, %while3A_526 : i32
    %while3A_528 = arith.muli %while3A_527, %while3A_526 : i32
    %while3A_529 = arith.addi %while3A_523, %while3A_528 : i32
    %while3A_530 = arith.constant 1 : i32
    scf.for %while3A_532 = %while3A_523 to %while3A_529 step %while3A_530  : i32 {
      %dma_wait3A = arith.constant 0 : i32
      %dma_wait3A_533 = arith.constant 0 : i32
      %dma_wait3A_534 = arith.constant 0 : i32
      %dma_wait3A_535 = tpu.memref_slice %arg10[%dma_wait3A_533, %dma_wait3A_534] : memref<96x1024xf32, #tpu.memory_space<vmem>> -> memref<32x1024xf32, #tpu.memory_space<vmem>>
      %dma_wait3A_536 = arith.constant 0 : i32
      %dma_wait3A_537 = tpu.memref_slice %arg6[%dma_wait3A, %dma_wait3A_536] : memref<33x32xi32, #tpu.memory_space<vmem>> -> memref<1x32xi32, #tpu.memory_space<vmem>>
      %dma_wait3A_538 = tpu.memref_squeeze %dma_wait3A_537 : memref<1x32xi32, #tpu.memory_space<vmem>> -> memref<32xi32, #tpu.memory_space<vmem>>
      %dma_wait3A_539 = arith.constant 0 : i32
      %dma_wait3A_540 = arith.constant 0 : i32
      %dma_wait3A_541 = tpu.memref_slice %arg4[%dma_wait3A_539, %dma_wait3A_540] : memref<32768x1024xf32, #tpu.memory_space<hbm>> -> memref<32768x1024xf32, #tpu.memory_space<hbm>>
      tpu.wait_indirect_dma semaphore(%arg11 : memref<!tpu.dma_semaphore, #tpu.memory_space<semaphore_mem>>) src(%dma_wait3A_535 : memref<32x1024xf32, #tpu.memory_space<vmem>>) dst(%dma_wait3A_541 : memref<32768x1024xf32, #tpu.memory_space<hbm>>)
    }
    %while3A_531 = arith.constant 1 : i32
    scf.for %while3A_532 = %while3A_529 to %while3A_525 step %while3A_531  : i32 {
      %dma_wait3A = arith.constant 0 : i32
      %dma_wait3A_533 = arith.constant 0 : i32
      %dma_wait3A_534 = arith.constant 0 : i32
      %dma_wait3A_535 = tpu.memref_slice %arg10[%dma_wait3A_533, %dma_wait3A_534] : memref<96x1024xf32, #tpu.memory_space<vmem>> -> memref<32x1024xf32, #tpu.memory_space<vmem>>
      %dma_wait3A_536 = arith.constant 0 : i32
      %dma_wait3A_537 = tpu.memref_slice %arg6[%dma_wait3A, %dma_wait3A_536] : memref<33x32xi32, #tpu.memory_space<vmem>> -> memref<1x32xi32, #tpu.memory_space<vmem>>
      %dma_wait3A_538 = tpu.memref_squeeze %dma_wait3A_537 : memref<1x32xi32, #tpu.memory_space<vmem>> -> memref<32xi32, #tpu.memory_space<vmem>>
      %dma_wait3A_539 = arith.constant 0 : i32
      %dma_wait3A_540 = arith.constant 0 : i32
      %dma_wait3A_541 = tpu.memref_slice %arg4[%dma_wait3A_539, %dma_wait3A_540] : memref<32768x1024xf32, #tpu.memory_space<hbm>> -> memref<32768x1024xf32, #tpu.memory_space<hbm>>
      tpu.wait_indirect_dma semaphore(%arg11 : memref<!tpu.dma_semaphore, #tpu.memory_space<semaphore_mem>>) src(%dma_wait3A_535 : memref<32x1024xf32, #tpu.memory_space<vmem>>) dst(%dma_wait3A_541 : memref<32768x1024xf32, #tpu.memory_space<hbm>>)
    }
    return
  }
}

</mosaic_0001>

<sc_bundles>
// kernel: kernel.3.cloned.1.call-start
scs
__scs_entry_jumppad:
0x0: {  	(pc) =	sbr.rel $0x88, $3  }
0x1: {  	(tag) =	ssettag $0x0;
	lr =	simm.s32 $0x1  }
0x2: {  	[smem:$0x3F9F] =	sst lr;
	_ =	strace $0xD0000000  }
0x3: {  	_ = 	snop  }
0x4: {  	_ = 	snop  }
0x5: {  	_ = 	snop  }
0x6: {  	_ = 	snop  }
0x7: {  	_ = 	snop  }
__scs_overlays_trampoline_lowered:
0x8: {  	[smem:$0x3FAE] =	sst s0  }
0x9: {  	[smem:$0x3FAF] =	sst s1  }
0xa: {  	[smem:$0x3FB0] =	sst s2  }
0xb: {  	[smem:$0x3FB1] =	sst s3  }
0xc: {  	[smem:$0x3FB2] =	sst s4  }
0xd: {  	[smem:$0x3FB3] =	sst s5  }
0xe: {  	[smem:$0x3FB4] =	sst s6  }
0xf: {  	[smem:$0x3FB5] =	sst s7  }
0x10: {  	[smem:$0x3FB6] =	sst s8  }
0x11: {  	[smem:$0x3FB7] =	sst s9;
	s0 =	simm.s32 @!p0 $0x0  }
0x12: {  	s1 =	sld [smem:$0x3F9D];
	s0 =	simm.s32 @p0 $0x1  }
0x13: {  	[smem:$0x3FB8] =	sst s0;
	s0 =	simm.s32 @!p1 $0x0  }
0x14: {  	s2 =	sld [smem:$0x3F9C];
	s0 =	simm.s32 @p1 $0x1  }
0x15: {  	[smem:$0x3FB9] =	sst s0;
	s0 =	simm.s32 @!p2 $0x0  }
0x16: {  	s3 =	sld [smem:$0x3FDB];
	s0 =	simm.s32 @p2 $0x1  }
0x17: {  	s4 =	simm.s32 $0x1BF5;
	[smem:$0x3FBB] =	sst s0  }
0x18: {  	s0 =	sld [smem:$0x3F9E];
	_ =	swait.ge [sflag:s4], $0x0  }
0x19: {  	s7 =	sld [smem:$0x3F9F]  }
0x1a: {  	s8 =	sadd.s32 $0xFFFFE003, lr  }
0x1b: {  	s9 =	sadd.s32 $0xFFFFFEF7, lr;
	s5 =	simm.s32 $0xFFFFFFFF;
	p2 =	slt.u32 s8, $0xFFFFF086  }
0x1c: {  	p1 =	slt.u32 s9, $0xF7A;
	s5 =	simm.s32 @!p2 $0x0  }
0x1d: {  	s5 =	simm.s32 @p1 $0x1;
	p0 =	seq.s32 s7, s2  }
0x1e: {  	s7 =	smul.u32 @!p0 $0xF7A, s2;
	p2 =	seq.s32 @!p0 s5, $0x0  }
0x1f: {  	s9 =	smul.u32 $0xF7A, s1;
	s8 =	simm.s32 @!p0 $0x1BF5;
	p2 =	por !p2, p0  }
0x20: {  	[sflag:s8] =	ssyncset.s32 @!p0 $0xFFFFF086;
	s6 =	sadd.s32 @!p0 s3, s7;
	s7 =	simm.s32 @!p0 $0x108  }
0x21: {  	s3 =	sadd.s32 s3, s9;
	s6 =	sadd.s32 @!p0 $0x88, s6;
	s7 =	simm.s32 @p2 $0x1082  }
0x22: {  	[simem:s7], [sflag:s8] =	dma.local @!p0 [hbm:s6], $0xF7A  }
0x23: {  	s9 =	sor.u32 $0xD0000000, s2;
	s6 =	simm.s32 $0x108;
	_ =	swait.ge @!p0 [sflag:s8], $0x0  }
0x24: {  	s3 =	sadd.s32 $0x88, s3;
	s6 =	simm.s32 @!p1 $0x1082;
	[sflag:s4] =	ssyncset.s32 $0xFFFFF086  }
0x25: {  	[simem:s6], [sflag:s4] =	dma.local [hbm:s3], $0xF7A  }
0x26: {  	[smem:$0x3F9F] =	sst s1;
	(tag) =	ssettag s2;
	_ =	strace s9  }
0x27: {  	s1 =	sld [smem:$0x3FAF]  }
0x28: {  	s2 =	sld [smem:$0x3FB0]  }
0x29: {  	s4 =	sld [smem:$0x3FB2]  }
0x2a: {  	p0 =	seq.s32 s5, $0x0;
	s5 =	sld [smem:$0x3FB3]  }
0x2b: {  	s6 =	sld [smem:$0x3FB4]  }
0x2c: {  	s7 =	sld [smem:$0x3FB5]  }
0x2d: {  	s3 =	simm.s32 $0x108;
	s8 =	sld [smem:$0x3FB6]  }
0x2e: {  	s3 =	simm.s32 @!p0 $0x1082;
	s9 =	sld [smem:$0x3FB7]  }
0x2f: {  	lr =	sadd.s32 s0, s3;
	s0 =	sld [smem:$0x3FAE]  }
0x30: {  	s3 =	sld [smem:$0x3FB1]  }
0x31: {  	[smem:$0x3FBA] =	sst s10  }
0x32: {  	s10 =	sld [smem:$0x3FB8];
	_ =	sdelay $0x3  }
0x33: {  	p0 =	seq.s32 s10, $0x1;
	s10 =	sld [smem:$0x3FBA];
	_ =	sdelay $0x3  }
0x34: {  	[smem:$0x3FBA] =	sst s10  }
0x35: {  	s10 =	sld [smem:$0x3FB9];
	_ =	sdelay $0x3  }
0x36: {  	p1 =	seq.s32 s10, $0x1;
	s10 =	sld [smem:$0x3FBA];
	_ =	sdelay $0x3  }
0x37: {  	[smem:$0x3FBA] =	sst s10  }
0x38: {  	s10 =	sld [smem:$0x3FBB]  }
0x39: {  	_ = 	snop;
	(pc) =	sbr.ind lr, $3  }
0x3a: {  	_ = 	snop  }
0x3b: {  	_ = 	snop  }
0x3c: {  	p2 =	seq.s32 s10, $0x1;
	s10 =	sld [smem:$0x3FBA]  }
0x3d: {  	_ =	shalt  }
0x3e: {  	_ =	shalt  }
0x3f: {  	_ =	shalt  }
0x40: {  	_ =	shalt  }
0x41: {  	_ =	shalt  }
0x42: {  	_ =	shalt  }
0x43: {  	_ =	shalt  }
0x44: {  	_ =	shalt  }
0x45: {  	_ =	shalt  }
0x46: {  	_ =	shalt  }
0x47: {  	_ =	shalt  }
0x48: {  	_ =	shalt  }
0x49: {  	_ =	shalt  }
0x4a: {  	_ =	shalt  }
0x4b: {  	_ =	shalt  }
0x4c: {  	_ =	shalt  }
0x4d: {  	_ =	shalt  }
0x4e: {  	_ =	shalt  }
0x4f: {  	_ =	shalt  }
0x50: {  	_ =	shalt  }
0x51: {  	_ =	shalt  }
0x52: {  	_ =	shalt  }
0x53: {  	_ =	shalt  }
0x54: {  	_ =	shalt  }
0x55: {  	_ =	shalt  }
0x56: {  	_ =	shalt  }
0x57: {  	_ =	shalt  }
0x58: {  	_ =	shalt  }
0x59: {  	_ =	shalt  }
0x5a: {  	_ =	shalt  }
0x5b: {  	_ =	shalt  }
0x5c: {  	_ =	shalt  }
0x5d: {  	_ =	shalt  }
0x5e: {  	_ =	shalt  }
0x5f: {  	_ =	shalt  }
0x60: {  	_ =	shalt  }
0x61: {  	_ =	shalt  }
0x62: {  	_ =	shalt  }
0x63: {  	_ =	shalt  }
0x64: {  	_ =	shalt  }
0x65: {  	_ =	shalt  }
0x66: {  	_ =	shalt  }
0x67: {  	_ =	shalt  }
0x68: {  	_ =	shalt  }
0x69: {  	_ =	shalt  }
0x6a: {  	_ =	shalt  }
0x6b: {  	_ =	shalt  }
0x6c: {  	_ =	shalt  }
0x6d: {  	_ =	shalt  }
0x6e: {  	_ =	shalt  }
0x6f: {  	_ =	shalt  }
0x70: {  	_ =	shalt  }
0x71: {  	_ =	shalt  }
0x72: {  	_ =	shalt  }
0x73: {  	_ =	shalt  }
0x74: {  	_ =	shalt  }
0x75: {  	_ =	shalt  }
0x76: {  	_ =	shalt  }
0x77: {  	_ =	shalt  }
0x78: {  	_ =	shalt  }
0x79: {  	_ =	shalt  }
0x7a: {  	_ =	shalt  }
0x7b: {  	_ =	shalt  }
0x7c: {  	_ =	shalt  }
0x7d: {  	_ =	shalt  }
0x7e: {  	_ =	shalt  }
0x7f: {  	_ =	shalt  }
0x80: {  	_ =	shalt  }
0x81: {  	_ =	shalt  }
0x82: {  	_ =	shalt  }
0x83: {  	_ =	shalt  }
0x84: {  	_ =	shalt  }
0x85: {  	_ =	shalt  }
0x86: {  	_ =	shalt  }
0x87: {  	_ =	shalt  }
.Lfunc_end0:
.L_simem_size_0:
called_computation_lowered:
.L_overlay_start_0:
0x88: {  	s2 =	sld [smem:$0x3FD9]  }
0x89: {  	s3 =	sld [smem:$0x3FFE];
	_ =	sdelay $0x1  }
0x8a: {  	s1 =	srdreg.scid  }
0x8b: {  	s0 =	sand.u32 $0x1, s1  }
0x8c: {  	s17 =	sshll.u32 s0, $0xA;
	s2 =	sadd.s32 s3, s2  }
0x8d: {  	s2 =	sadd.s32 s2, s17  }
0x8e: {  	[smem:$0x3FC6] =	sst s2  }
0x8f: {  	_ = 	snop  }
0x90: {  	s2 =	sld [smem:$0x3FC8]  }
0x91: {  	s18 =	sld [smem:$0x3FD0];
	(tm) =	ssettm $0x1  }
0x92: {  	s4 =	sld [smem:$0x3FFB];
	_ =	sdelay $0x3  }
0x93: {  	_ =	strace s4  }
0x94: {  	s4 =	sld [smem:$0x3FFC];
	_ =	sdelay $0x3  }
0x95: {  	_ =	strace s4  }
0x96: {  	s4 =	sld [smem:$0x3FFD];
	_ =	sdelay $0x3  }
0x97: {  	_ =	strace s4  }
0x98: {  	_ =	strace $0x8FFFFFFF  }
0x99: {  	s19 =	sld [smem:$0x3FDB];
	_ =	sdelay $0x1  }
0x9a: {  	s5 =	simm.s32 $_scs_section_size  }
0x9b: {  	s6 =	simm.s32 $_size__tile_overlayer_lowered;
	s7 =	simm.s32 $_tile_overlayer_lowered  }
0x9c: {  	s22 =	simm.s32 $0x1BFF;
	s21 =	sshll.u32 s7, $0x1;
	s4 =	sadd.s32 s5, s19  }
0x9d: {  	s8 =	simm.s32 $0x0;
	s20 =	sshll.u32 s6, $0x1;
	s6 =	sadd.s32 s21, s4  }
0x9e: {  	[timem:s8], [sflag:s22] =	dma.local [hbm:s6], s20  }
0x9f: {  	_ =	swait.ge [sflag:s22], s20  }
0xa0: {  	s5 =	ssub.s32 $0x0, s20;
	[sflag:s22] =	ssyncset.done $0x0  }
0xa1: {  	[sflag:s22] =	ssyncadd.s32 s5;
	_ =	sdelay $0x1  }
0xa2: {  	s23 =	simm.s32 $0x1B8B  }
0xa3: {  	_ =	swait.ge [sflag:s23], $0x1  }
0xa4: {  	[sflag:s23] =	ssyncset.done $0x0  }
0xa5: {  	s25 =	simm.s32 $0x1B8E;
	s24 =	sld [smem:$0x3FFE];
	[sflag:s23] =	ssyncadd.s32 $0xFFFFFFFF  }
0xa6: {  	s26 =	simm.s32 $execute0_lowered;
	[smem:$0x3FD2] =	sst s25  }
0xa7: {  	s6 =	sshll.u32 s26, $0x1;
	_ =	strace $0x80000046;
	[dreg:$0x1] =	wrdreg $0xFFFFFFFF  }
0xa8: {  	s28 =	simm.s32 $_size_execute0_lowered;
	s4 =	sadd.s32 s4, s6;
	[dreg:$0x0] =	wrdreg $0x0  }
0xa9: {  	s6 =	sshll.u32 s28, $0x1;
	[dreg:$0x2] =	wrdreg s4  }
0xaa: {  	[dreg:$0x3] =	wrdreg s6  }
0xab: {  	[dreg:$0x4] =	wrdreg $0xC0  }
0xac: {  	_ =	task [dreg:s8], $0x5FFFF  }
0xad: {  	[dreg:$0x1] =	wrdreg $0xFFFFFFFF  }
0xae: {  	[dreg:$0x0] =	wrdreg $0x60  }
0xaf: {  	[dreg:$0x2] =	wrdreg s24  }
0xb0: {  	[dreg:$0x3] =	wrdreg s2  }
0xb1: {  	[dreg:$0x4] =	wrdreg s18  }
0xb2: {  	[dreg:$0x5] =	wrdreg $0x9  }
0xb3: {  	_ =	task.clear_ibuf [dreg:s8], $0x6FFFF;
	_ =	strace $0x90000046  }
0xb4: {  	s29 =	simm.s32 $0x9;
	_ =	strace $0x80000048  }
0xb5: {  	_ =	swait.ge [sflag:s29], $0x1  }
0xb6: {  	[sflag:s29] =	ssyncadd.s32 $0xFFFFFFFF  }
0xb7: {  	_ =	strace $0x90000048  }
0xb8: {  	_ =	sfence  }
0xb9: {  	s30 =	sld [smem:$0x0];
	_ =	sdelay $0x2  }
0xba: {  	s31 =	sshll.u32 s1, $0xD;
	s1 =	sshrl.u32 s1, $0x2  }
0xbb: {  	s3 =	sand.u32 $0x4000, s31;
	s1 =	sadd.s32 s1, s30  }
0xbc: {  	s0 =	sor.u32 s3, s0;
	s1 =	sshll.u32 s1, $0x11  }
0xbd: {  	s0 =	sor.u32 s1, s0  }
0xbe: {  	s0 =	sadd.s32 $0x8F2B, s0  }
0xbf: {  	[sflag:s0] =	ssyncadd.remote.s32 $0x1  }
0xc0: {  	_ =	sfence.sel $0xFFFF  }
0xc1: {  	[dreg:$0x0] =	wrdreg $0xFFFFFFFF;
	(pc) =	sbr.abs _section_cstart, $3  }
0xc2: {  	[dreg:$0x1] =	wrdreg $0xFFFFFFFF  }
0xc3: {  	_ =	task.clear_ibuf [dreg:s8], $0x2FFFF;
	_ =	strace $0x9FFFFFFF  }
0xc4: {  	(tm) =	ssettm $0x7FFFFFFF  }
0xc5: {  	_ =	shalt  }
tec
execute0_lowered:
.L_overlay_start_1:
0x0: {  	(tag) =	ssettag $0x1  }
0x1: {  	s0 =	rddreg [dreg:$0x0]  }
0x2: {  	s1 =	srdreg.scid;
	s3 =	rddreg [dreg:$0x2]  }
0x3: {  	s2 =	stileid.u32;
	s4 =	simm.s32 $0x0;
	s13 =	simm.s32 $0x400  }
0x4: {  	s14 =	simm.s32 $0x1800;
	s15 =	simm.s32 $0x2C00;
	s16 =	simm.s32 $0x1  }
0x5: {  	s29 =	simm.s32 $0x5000;
	s1 =	sand.u32 $0x1, s1;
	s2 =	sshll.u32 s2, $0xB  }
0x6: {  	[smem:$0x7FF] =	sst s4;
	s5 =	sshll.u32 s1, $0xA;
	s1 =	ssub.s32 $0x2, s1  }
.Ltmp0:
0x7: {  	s5 =	sor.u32 s5, s2;
	s6 =	sshrl.u32 s1, $0x1;
	(pc) =	sbr.rel .LBB2_1-.Ltmp0, $4  }
0x8: {  	s7 =	sadd.s32 $0x100, s3;
	s2 =	sshrl.u32 s5, $0x3;
	s1 =	ssub.s32 s1, s6  }
0x9: {  	s8 =	sadd.s32 $0x200, s3;
	s0 =	sadd.s32 s2, s0;
	s31 =	smax.u32 s1, $0x1  }
0xa: {  	v0 =	vlaneseq.u32;
	_ =	strace $0x80000047;
	s0 =	sadd.s32 $0x400, s0;
	[dreg:$0x5] =	wrdreg s31  }
0xb: {  	v1 =	vimm.s32 $0x0;
	vm0 =	vmmov $0x1;
	s9 =	sadd.s32 $0x300, s3;
	v2 =	vadd.s32 $0x1, v0;
	[dreg:$0x4] =	wrdreg s0;
	s0 =	simm.s32 $0x0  }
.LBB2_12:
0xc: {  	[sflag:s16] =	ssyncadd.s32 $0xFFFF8000  }
.LBB2_13:
0xd: {  	s0 =	sadd.s32 $0x1, s0;
	s23 =	rddreg [dreg:$0x5]  }
0xe: {  	p0 =	sne.s32 s0, s23  }
.Ltmp1:
0xf: {  	_ = 	snop;
	(pc) =	sbr.rel @!p0 .LBB2_14-.Ltmp1, $1  }
0x10: {  	_ =	sdelay $0x3  }
.LBB2_1:
0x11: {  	s23 =	rddreg [dreg:$0x1];
	s24 =	simm.s32 $0x4000;
	s30 =	simm.s32 $0x2  }
0x12: {  	[tilespmem:s24], [sflag:$0x2] =	stream.linear.gather [hbm4b:s23+s4], $0x1000, $0x38;
	[tilespmem:$0x1D000] =	vst v63  }
0x13: {  	_ =	swait.ge [sflag:s30], $0x1000  }
0x14: {  	[sflag:s30] =	ssyncset.done $0x0  }
0x15: {  	s31 =	rddreg [dreg:$0x4];
	[sflag:s30] =	ssyncadd.s32 $0xFFFFF000  }
0x16: {  	[tilespmem:s4], [sflag:$0x2] =	stream.linear.gather [hbm4b:s31+s4], $0x400, $0x38;
	[tilespmem:$0x1D000] =	vst v63  }
0x17: {  	_ =	swait.ge [sflag:s30], $0x400  }
0x18: {  	[sflag:s30] =	ssyncset.done $0x0  }
0x19: {  	s23 =	simm.s32 $0x0;
	s24 =	simm.s32 $0x0;
	[sflag:s30] =	ssyncadd.s32 $0xFFFFFC00  }
.LBB2_2:
0x1a: {  	s25 =	sshll.u32 s24, $0x6  }
0x1b: {  	s28 =	sand.u32 $0x70, s23;
	s25 =	sand.u32 $0x3FFFFE00, s25  }
0x1c: {  	s26 =	sor.u32 s28, s25  }
0x1d: {  	v3 =	vld [tilespmem:s26+$0x4000];
	_ =	sdelay $0x1  }
0x1e: {  	s31 =	sshll.u32 s24, $0x7  }
0x1f: {  	s25 =	sand.u32 $0x3FFFFC00, s31  }
0x20: {  	s25 =	sor.u32 s28, s25  }
0x21: {  	[tilespmem:s25+$0x5000] =	vst v3  }
0x22: {  	[tilespmem:s25+$0x5080] =	vst v3  }
0x23: {  	[tilespmem:s25+$0x5100] =	vst v3  }
0x24: {  	[tilespmem:s25+$0x5180] =	vst v3  }
0x25: {  	[tilespmem:s25+$0x5200] =	vst v3  }
0x26: {  	[tilespmem:s25+$0x5280] =	vst v3  }
0x27: {  	[tilespmem:s25+$0x5300] =	vst v3  }
0x28: {  	[tilespmem:s25+$0x5380] =	vst v3  }
0x29: {  	[tilespmem:s25+$0x7000] =	vst v3  }
0x2a: {  	[tilespmem:s25+$0x7080] =	vst v3  }
0x2b: {  	[tilespmem:s25+$0x7100] =	vst v3  }
0x2c: {  	[tilespmem:s25+$0x7180] =	vst v3  }
0x2d: {  	[tilespmem:s25+$0x7200] =	vst v3  }
0x2e: {  	[tilespmem:s25+$0x7280] =	vst v3  }
0x2f: {  	[tilespmem:s25+$0x7300] =	vst v3  }
0x30: {  	[tilespmem:s25+$0x7380] =	vst v3  }
0x31: {  	[tilespmem:s25+$0x9000] =	vst v3  }
0x32: {  	[tilespmem:s25+$0x9080] =	vst v3  }
0x33: {  	[tilespmem:s25+$0x9100] =	vst v3  }
0x34: {  	[tilespmem:s25+$0x9180] =	vst v3  }
0x35: {  	[tilespmem:s25+$0x9200] =	vst v3  }
0x36: {  	[tilespmem:s25+$0x9280] =	vst v3  }
0x37: {  	[tilespmem:s25+$0x9300] =	vst v3  }
0x38: {  	[tilespmem:s25+$0x9380] =	vst v3  }
0x39: {  	[tilespmem:s25+$0xB000] =	vst v3  }
0x3a: {  	[tilespmem:s25+$0xB080] =	vst v3  }
0x3b: {  	[tilespmem:s25+$0xB100] =	vst v3  }
0x3c: {  	[tilespmem:s25+$0xB180] =	vst v3  }
0x3d: {  	[tilespmem:s25+$0xB200] =	vst v3  }
0x3e: {  	[tilespmem:s25+$0xB280] =	vst v3  }
0x3f: {  	[tilespmem:s25+$0xB300] =	vst v3  }
0x40: {  	[tilespmem:s25+$0xB380] =	vst v3  }
0x41: {  	v3 =	vld [tilespmem:s26+$0x4080];
	_ =	sdelay $0x4  }
0x42: {  	[tilespmem:s25+$0xD000] =	vst v3  }
0x43: {  	[tilespmem:s25+$0xD080] =	vst v3  }
0x44: {  	[tilespmem:s25+$0xD100] =	vst v3  }
0x45: {  	[tilespmem:s25+$0xD180] =	vst v3  }
0x46: {  	[tilespmem:s25+$0xD200] =	vst v3  }
0x47: {  	[tilespmem:s25+$0xD280] =	vst v3  }
0x48: {  	[tilespmem:s25+$0xD300] =	vst v3  }
0x49: {  	[tilespmem:s25+$0xD380] =	vst v3  }
0x4a: {  	[tilespmem:s25+$0xF000] =	vst v3  }
0x4b: {  	[tilespmem:s25+$0xF080] =	vst v3  }
0x4c: {  	[tilespmem:s25+$0xF100] =	vst v3  }
0x4d: {  	[tilespmem:s25+$0xF180] =	vst v3  }
0x4e: {  	[tilespmem:s25+$0xF200] =	vst v3  }
0x4f: {  	[tilespmem:s25+$0xF280] =	vst v3  }
0x50: {  	[tilespmem:s25+$0xF300] =	vst v3  }
0x51: {  	[tilespmem:s25+$0xF380] =	vst v3  }
0x52: {  	[tilespmem:s25+$0x11000] =	vst v3  }
0x53: {  	[tilespmem:s25+$0x11080] =	vst v3  }
0x54: {  	[tilespmem:s25+$0x11100] =	vst v3  }
0x55: {  	[tilespmem:s25+$0x11180] =	vst v3  }
0x56: {  	[tilespmem:s25+$0x11200] =	vst v3  }
0x57: {  	[tilespmem:s25+$0x11280] =	vst v3  }
0x58: {  	[tilespmem:s25+$0x11300] =	vst v3  }
0x59: {  	[tilespmem:s25+$0x11380] =	vst v3  }
0x5a: {  	[tilespmem:s25+$0x13000] =	vst v3  }
0x5b: {  	[tilespmem:s25+$0x13080] =	vst v3  }
0x5c: {  	[tilespmem:s25+$0x13100] =	vst v3  }
0x5d: {  	[tilespmem:s25+$0x13180] =	vst v3  }
0x5e: {  	[tilespmem:s25+$0x13200] =	vst v3  }
0x5f: {  	[tilespmem:s25+$0x13280] =	vst v3  }
0x60: {  	[tilespmem:s25+$0x13300] =	vst v3  }
0x61: {  	[tilespmem:s25+$0x13380] =	vst v3  }
0x62: {  	v3 =	vld [tilespmem:s26+$0x4100];
	_ =	sdelay $0x4  }
0x63: {  	[tilespmem:s25+$0x15000] =	vst v3  }
0x64: {  	[tilespmem:s25+$0x15080] =	vst v3  }
0x65: {  	[tilespmem:s25+$0x15100] =	vst v3  }
0x66: {  	[tilespmem:s25+$0x15180] =	vst v3  }
0x67: {  	[tilespmem:s25+$0x15200] =	vst v3  }
0x68: {  	[tilespmem:s25+$0x15280] =	vst v3  }
0x69: {  	[tilespmem:s25+$0x15300] =	vst v3  }
0x6a: {  	[tilespmem:s25+$0x15380] =	vst v3  }
0x6b: {  	[tilespmem:s25+$0x17000] =	vst v3  }
0x6c: {  	[tilespmem:s25+$0x17080] =	vst v3  }
0x6d: {  	[tilespmem:s25+$0x17100] =	vst v3  }
0x6e: {  	[tilespmem:s25+$0x17180] =	vst v3  }
0x6f: {  	[tilespmem:s25+$0x17200] =	vst v3  }
0x70: {  	[tilespmem:s25+$0x17280] =	vst v3  }
0x71: {  	[tilespmem:s25+$0x17300] =	vst v3  }
0x72: {  	[tilespmem:s25+$0x17380] =	vst v3  }
0x73: {  	[tilespmem:s25+$0x19000] =	vst v3  }
0x74: {  	[tilespmem:s25+$0x19080] =	vst v3  }
0x75: {  	[tilespmem:s25+$0x19100] =	vst v3  }
0x76: {  	[tilespmem:s25+$0x19180] =	vst v3  }
0x77: {  	[tilespmem:s25+$0x19200] =	vst v3  }
0x78: {  	[tilespmem:s25+$0x19280] =	vst v3  }
0x79: {  	[tilespmem:s25+$0x19300] =	vst v3  }
0x7a: {  	[tilespmem:s25+$0x19380] =	vst v3  }
0x7b: {  	[tilespmem:s25+$0x1B000] =	vst v3  }
0x7c: {  	[tilespmem:s25+$0x1B080] =	vst v3  }
0x7d: {  	p0 =	sne.s32 s24, $0x3F;
	[tilespmem:s25+$0x1B100] =	vst v3  }
.Ltmp2:
0x7e: {  	[tilespmem:s25+$0x1B180] =	vst v3;
	(pc) =	sbr.rel @p0 .LBB2_2-.Ltmp2, $4  }
0x7f: {  	[tilespmem:s25+$0x1B200] =	vst v3  }
0x80: {  	[tilespmem:s25+$0x1B280] =	vst v3  }
0x81: {  	[tilespmem:s25+$0x1B300] =	vst v3  }
0x82: {  	s23 =	sadd.s32 $0x10, s23;
	s24 =	sadd.s32 $0x1, s24;
	[tilespmem:s25+$0x1B380] =	vst v3  }
0x83: {  	[dreg:$0x6] =	wrdreg s0  }
0x84: {  	v3 =	vimm.s32 $0x0;
	s23 =	simm.s32 $0xFFFFFFFC;
	s24 =	simm.s32 $0x0;
	s25 =	simm.s32 $0x20;
	v4 =	vimm.s32 $0x0  }
.LBB2_4:
0x85: {  	v5 =	vld [tilespmem:s25+$0xFFFFFFE0];
	_ =	sdelay $0x4  }
0x86: {  	vm3 =	veq.s32 v5, $0x0  }
0x87: {  	vm2 =	veq.s32 v5, $0x1;
	v6 =	vsel vm3, $0x1, v1  }
0x88: {  	(xrf0) =	vadd.scan.msk.s32 $0xffff, v6;
	v6 =	vsel vm2, $0x1, v1  }
0x89: {  	(xrf0) =	vadd.scan.msk.s32 $0xffff, v6;
	_ =	sdelay $0x4  }
0x8a: {  	v7, _, _ =	vpop (xrf0)  }
0x8b: {  	v6 =	vadd.s32 v4, v7;
	v9, _, _ =	vpop (xrf0)  }
0x8c: {  	v7 =	vadd.s32 $0xFFFFFFFF, v6;
	v9 =	vadd.s32 v3, v9  }
0x8d: {  	v8 =	vshra.s32 v7, $0x1F;
	v6 =	vadd.s32 v9, v6  }
0x8e: {  	vm1 =	vlt.s32 v7, $0x1;
	v8 =	vshrl.u32 v8, $0x1B;
	v6 =	vxor.u32 $0xFFFFFFFF, v6  }
0x8f: {  	v9 =	vadd.s32 $0xFFFFFFFF, v9;
	v8 =	vadd.s32 v8, v7;
	v6 =	vadd.s32 s24, v6  }
0x90: {  	v11 =	vshra.s32 v9, $0x1F;
	v8 =	vshra.s32 v8, $0x5;
	v6 =	vadd.s32 v2, v6  }
0x91: {  	v20 =	vshrl.u32 v11, $0x1B;
	v10 =	vshll.u32 v8, $0x5;
	v21 =	vshra.s32 v6, $0x1F  }
0x92: {  	vm4 =	vne.s32 v7, v10;
	v7 =	vand.u32 $0x1F, v7;
	v10 =	vadd.s32 v20, v9  }
0x93: {  	v11 =	vshrl.u32 v21, $0x1B;
	vm1 =	vmand vm1, vm4;
	v12 =	vand.u32 $0xFFFFFFE0, v10  }
0x94: {  	v11 =	vadd.s32 v11, v6;
	v10 =	vshrl.u32 v10, $0x5;
	v19 =	vsel vm1, $0xFFFFFFFF, v1  }
0x95: {  	vm1 =	vlt.s32 v9, $0x1;
	vm9 =	vne.s32 v9, v12;
	v22 =	vand.u32 $0xFFFFFFE0, v11  }
0x96: {  	v9 =	vand.u32 $0x1F, v9;
	v8 =	vadd.s32 v19, v8;
	vm1 =	vmand vm1, vm9  }
0x97: {  	vm10 =	vne.s32 v6, v22;
	v13 =	vsel vm1, $0xFFFFFFFF, v1;
	vm1 =	vlt.s32 v6, $0x1  }
0x98: {  	v11 =	vshrl.u32 v11, $0x5;
	v8 =	vshll.u32 v8, $0x7;
	vm1 =	vmand vm1, vm10  }
0x99: {  	v6 =	vand.u32 $0x1F, v6;
	v10 =	vadd.s32 v13, v10;
	v23 =	vsel vm1, $0xFFFFFFFF, v1  }
0x9a: {  	v7 =	vor.u32 v7, v8;
	v10 =	vshll.u32 v10, $0x7;
	v25 =	vadd.s32 v23, v11  }
0x9b: {  	vm1 =	vgt.s32 v5, $0x1;
	v24 =	vor.u32 v9, v10;
	v5 =	vshll.u32 v25, $0x7  }
0x9c: {  	v5 =	vor.u32 v6, v5  }
0x9d: {  	s26 =	sadd.s32 s24, s5  }
0x9e: {  	v6 =	vor.u32 s26, v0  }
0x9f: {  	[tilespmem:v7+s13+$0x0] =	vst.idx.msk vm3, v6  }
0xa0: {  	[tilespmem:v24+s14+$0x0] =	vst.idx.msk vm2, v6  }
0xa1: {  	[tilespmem:v5+s15+$0x0] =	vst.idx.msk vm1, v6  }
0xa2: {  	v5 =	vld [tilespmem:s25+$0xFFFFFFF0];
	_ =	sdelay $0x4  }
0xa3: {  	vm11 =	veq.s32 v5, $0x0  }
0xa4: {  	vm1 =	veq.s32 v5, $0x1;
	v6 =	vsel vm11, $0x1, v1  }
0xa5: {  	(xrf0) =	vadd.scan.msk.s32 $0xffff, v6;
	v6 =	vsel vm1, $0x1, v1  }
0xa6: {  	v7 =	vmpcnt.ones.xlane vm3;
	(xrf0) =	vadd.scan.msk.s32 $0xffff, v6;
	_ =	sdelay $0x1  }
0xa7: {  	v4 =	vadd.s32 v4, v7;
	v7 =	vmpcnt.ones.xlane vm2;
	_ =	sdelay $0x2  }
0xa8: {  	v6, _, _ =	vpop (xrf0)  }
0xa9: {  	v3 =	vadd.s32 v3, v7;
	v6 =	vadd.s32 v4, v6;
	v7, _, _ =	vpop (xrf0)  }
0xaa: {  	v26 =	vadd.s32 $0xFFFFFFFF, v6;
	v7 =	vadd.s32 v3, v7  }
0xab: {  	v27 =	vshra.s32 v26, $0x1F;
	v6 =	vadd.s32 v7, v6  }
0xac: {  	vm2 =	vlt.s32 v26, $0x1;
	v7 =	vadd.s32 $0xFFFFFFFF, v7;
	v8 =	vand.u32 $0x1F, v26  }
0xad: {  	s28 =	sadd.s32 $0x10, s24;
	v9 =	vshrl.u32 v27, $0x1B;
	v6 =	vxor.u32 $0xFFFFFFFF, v6;
	v30 =	vshra.s32 v7, $0x1F  }
0xae: {  	v9 =	vadd.s32 v9, v26;
	v6 =	vadd.s32 s28, v6;
	v31 =	vshrl.u32 v30, $0x1B  }
0xaf: {  	v28 =	vand.u32 $0xFFFFFFE0, v9;
	v9 =	vshrl.u32 v9, $0x5;
	v6 =	vadd.s32 v2, v6  }
0xb0: {  	v10 =	vadd.s32 v31, v7;
	vm3 =	vne.s32 v26, v28;
	v32 =	vshra.s32 v6, $0x1F  }
0xb1: {  	v33 =	vand.u32 $0xFFFFFFE0, v10;
	v10 =	vshrl.u32 v10, $0x5;
	vm2 =	vmand vm2, vm3  }
0xb2: {  	v11 =	vshrl.u32 v32, $0x1B;
	vm3 =	vne.s32 v7, v33;
	v29 =	vsel vm2, $0xFFFFFFFF, v1  }
0xb3: {  	vm2 =	vlt.s32 v7, $0x1;
	v11 =	vadd.s32 v11, v6;
	v7 =	vand.u32 $0x1F, v7  }
0xb4: {  	v9 =	vadd.s32 v29, v9;
	vm2 =	vmand vm2, vm3;
	v34 =	vand.u32 $0xFFFFFFE0, v11  }
0xb5: {  	v35 =	vsel vm2, $0xFFFFFFFF, v1;
	vm2 =	vlt.s32 v6, $0x1;
	vm3 =	vne.s32 v6, v34  }
0xb6: {  	v11 =	vshrl.u32 v11, $0x5;
	v9 =	vshll.u32 v9, $0x7;
	vm2 =	vmand vm2, vm3  }
0xb7: {  	v6 =	vand.u32 $0x1F, v6;
	v10 =	vadd.s32 v35, v10;
	v36 =	vsel vm2, $0xFFFFFFFF, v1  }
0xb8: {  	v8 =	vor.u32 v8, v9;
	v10 =	vshll.u32 v10, $0x7;
	v37 =	vadd.s32 v36, v11  }
0xb9: {  	vm2 =	vgt.s32 v5, $0x1;
	v7 =	vor.u32 v7, v10;
	v5 =	vshll.u32 v37, $0x7  }
0xba: {  	v5 =	vor.u32 v6, v5  }
0xbb: {  	s21 =	sadd.s32 $0x10, s26  }
0xbc: {  	v6 =	vor.u32 s21, v0  }
0xbd: {  	[tilespmem:v8+s13+$0x0] =	vst.idx.msk vm11, v6  }
0xbe: {  	[tilespmem:v7+s14+$0x0] =	vst.idx.msk vm1, v6  }
0xbf: {  	[tilespmem:v5+s15+$0x0] =	vst.idx.msk vm2, v6  }
0xc0: {  	v5 =	vld [tilespmem:s25+$0x0];
	_ =	sdelay $0x4  }
0xc1: {  	vm2 =	veq.s32 v5, $0x0  }
0xc2: {  	vm3 =	veq.s32 v5, $0x1;
	v6 =	vsel vm2, $0x1, v1  }
0xc3: {  	(xrf0) =	vadd.scan.msk.s32 $0xffff, v6;
	v6 =	vsel vm3, $0x1, v1  }
0xc4: {  	v7 =	vmpcnt.ones.xlane vm11;
	(xrf0) =	vadd.scan.msk.s32 $0xffff, v6;
	_ =	sdelay $0x1  }
0xc5: {  	v4 =	vadd.s32 v4, v7;
	v7 =	vmpcnt.ones.xlane vm1;
	_ =	sdelay $0x2  }
0xc6: {  	v6, _, _ =	vpop (xrf0)  }
0xc7: {  	v3 =	vadd.s32 v3, v7;
	v6 =	vadd.s32 v4, v6;
	v7, _, _ =	vpop (xrf0)  }
0xc8: {  	v38 =	vadd.s32 $0xFFFFFFFF, v6;
	v7 =	vadd.s32 v3, v7  }
0xc9: {  	v39 =	vshra.s32 v38, $0x1F;
	v6 =	vadd.s32 v7, v6  }
0xca: {  	vm1 =	vlt.s32 v38, $0x1;
	v7 =	vadd.s32 $0xFFFFFFFF, v7;
	v8 =	vand.u32 $0x1F, v38  }
0xcb: {  	s22 =	sadd.s32 $0x20, s24;
	v9 =	vshrl.u32 v39, $0x1B;
	v6 =	vxor.u32 $0xFFFFFFFF, v6;
	v42 =	vshra.s32 v7, $0x1F  }
0xcc: {  	v9 =	vadd.s32 v9, v38;
	v6 =	vadd.s32 s22, v6;
	v43 =	vshrl.u32 v42, $0x1B  }
0xcd: {  	v40 =	vand.u32 $0xFFFFFFE0, v9;
	v9 =	vshrl.u32 v9, $0x5;
	v6 =	vadd.s32 v2, v6  }
0xce: {  	v10 =	vadd.s32 v43, v7;
	vm12 =	vne.s32 v38, v40;
	v44 =	vshra.s32 v6, $0x1F  }
0xcf: {  	v45 =	vand.u32 $0xFFFFFFE0, v10;
	v10 =	vshrl.u32 v10, $0x5;
	vm1 =	vmand vm1, vm12  }
0xd0: {  	v11 =	vshrl.u32 v44, $0x1B;
	vm13 =	vne.s32 v7, v45;
	v41 =	vsel vm1, $0xFFFFFFFF, v1  }
0xd1: {  	vm1 =	vlt.s32 v7, $0x1;
	v11 =	vadd.s32 v11, v6;
	v7 =	vand.u32 $0x1F, v7  }
0xd2: {  	v9 =	vadd.s32 v41, v9;
	vm1 =	vmand vm1, vm13;
	v46 =	vand.u32 $0xFFFFFFE0, v11  }
0xd3: {  	v47 =	vsel vm1, $0xFFFFFFFF, v1;
	vm1 =	vlt.s32 v6, $0x1;
	vm14 =	vne.s32 v6, v46  }
0xd4: {  	v11 =	vshrl.u32 v11, $0x5;
	v9 =	vshll.u32 v9, $0x7;
	vm1 =	vmand vm1, vm14  }
0xd5: {  	v6 =	vand.u32 $0x1F, v6;
	v10 =	vadd.s32 v47, v10;
	v48 =	vsel vm1, $0xFFFFFFFF, v1  }
0xd6: {  	v8 =	vor.u32 v8, v9;
	v10 =	vshll.u32 v10, $0x7;
	v49 =	vadd.s32 v48, v11  }
0xd7: {  	vm1 =	vgt.s32 v5, $0x1;
	v7 =	vor.u32 v7, v10;
	v5 =	vshll.u32 v49, $0x7  }
0xd8: {  	v5 =	vor.u32 v6, v5  }
0xd9: {  	s30 =	sadd.s32 $0x20, s26  }
0xda: {  	v6 =	vor.u32 s30, v0  }
0xdb: {  	[tilespmem:v8+s13+$0x0] =	vst.idx.msk vm2, v6  }
0xdc: {  	[tilespmem:v7+s14+$0x0] =	vst.idx.msk vm3, v6  }
0xdd: {  	[tilespmem:v5+s15+$0x0] =	vst.idx.msk vm1, v6  }
0xde: {  	v5 =	vld [tilespmem:s25+$0x10];
	_ =	sdelay $0x4  }
0xdf: {  	vm15 =	veq.s32 v5, $0x0  }
0xe0: {  	vm1 =	veq.s32 v5, $0x1;
	v6 =	vsel vm15, $0x1, v1  }
0xe1: {  	(xrf0) =	vadd.scan.msk.s32 $0xffff, v6;
	v6 =	vsel vm1, $0x1, v1  }
0xe2: {  	(xrf0) =	vadd.scan.msk.s32 $0xffff, v6;
	v6 =	vmpcnt.ones.xlane vm2;
	_ =	sdelay $0x1  }
0xe3: {  	v4 =	vadd.s32 v4, v6;
	v6 =	vmpcnt.ones.xlane vm3;
	_ =	sdelay $0x2  }
0xe4: {  	v7, _, _ =	vpop (xrf0)  }
0xe5: {  	v3 =	vadd.s32 v3, v6;
	v7 =	vadd.s32 v4, v7;
	v6, _, _ =	vpop (xrf0)  }
0xe6: {  	v50 =	vadd.s32 $0xFFFFFFFF, v7;
	v6 =	vadd.s32 v3, v6  }
0xe7: {  	v51 =	vshra.s32 v50, $0x1F;
	v7 =	vadd.s32 v6, v7  }
0xe8: {  	v6 =	vadd.s32 $0xFFFFFFFF, v6;
	vm2 =	vlt.s32 v50, $0x1;
	v8 =	vand.u32 $0x1F, v50  }
0xe9: {  	s31 =	sadd.s32 $0x30, s24;
	v9 =	vshrl.u32 v51, $0x1B;
	v7 =	vxor.u32 $0xFFFFFFFF, v7;
	v53 =	vshra.s32 v6, $0x1F  }
0xea: {  	v9 =	vadd.s32 v9, v50;
	v7 =	vadd.s32 s31, v7;
	v54 =	vshrl.u32 v53, $0x1B  }
0xeb: {  	v52 =	vshrl.u32 v9, $0x5;
	v9 =	vand.u32 $0xFFFFFFE0, v9;
	v7 =	vadd.s32 v2, v7  }
0xec: {  	vm3 =	vne.s32 v50, v9;
	v9 =	vadd.s32 v54, v6;
	v55 =	vshra.s32 v7, $0x1F  }
0xed: {  	vm2 =	vmand vm2, vm3;
	v57 =	vand.u32 $0xFFFFFFE0, v9;
	v11 =	vshrl.u32 v55, $0x1B  }
0xee: {  	v9 =	vshrl.u32 v9, $0x5;
	v56 =	vsel vm2, $0xFFFFFFFF, v1;
	vm2 =	vlt.s32 v6, $0x1  }
0xef: {  	vm3 =	vne.s32 v6, v57;
	v11 =	vadd.s32 v11, v7;
	v6 =	vand.u32 $0x1F, v6  }
0xf0: {  	vm2 =	vmand vm2, vm3;
	v58 =	vand.u32 $0xFFFFFFE0, v11;
	v10 =	vadd.s32 v56, v52  }
0xf1: {  	vm3 =	vne.s32 v7, v58;
	v59 =	vsel vm2, $0xFFFFFFFF, v1;
	vm2 =	vlt.s32 v7, $0x1  }
0xf2: {  	v11 =	vshrl.u32 v11, $0x5;
	v10 =	vshll.u32 v10, $0x7;
	vm2 =	vmand vm2, vm3  }
0xf3: {  	v7 =	vand.u32 $0x1F, v7;
	v9 =	vadd.s32 v59, v9;
	v60 =	vsel vm2, $0xFFFFFFFF, v1  }
0xf4: {  	v8 =	vor.u32 v8, v10;
	v9 =	vshll.u32 v9, $0x7;
	v61 =	vadd.s32 v60, v11  }
0xf5: {  	s23 =	sadd.s32 $0x4, s23;
	vm2 =	vgt.s32 v5, $0x1;
	v6 =	vor.u32 v6, v9;
	v5 =	vshll.u32 v61, $0x7  }
0xf6: {  	p0 =	slt.u32 s23, $0x3C;
	v5 =	vor.u32 v7, v5  }
.Ltmp3:
0xf7: {  	s26 =	sadd.s32 $0x30, s26;
	(pc) =	sbr.rel @p0 .LBB2_4-.Ltmp3, $4  }
0xf8: {  	v7 =	vor.u32 s26, v0  }
0xf9: {  	v62 =	vmpcnt.ones.xlane vm15;
	v63 =	vmpcnt.ones.xlane vm1;
	[tilespmem:v8+s13+$0x0] =	vst.idx.msk vm15, v7  }
0xfa: {  	[tilespmem:v6+s14+$0x0] =	vst.idx.msk vm1, v7  }
0xfb: {  	s24 =	sadd.s32 $0x40, s24;
	s25 =	sadd.s32 $0x40, s25;
	v4 =	vadd.s32 v4, v62;
	v3 =	vadd.s32 v3, v63;
	[tilespmem:v5+s15+$0x0] =	vst.idx.msk vm2, v7  }
0xfc: {  	(v2sf) =	vpush v4, $0x0;
	_ =	sdelay $0xc  }
0xfd: {  	v35 =	vbroadcast v4, $0x0;
	_ =	sdelay $0x1  }
0xfe: {  	v4 =	vadd.s32 v0, v35;
	s23 =	spop (v2sf)  }
0xff: {  	v5 =	vld [tilespmem:$0x400];
	v6 =	vshra.s32 v4, $0x1F;
	s24 =	sadd.s32 $0x10, s23  }
0x100: {  	v6 =	vshrl.u32 v6, $0x1B;
	(v2sf) =	vpush v3, $0x0;
	v7 =	vadd.s32 s24, v0  }
0x101: {  	v6 =	vadd.s32 v6, v4;
	v8 =	vshra.s32 v7, $0x1F  }
0x102: {  	v6 =	vshra.s32 v6, $0x5;
	v8 =	vshrl.u32 v8, $0x1B  }
0x103: {  	vm1 =	vlt.s32 v4, $0x1;
	v9 =	vshll.u32 v6, $0x5;
	v8 =	vadd.s32 v8, v7  }
0x104: {  	v5 =	vnsel vm0, $0x0, v5;
	vm2 =	vne.s32 v4, v9;
	v36 =	vand.u32 $0xFFFFFFE0, v8  }
0x105: {  	(xrf0) =	vadd.scan.msk.s32 $0xffff, v5;
	vm1 =	vmand vm1, vm2;
	vm2 =	vlt.s32 v7, $0x1;
	vm3 =	vne.s32 v7, v36  }
0x106: {  	v37 =	vsel vm1, $0xFFFFFFFF, v1;
	vm1 =	vmand vm2, vm3  }
0x107: {  	v5 =	vadd.s32 v37, v6;
	v38 =	vshrl.u32 v8, $0x5;
	v39 =	vsel vm1, $0xFFFFFFFF, v1  }
0x108: {  	v4 =	vand.u32 $0x1F, v4;
	v5 =	vshll.u32 v5, $0x7;
	v6 =	vadd.s32 v39, v38  }
0x109: {  	v4 =	vor.u32 v4, v5;
	v40 =	vand.u32 $0x1F, v7;
	v6 =	vshll.u32 v6, $0x7  }
0x10a: {  	v5 =	vor.u32 v40, v6  }
0x10b: {  	v41, _, _ =	vpop (xrf0)  }
0x10c: {  	v6 =	vbroadcast v41, $0xF;
	_ =	sdelay $0x1  }
0x10d: {  	v3 =	vbroadcast v3, $0x0;
	[tilespmem:v4+s13+$0x0] =	vst.idx.msk $0xffff, v6  }
0x10e: {  	s25 =	spop (v2sf);
	[tilespmem:v5+s13+$0x0] =	vst.idx.msk $0xffff, v6  }
0x10f: {  	v3 =	vadd.s32 v0, v3;
	s19 =	sadd.s32 $0x10, s25;
	v4 =	vld [tilespmem:$0x1800]  }
0x110: {  	v42 =	vshra.s32 v3, $0x1F;
	v43 =	vadd.s32 s19, v0  }
0x111: {  	v5 =	vshrl.u32 v42, $0x1B;
	v44 =	vshra.s32 v43, $0x1F  }
0x112: {  	v5 =	vadd.s32 v5, v3;
	v7 =	vshrl.u32 v44, $0x1B  }
0x113: {  	vm1 =	vlt.s32 v3, $0x1;
	v45 =	vand.u32 $0xFFFFFFE0, v5;
	v7 =	vadd.s32 v7, v43  }
0x114: {  	vm2 =	vne.s32 v3, v45;
	v46 =	vand.u32 $0xFFFFFFE0, v7;
	v4 =	vnsel vm0, $0x0, v4  }
0x115: {  	vm1 =	vmand vm1, vm2;
	vm2 =	vlt.s32 v43, $0x1;
	vm3 =	vne.s32 v43, v46;
	(xrf0) =	vadd.scan.msk.s32 $0xffff, v4  }
0x116: {  	v47 =	vshrl.u32 v5, $0x5;
	v48 =	vsel vm1, $0xFFFFFFFF, v1;
	vm1 =	vmand vm2, vm3  }
0x117: {  	v49 =	vshrl.u32 v7, $0x5;
	v4 =	vadd.s32 v48, v47;
	v50 =	vsel vm1, $0xFFFFFFFF, v1  }
0x118: {  	v3 =	vand.u32 $0x1F, v3;
	v4 =	vshll.u32 v4, $0x7;
	v5 =	vadd.s32 v50, v49  }
0x119: {  	v51 =	vand.u32 $0x1F, v43;
	v3 =	vor.u32 v3, v4;
	v5 =	vshll.u32 v5, $0x7  }
0x11a: {  	v4 =	vor.u32 v51, v5  }
0x11b: {  	v52, _, _ =	vpop (xrf0)  }
0x11c: {  	v5 =	vbroadcast v52, $0xF;
	_ =	sdelay $0x1  }
0x11d: {  	s24 =	sadd.s32 s23, s25;
	[tilespmem:v3+s14+$0x0] =	vst.idx.msk $0xffff, v5  }
0x11e: {  	s26 =	ssub.s32 $0x400, s24;
	s20 =	ssub.s32 $0x410, s24;
	[tilespmem:v4+s14+$0x0] =	vst.idx.msk $0xffff, v5  }
0x11f: {  	v53 =	vadd.s32 s26, v0;
	v55 =	vadd.s32 s20, v0;
	v3 =	vld [tilespmem:$0x2C00]  }
0x120: {  	v54 =	vshra.s32 v53, $0x1F;
	v56 =	vshra.s32 v55, $0x1F  }
0x121: {  	v7 =	vshrl.u32 v56, $0x1B;
	v5 =	vshrl.u32 v54, $0x1B  }
0x122: {  	v7 =	vadd.s32 v7, v55;
	v5 =	vadd.s32 v5, v53  }
0x123: {  	s23 =	sadd.s32 $0x1F, s23;
	v58 =	vand.u32 $0xFFFFFFE0, v7;
	v57 =	vand.u32 $0xFFFFFFE0, v5  }
0x124: {  	s21 =	sand.u32 $0x1F, s23;
	vm1 =	vlt.s32 v53, $0x1;
	vm2 =	vne.s32 v53, v57;
	v3 =	vnsel vm0, $0x0, v3  }
0x125: {  	s28 =	sshra.s32 s23, $0x1F;
	p0 =	slt.s32 s23, $0x1;
	p1 =	sne.s32 s21, $0x0;
	vm3 =	vne.s32 v55, v58;
	vm1 =	vmand vm1, vm2;
	vm2 =	vlt.s32 v55, $0x1;
	(xrf0) =	vadd.scan.msk.s32 $0xffff, v3  }
0x126: {  	s22 =	sshrl.u32 s28, $0x1B;
	p0 =	por !p0, !p1;
	vm2 =	vmand vm2, vm3;
	v59 =	vsel vm1, $0xFFFFFFFF, v1;
	v3 =	vshrl.u32 v5, $0x5  }
0x127: {  	s26 =	simm.s32 $0x1;
	s23 =	sadd.s32 s22, s23;
	p0 =	por !p0, !p0;
	v60 =	vshrl.u32 v7, $0x5;
	v61 =	vsel vm2, $0xFFFFFFFF, v1;
	v3 =	vadd.s32 v59, v3  }
0x128: {  	s23 =	sshra.s32 s23, $0x5;
	s26 =	simm.s32 @!p0 $0x0;
	v4 =	vand.u32 $0x1F, v53;
	v5 =	vadd.s32 v61, v60;
	v3 =	vshll.u32 v3, $0x7  }
0x129: {  	s30 =	simm.s32 $0x5800;
	v62 =	vand.u32 $0x1F, v55;
	s28 =	ssub.s32 s23, s26;
	v5 =	vshll.u32 v5, $0x7;
	v3 =	vor.u32 v4, v3  }
0x12a: {  	s31 =	simm.s32 $0x6000;
	s0 =	simm.s32 $0x6800;
	p0 =	sgt.s32 s28, $0x0;
	v4 =	vor.u32 v62, v5  }
.Ltmp4:
0x12b: {  	s1 =	simm.s32 $0x7000;
	s2 =	simm.s32 $0x7800;
	v63, _, _ =	vpop (xrf0);
	(pc) =	sbr.rel @!p0 .LBB2_6-.Ltmp4, $4  }
0x12c: {  	s11 =	simm.s32 $0x8000;
	s6 =	simm.s32 $0x8800;
	s10 =	simm.s32 $0x9000;
	v5 =	vbroadcast v63, $0xF  }
0x12d: {  	s12 =	simm.s32 $0x9800;
	s17 =	simm.s32 $0xA000;
	s18 =	simm.s32 $0xA800  }
0x12e: {  	s19 =	simm.s32 $0xB000;
	s20 =	simm.s32 $0xB800;
	s21 =	simm.s32 $0xC000;
	[tilespmem:v3+s15+$0x0] =	vst.idx.msk $0xffff, v5  }
0x12f: {  	s22 =	simm.s32 $0xC800;
	s26 =	simm.s32 $0x410;
	s23 =	smov.u32 s28;
	[tilespmem:v4+s15+$0x0] =	vst.idx.msk $0xffff, v5  }
.LBB2_15:
0x130: {  	v3 =	vld [tilespmem:s26+$0xFFFFFFF0];
	_ =	sdelay $0x4  }
0x131: {  	v4 =	vshll.u32 v3, $0x3  }
0x132: {  	v3 =	vand.u32 $0x7, v3;
	v4 =	vand.u32 $0xFFFFFFC0, v4  }
0x133: {  	v62 =	vand.u32 $0x7, v0;
	v5 =	vshrl.u32 v0, $0x3;
	v3 =	vor.u32 v3, v4  }
0x134: {  	v5 =	vmul.u32 $0x8, v5;
	v6 =	vperm.xlane v3, v62;
	_ =	sdelay $0x1  }
0x135: {  	v6 =	vadd.s32 v5, v6;
	_ =	sdelay $0x3  }
0x136: {  	vm1 =	vmmov $0xffff  }
0x137: {  	v7 =	vor.u32 $0x8, v0;
	[hbm4b:s3+s4] =	stream.indirect_vreg.scatter [tilespmem:s29], [sflag:$0x1], $0x80, v6, vm1, $0xb8;
	[tilespmem:$0x1D000] =	vst v63  }
0x138: {  	v3 =	vperm.xlane v3, v7  }
0x139: {  	[hbm4b:s7+s4] =	stream.indirect_vreg.scatter [tilespmem:s30], [sflag:$0x1], $0x80, v6, vm1, $0xb8;
	[tilespmem:$0x1D000] =	vst v63  }
0x13a: {  	v3 =	vadd.s32 v5, v3  }
0x13b: {  	[hbm4b:s8+s4] =	stream.indirect_vreg.scatter [tilespmem:s31], [sflag:$0x1], $0x80, v6, vm1, $0xb8;
	[tilespmem:$0x1D000] =	vst v63  }
0x13c: {  	_ = 	snop  }
0x13d: {  	[hbm4b:s9+s4] =	stream.indirect_vreg.scatter [tilespmem:s0], [sflag:$0x1], $0x80, v6, vm1, $0xb8;
	[tilespmem:$0x1D000] =	vst v63  }
0x13e: {  	_ = 	snop  }
0x13f: {  	[hbm4b:s3+s4] =	stream.indirect_vreg.scatter [tilespmem:s1], [sflag:$0x1], $0x80, v3, vm1, $0xb8;
	[tilespmem:$0x1D000] =	vst v63  }
0x140: {  	_ = 	snop  }
0x141: {  	[hbm4b:s7+s4] =	stream.indirect_vreg.scatter [tilespmem:s2], [sflag:$0x1], $0x80, v3, vm1, $0xb8;
	[tilespmem:$0x1D000] =	vst v63  }
0x142: {  	_ = 	snop  }
0x143: {  	[hbm4b:s8+s4] =	stream.indirect_vreg.scatter [tilespmem:s11], [sflag:$0x1], $0x80, v3, vm1, $0xb8;
	[tilespmem:$0x1D000] =	vst v63  }
0x144: {  	_ = 	snop  }
0x145: {  	[hbm4b:s9+s4] =	stream.indirect_vreg.scatter [tilespmem:s6], [sflag:$0x1], $0x80, v3, vm1, $0xb8;
	[tilespmem:$0x1D000] =	vst v63  }
0x146: {  	v3 =	vld [tilespmem:s26+$0x0];
	_ =	sdelay $0x4  }
0x147: {  	v63 =	vshll.u32 v3, $0x3  }
0x148: {  	v3 =	vand.u32 $0x7, v3;
	v6 =	vand.u32 $0xFFFFFFC0, v63  }
0x149: {  	v3 =	vor.u32 v3, v6  }
0x14a: {  	v4 =	vperm.xlane v3, v62;
	_ =	sdelay $0x1  }
0x14b: {  	v4 =	vadd.s32 v5, v4;
	_ =	sdelay $0x4  }
0x14c: {  	[hbm4b:s3+s4] =	stream.indirect_vreg.scatter [tilespmem:s10], [sflag:$0x1], $0x80, v4, vm1, $0xb8;
	[tilespmem:$0x1D000] =	vst v63  }
0x14d: {  	v3 =	vperm.xlane v3, v7  }
0x14e: {  	[hbm4b:s7+s4] =	stream.indirect_vreg.scatter [tilespmem:s12], [sflag:$0x1], $0x80, v4, vm1, $0xb8;
	[tilespmem:$0x1D000] =	vst v63  }
0x14f: {  	v3 =	vadd.s32 v5, v3  }
0x150: {  	[hbm4b:s8+s4] =	stream.indirect_vreg.scatter [tilespmem:s17], [sflag:$0x1], $0x80, v4, vm1, $0xb8;
	[tilespmem:$0x1D000] =	vst v63  }
0x151: {  	_ = 	snop  }
0x152: {  	[hbm4b:s9+s4] =	stream.indirect_vreg.scatter [tilespmem:s18], [sflag:$0x1], $0x80, v4, vm1, $0xb8;
	[tilespmem:$0x1D000] =	vst v63  }
0x153: {  	_ = 	snop  }
0x154: {  	[hbm4b:s3+s4] =	stream.indirect_vreg.scatter [tilespmem:s19], [sflag:$0x1], $0x80, v3, vm1, $0xb8;
	[tilespmem:$0x1D000] =	vst v63  }
0x155: {  	p0 =	seq.s32 s23, $0x1  }
0x156: {  	[hbm4b:s7+s4] =	stream.indirect_vreg.scatter [tilespmem:s20], [sflag:$0x1], $0x80, v3, vm1, $0xb8;
	[tilespmem:$0x1D000] =	vst v63  }
.Ltmp5:
0x157: {  	_ = 	snop;
	(pc) =	sbr.rel @!p0 .LBB2_15-.Ltmp5, $4  }
0x158: {  	_ = 	snop  }
0x159: {  	[hbm4b:s8+s4] =	stream.indirect_vreg.scatter [tilespmem:s21], [sflag:$0x1], $0x80, v3, vm1, $0xb8;
	[tilespmem:$0x1D000] =	vst v63  }
0x15a: {  	s23 =	sadd.s32 $0xFFFFFFFF, s23;
	s26 =	sadd.s32 $0x80, s26  }
0x15b: {  	[hbm4b:s9+s4] =	stream.indirect_vreg.scatter [tilespmem:s22], [sflag:$0x1], $0x80, v3, vm1, $0xb8;
	[tilespmem:$0x1D000] =	vst v63  }
.LBB2_6:
0x15c: {  	s23 =	sadd.s32 $0x1F, s25  }
0x15d: {  	s25 =	sand.u32 $0x1F, s23  }
0x15e: {  	s26 =	sshra.s32 s23, $0x1F;
	p0 =	slt.s32 s23, $0x1;
	p1 =	sne.s32 s25, $0x0  }
0x15f: {  	s26 =	sshrl.u32 s26, $0x1B;
	p0 =	por !p0, !p1  }
0x160: {  	s25 =	simm.s32 $0x1;
	s23 =	sadd.s32 s26, s23;
	p0 =	por !p0, !p0  }
0x161: {  	s23 =	sshra.s32 s23, $0x5;
	s25 =	simm.s32 @!p0 $0x0  }
0x162: {  	s0 =	simm.s32 $0xD000;
	s1 =	simm.s32 $0xD800;
	s25 =	ssub.s32 s23, s25  }
0x163: {  	s2 =	simm.s32 $0xE000;
	s6 =	simm.s32 $0xE800;
	p0 =	sgt.s32 s25, $0x0  }
.Ltmp6:
0x164: {  	s10 =	simm.s32 $0xF000;
	s11 =	simm.s32 $0xF800;
	(pc) =	sbr.rel @!p0 .LBB2_7-.Ltmp6, $4  }
0x165: {  	s12 =	simm.s32 $0x10000;
	s17 =	simm.s32 $0x10800;
	s18 =	simm.s32 $0x11000  }
0x166: {  	s19 =	simm.s32 $0x11800;
	s20 =	simm.s32 $0x12000;
	s21 =	simm.s32 $0x12800  }
0x167: {  	s22 =	simm.s32 $0x13000;
	s29 =	simm.s32 $0x13800;
	s30 =	simm.s32 $0x14000  }
0x168: {  	s31 =	simm.s32 $0x14800;
	s26 =	simm.s32 $0x1810;
	s23 =	smov.u32 s25  }
.LBB2_16:
0x169: {  	v3 =	vld [tilespmem:s26+$0xFFFFFFF0];
	_ =	sdelay $0x4  }
0x16a: {  	v4 =	vshll.u32 v3, $0x3  }
0x16b: {  	v3 =	vand.u32 $0x7, v3;
	v4 =	vand.u32 $0xFFFFFFC0, v4  }
0x16c: {  	v62 =	vand.u32 $0x7, v0;
	v5 =	vshrl.u32 v0, $0x3;
	v3 =	vor.u32 v3, v4  }
0x16d: {  	v5 =	vmul.u32 $0x8, v5;
	v6 =	vperm.xlane v3, v62;
	_ =	sdelay $0x1  }
0x16e: {  	v6 =	vadd.s32 v5, v6;
	_ =	sdelay $0x3  }
0x16f: {  	vm1 =	vmmov $0xffff  }
0x170: {  	v7 =	vor.u32 $0x8, v0;
	[hbm4b:s3+s4] =	stream.indirect_vreg.scatter [tilespmem:s0], [sflag:$0x1], $0x80, v6, vm1, $0xb8;
	[tilespmem:$0x1D000] =	vst v63  }
0x171: {  	v3 =	vperm.xlane v3, v7  }
0x172: {  	[hbm4b:s7+s4] =	stream.indirect_vreg.scatter [tilespmem:s1], [sflag:$0x1], $0x80, v6, vm1, $0xb8;
	[tilespmem:$0x1D000] =	vst v63  }
0x173: {  	v3 =	vadd.s32 v5, v3  }
0x174: {  	[hbm4b:s8+s4] =	stream.indirect_vreg.scatter [tilespmem:s2], [sflag:$0x1], $0x80, v6, vm1, $0xb8;
	[tilespmem:$0x1D000] =	vst v63  }
0x175: {  	_ = 	snop  }
0x176: {  	[hbm4b:s9+s4] =	stream.indirect_vreg.scatter [tilespmem:s6], [sflag:$0x1], $0x80, v6, vm1, $0xb8;
	[tilespmem:$0x1D000] =	vst v63  }
0x177: {  	_ = 	snop  }
0x178: {  	[hbm4b:s3+s4] =	stream.indirect_vreg.scatter [tilespmem:s10], [sflag:$0x1], $0x80, v3, vm1, $0xb8;
	[tilespmem:$0x1D000] =	vst v63  }
0x179: {  	_ = 	snop  }
0x17a: {  	[hbm4b:s7+s4] =	stream.indirect_vreg.scatter [tilespmem:s11], [sflag:$0x1], $0x80, v3, vm1, $0xb8;
	[tilespmem:$0x1D000] =	vst v63  }
0x17b: {  	_ = 	snop  }
0x17c: {  	[hbm4b:s8+s4] =	stream.indirect_vreg.scatter [tilespmem:s12], [sflag:$0x1], $0x80, v3, vm1, $0xb8;
	[tilespmem:$0x1D000] =	vst v63  }
0x17d: {  	_ = 	snop  }
0x17e: {  	[hbm4b:s9+s4] =	stream.indirect_vreg.scatter [tilespmem:s17], [sflag:$0x1], $0x80, v3, vm1, $0xb8;
	[tilespmem:$0x1D000] =	vst v63  }
0x17f: {  	v3 =	vld [tilespmem:s26+$0x0];
	_ =	sdelay $0x4  }
0x180: {  	v63 =	vshll.u32 v3, $0x3  }
0x181: {  	v3 =	vand.u32 $0x7, v3;
	v6 =	vand.u32 $0xFFFFFFC0, v63  }
0x182: {  	v3 =	vor.u32 v3, v6  }
0x183: {  	v4 =	vperm.xlane v3, v62;
	_ =	sdelay $0x1  }
0x184: {  	v4 =	vadd.s32 v5, v4;
	_ =	sdelay $0x4  }
0x185: {  	[hbm4b:s3+s4] =	stream.indirect_vreg.scatter [tilespmem:s18], [sflag:$0x1], $0x80, v4, vm1, $0xb8;
	[tilespmem:$0x1D000] =	vst v63  }
0x186: {  	v3 =	vperm.xlane v3, v7  }
0x187: {  	[hbm4b:s7+s4] =	stream.indirect_vreg.scatter [tilespmem:s19], [sflag:$0x1], $0x80, v4, vm1, $0xb8;
	[tilespmem:$0x1D000] =	vst v63  }
0x188: {  	v3 =	vadd.s32 v5, v3  }
0x189: {  	[hbm4b:s8+s4] =	stream.indirect_vreg.scatter [tilespmem:s20], [sflag:$0x1], $0x80, v4, vm1, $0xb8;
	[tilespmem:$0x1D000] =	vst v63  }
0x18a: {  	_ = 	snop  }
0x18b: {  	[hbm4b:s9+s4] =	stream.indirect_vreg.scatter [tilespmem:s21], [sflag:$0x1], $0x80, v4, vm1, $0xb8;
	[tilespmem:$0x1D000] =	vst v63  }
0x18c: {  	_ = 	snop  }
0x18d: {  	[hbm4b:s3+s4] =	stream.indirect_vreg.scatter [tilespmem:s22], [sflag:$0x1], $0x80, v3, vm1, $0xb8;
	[tilespmem:$0x1D000] =	vst v63  }
0x18e: {  	p0 =	seq.s32 s23, $0x1  }
0x18f: {  	[hbm4b:s7+s4] =	stream.indirect_vreg.scatter [tilespmem:s29], [sflag:$0x1], $0x80, v3, vm1, $0xb8;
	[tilespmem:$0x1D000] =	vst v63  }
.Ltmp7:
0x190: {  	_ = 	snop;
	(pc) =	sbr.rel @!p0 .LBB2_16-.Ltmp7, $4  }
0x191: {  	_ = 	snop  }
0x192: {  	[hbm4b:s8+s4] =	stream.indirect_vreg.scatter [tilespmem:s30], [sflag:$0x1], $0x80, v3, vm1, $0xb8;
	[tilespmem:$0x1D000] =	vst v63  }
0x193: {  	s23 =	sadd.s32 $0xFFFFFFFF, s23;
	s26 =	sadd.s32 $0x80, s26  }
0x194: {  	[hbm4b:s9+s4] =	stream.indirect_vreg.scatter [tilespmem:s31], [sflag:$0x1], $0x80, v3, vm1, $0xb8;
	[tilespmem:$0x1D000] =	vst v63  }
.LBB2_7:
0x195: {  	s23 =	ssub.s32 $0x41F, s24;
	p0 =	sne.s32 s24, $0x41F;
	s24 =	simm.s32 $0x1  }
0x196: {  	s26 =	sshra.s32 s23, $0x1F;
	s24 =	simm.s32 @!p0 $0x0  }
0x197: {  	s29 =	sand.u32 $0x1F, s23;
	s24 =	sor.u32 s24, s26  }
0x198: {  	p1 =	sne.s32 s29, $0x0;
	p6 =	sne.s32 s24, $0x1  }
0x199: {  	s26 =	sshrl.u32 s26, $0x1B;
	p0 =	por !p1, !p6  }
0x19a: {  	s23 =	sadd.s32 s26, s23;
	s24 =	simm.s32 $0x1;
	p0 =	por !p0, !p0  }
0x19b: {  	s23 =	sshra.s32 s23, $0x5;
	s24 =	simm.s32 @!p0 $0x0  }
0x19c: {  	s0 =	simm.s32 $0x15000;
	s1 =	simm.s32 $0x15800;
	s24 =	ssub.s32 s23, s24  }
0x19d: {  	s2 =	simm.s32 $0x16000;
	s6 =	simm.s32 $0x16800;
	p0 =	sgt.s32 s24, $0x0  }
.Ltmp8:
0x19e: {  	s10 =	simm.s32 $0x17000;
	s11 =	simm.s32 $0x17800;
	(pc) =	sbr.rel @!p0 .LBB2_9-.Ltmp8, $4  }
0x19f: {  	s12 =	simm.s32 $0x18000;
	s17 =	simm.s32 $0x18800;
	s18 =	simm.s32 $0x19000  }
0x1a0: {  	s19 =	simm.s32 $0x19800;
	s20 =	simm.s32 $0x1A000;
	s21 =	simm.s32 $0x1A800  }
0x1a1: {  	s22 =	simm.s32 $0x1B000;
	s30 =	simm.s32 $0x1C000;
	s31 =	simm.s32 $0x1C800  }
0x1a2: {  	s29 =	simm.s32 $0x1B800;
	s26 =	simm.s32 $0x2C10;
	s23 =	smov.u32 s24  }
.LBB2_8:
0x1a3: {  	v3 =	vld [tilespmem:s26+$0xFFFFFFF0];
	_ =	sdelay $0x4  }
0x1a4: {  	v4 =	vshll.u32 v3, $0x3  }
0x1a5: {  	v3 =	vand.u32 $0x7, v3;
	v4 =	vand.u32 $0xFFFFFFC0, v4  }
0x1a6: {  	v62 =	vand.u32 $0x7, v0;
	v5 =	vshrl.u32 v0, $0x3;
	v3 =	vor.u32 v3, v4  }
0x1a7: {  	v5 =	vmul.u32 $0x8, v5;
	v6 =	vperm.xlane v3, v62;
	_ =	sdelay $0x1  }
0x1a8: {  	v6 =	vadd.s32 v5, v6;
	_ =	sdelay $0x3  }
0x1a9: {  	vm1 =	vmmov $0xffff  }
0x1aa: {  	v7 =	vor.u32 $0x8, v0;
	[hbm4b:s3+s4] =	stream.indirect_vreg.scatter [tilespmem:s0], [sflag:$0x1], $0x80, v6, vm1, $0xb8;
	[tilespmem:$0x1D000] =	vst v63  }
0x1ab: {  	v3 =	vperm.xlane v3, v7  }
0x1ac: {  	[hbm4b:s7+s4] =	stream.indirect_vreg.scatter [tilespmem:s1], [sflag:$0x1], $0x80, v6, vm1, $0xb8;
	[tilespmem:$0x1D000] =	vst v63  }
0x1ad: {  	v3 =	vadd.s32 v5, v3  }
0x1ae: {  	[hbm4b:s8+s4] =	stream.indirect_vreg.scatter [tilespmem:s2], [sflag:$0x1], $0x80, v6, vm1, $0xb8;
	[tilespmem:$0x1D000] =	vst v63  }
0x1af: {  	_ = 	snop  }
0x1b0: {  	[hbm4b:s9+s4] =	stream.indirect_vreg.scatter [tilespmem:s6], [sflag:$0x1], $0x80, v6, vm1, $0xb8;
	[tilespmem:$0x1D000] =	vst v63  }
0x1b1: {  	_ = 	snop  }
0x1b2: {  	[hbm4b:s3+s4] =	stream.indirect_vreg.scatter [tilespmem:s10], [sflag:$0x1], $0x80, v3, vm1, $0xb8;
	[tilespmem:$0x1D000] =	vst v63  }
0x1b3: {  	_ = 	snop  }
0x1b4: {  	[hbm4b:s7+s4] =	stream.indirect_vreg.scatter [tilespmem:s11], [sflag:$0x1], $0x80, v3, vm1, $0xb8;
	[tilespmem:$0x1D000] =	vst v63  }
0x1b5: {  	_ = 	snop  }
0x1b6: {  	[hbm4b:s8+s4] =	stream.indirect_vreg.scatter [tilespmem:s12], [sflag:$0x1], $0x80, v3, vm1, $0xb8;
	[tilespmem:$0x1D000] =	vst v63  }
0x1b7: {  	_ = 	snop  }
0x1b8: {  	[hbm4b:s9+s4] =	stream.indirect_vreg.scatter [tilespmem:s17], [sflag:$0x1], $0x80, v3, vm1, $0xb8;
	[tilespmem:$0x1D000] =	vst v63  }
0x1b9: {  	v3 =	vld [tilespmem:s26+$0x0];
	_ =	sdelay $0x4  }
0x1ba: {  	v63 =	vshll.u32 v3, $0x3  }
0x1bb: {  	v3 =	vand.u32 $0x7, v3;
	v6 =	vand.u32 $0xFFFFFFC0, v63  }
0x1bc: {  	v3 =	vor.u32 v3, v6  }
0x1bd: {  	v4 =	vperm.xlane v3, v62;
	_ =	sdelay $0x1  }
0x1be: {  	v4 =	vadd.s32 v5, v4;
	_ =	sdelay $0x4  }
0x1bf: {  	[hbm4b:s3+s4] =	stream.indirect_vreg.scatter [tilespmem:s18], [sflag:$0x1], $0x80, v4, vm1, $0xb8;
	[tilespmem:$0x1D000] =	vst v63  }
0x1c0: {  	v3 =	vperm.xlane v3, v7  }
0x1c1: {  	[hbm4b:s7+s4] =	stream.indirect_vreg.scatter [tilespmem:s19], [sflag:$0x1], $0x80, v4, vm1, $0xb8;
	[tilespmem:$0x1D000] =	vst v63  }
0x1c2: {  	v3 =	vadd.s32 v5, v3  }
0x1c3: {  	[hbm4b:s8+s4] =	stream.indirect_vreg.scatter [tilespmem:s20], [sflag:$0x1], $0x80, v4, vm1, $0xb8;
	[tilespmem:$0x1D000] =	vst v63  }
0x1c4: {  	_ = 	snop  }
0x1c5: {  	[hbm4b:s9+s4] =	stream.indirect_vreg.scatter [tilespmem:s21], [sflag:$0x1], $0x80, v4, vm1, $0xb8;
	[tilespmem:$0x1D000] =	vst v63  }
0x1c6: {  	_ = 	snop  }
0x1c7: {  	[hbm4b:s3+s4] =	stream.indirect_vreg.scatter [tilespmem:s22], [sflag:$0x1], $0x80, v3, vm1, $0xb8;
	[tilespmem:$0x1D000] =	vst v63  }
0x1c8: {  	p0 =	sne.s32 s23, $0x1  }
0x1c9: {  	[hbm4b:s7+s4] =	stream.indirect_vreg.scatter [tilespmem:s29], [sflag:$0x1], $0x80, v3, vm1, $0xb8;
	[tilespmem:$0x1D000] =	vst v63  }
.Ltmp9:
0x1ca: {  	_ = 	snop;
	(pc) =	sbr.rel @p0 .LBB2_8-.Ltmp9, $4  }
0x1cb: {  	_ = 	snop  }
0x1cc: {  	[hbm4b:s8+s4] =	stream.indirect_vreg.scatter [tilespmem:s30], [sflag:$0x1], $0x80, v3, vm1, $0xb8;
	[tilespmem:$0x1D000] =	vst v63  }
0x1cd: {  	s23 =	sadd.s32 $0xFFFFFFFF, s23;
	s26 =	sadd.s32 $0x80, s26  }
0x1ce: {  	[hbm4b:s9+s4] =	stream.indirect_vreg.scatter [tilespmem:s31], [sflag:$0x1], $0x80, v3, vm1, $0xb8;
	[tilespmem:$0x1D000] =	vst v63  }
.LBB2_9:
0x1cf: {  	s23 =	sadd.s32 s28, s25  }
0x1d0: {  	s23 =	sadd.s32 s24, s23  }
0x1d1: {  	p0 =	slt.s32 s23, $0x1  }
.Ltmp10:
0x1d2: {  	_ = 	snop;
	(pc) =	sbr.rel @p0 .LBB2_13-.Ltmp10, $2  }
0x1d3: {  	_ =	sdelay $0x2  }
0x1d4: {  	s29 =	simm.s32 $0x5000;
	s0 =	rddreg [dreg:$0x6];
	s24 =	simm.s32 $0x0  }
0x1d5: {  	s24 =	sadd.s32 $0x1, s24  }
0x1d6: {  	p0 =	slt.s32 s24, s23  }
.Ltmp11:
0x1d7: {  	_ = 	snop;
	(pc) =	sbr.rel @!p0 .LBB2_12-.Ltmp11, $3  }
0x1d8: {  	_ =	sdelay $0x1  }
0x1d9: {  	_ =	swait.ge [sflag:s16], $0x8000  }
0x1da: {  	[sflag:s16] =	ssyncset.done $0x0  }
.LBB2_11:
0x1db: {  	s24 =	sadd.s32 $0x1, s24  }
0x1dc: {  	[sflag:s16] =	ssyncadd.s32 $0xFFFF8000;
	p0 =	slt.s32 s24, s23  }
.Ltmp12:
0x1dd: {  	(pc) =	sbr.rel @p0 .LBB2_11-.Ltmp12, $3  }
0x1de: {  	_ =	sdelay $0x1  }
0x1df: {  	_ =	swait.ge [sflag:s16], $0x8000  }
0x1e0: {  	[sflag:s16] =	ssyncset.done $0x0  }
.Ltmp13:
0x1e1: {  	_ = 	snop;
	(pc) =	sbr.rel .LBB2_12-.Ltmp13, $1  }
0x1e2: {  	_ =	sdelay $0x3  }
.LBB2_14:
0x1e3: {  	_ =	sfence.sel $0x180000  }
0x1e4: {  	[bflag:$0x0] =	sbarrier.arrive $0xFFFF  }
0x1e5: {  	_ =	strace $0x90000047  }
0x1e6: {  	s0 =	stileid.u32;
	[bflag:$0x2] =	sbarrier.arrive $0xFFFF  }
0x1e7: {  	p0 =	sne.s32 s0, $0x0;
	s0 =	rddreg [dreg:$0x3]  }
0x1e8: {  	s0 =	sadd.s32 @!p0 $0x100000, s0  }
0x1e9: {  	[sflag:s0] =	ssyncadd.tile.s32 @!p0 $0x1;
	_ =	shalt  }
.Lfunc_end2:
_tile_overlayer_lowered:
.L_overlay_start_2:
0x1ea: {  	(tag) =	ssettag $0x2  }
0x1eb: {  	s0 =	rddreg [dreg:$0x0];
	s2 =	stileid.u32  }
0x1ec: {  	s1 =	rddreg [dreg:$0x1];
	p0 =	sne.s32 s2, $0x0  }
0x1ed: {  	s3 =	rddreg [dreg:$0x2];
	[bflag:$0x3] =	sbarrier.arrive $0xFFFF;
	s2 =	simm.s32 @!p0 $0x1C02  }
0x1ee: {  	[timem:s3], [sflag:s2] =	dma.local @!p0 [hbm:s0], s1  }
0x1ef: {  	s0 =	simm.s32 @!p0 $0x2  }
0x1f0: {  	_ =	swait.ge @!p0 [sflag:s0], s1  }
0x1f1: {  	s1 =	ssub.s32 @!p0 $0x0, s1;
	[sflag:s0] =	ssyncset.done @!p0 $0x0  }
0x1f2: {  	[sflag:s0] =	ssyncadd.s32 @!p0 s1  }
0x1f3: {  	[bflag:$0x3] =	sbarrier.arrive $0xFFFF  }
0x1f4: {  	_ =	shalt  }

</sc_bundles>
